<compile_context>
chip_gen: v7x
topology: tpu7x:2x2x1
jax: 0.10.2.dev20260603
libtpu: 0.0.44.dev20260713+nightly
codegen_flags: <defaults>
</compile_context>

<pallas_src>
import functools

import jax
import jax.numpy as jnp
from jax import lax
from jax.experimental import pallas as pl
from jax.experimental.pallas import tpu as pltpu
from jax.experimental.pallas import tpu_sc as plsc

N = 10000
NP_ = 10240
D = 128
E = 320000
A = 5
NEG = 0.01

NC = 2
NS = 16
NW = NC * NS
CH = 128
FULL = 80
NCHUNK = FULL * NW
EP = NCHUNK * CH
RPT = NP_ // NS
STG = 2
SGC = FULL // STG
NG = SGC // 2

_MESH = plsc.VectorSubcoreMesh(
    core_axis_name="c", subcore_axis_name="s", num_cores=NC, num_subcores=NS)



def _copy_idx_row(src_ref, row, dst_ref):
    for j in range(CH // 16):
        dst_ref[pl.ds(j * 16, 16)] = src_ref[row, pl.ds(j * 16, 16)]


@functools.partial(
    pl.kernel,
    out_type=jax.ShapeDtypeStruct((NC * 3 * NP_, D), jnp.float32),
    mesh=_MESH,
    scratch_types=[
        pltpu.VMEM_SHARED((NP_, D), jnp.float32),
        pltpu.VMEM((CH, D), jnp.float32),
        pltpu.VMEM((CH,), jnp.int32),
        pltpu.VMEM((CH,), jnp.int32),
        pltpu.SemaphoreType.DMA,
        pltpu.SemaphoreType.DMA,
    ],
)
def _sc_counts(c0, c1, c2, ones_hbm, zeros_hbm, out,
               acc, ones_v, cw0, cw1, ssem0, ssem1):
    cid = lax.axis_index("c")
    sid = lax.axis_index("s")
    wid = sid * NC + cid
    cols = (c0, c1, c2)
    cws = (cw0, cw1)
    ssems = (ssem0, ssem1)

    pltpu.sync_copy(ones_hbm, ones_v)

    def zero_acc():
        pltpu.sync_copy(zeros_hbm, acc.at[pl.ds(sid * RPT, RPT)])

    def drain(ssem):
        pltpu.make_async_copy(zeros_hbm.at[pl.ds(0, CH)],
                              acc.at[pl.ds(0, CH)], ssem).wait()

    zero_acc()
    plsc.subcore_barrier()

    for t in range(3):
        def body(gg, c, t=t):
            for h in range(2):
                base = pl.multiple_of(
                    (wid * FULL + gg * 2 + h) * CH, CH)
                pltpu.sync_copy(cols[t].at[pl.ds(base, CH)], cws[h])
            for h in range(2):
                pltpu.sync_copy(ones_v, acc.at[cws[h]], add=True)
            return c

        lax.fori_loop(0, FULL // 2, body, 0)

        plsc.subcore_barrier()
        dst = (cid * 3 + t) * NP_ + sid * RPT
        pltpu.sync_copy(acc.at[pl.ds(sid * RPT, RPT)],
                        out.at[pl.ds(dst, RPT)])
        if t < 2:
            plsc.subcore_barrier()
            zero_acc()
            plsc.subcore_barrier()


def _make_scatter(T):
    @functools.partial(
        pl.kernel,
        out_type=jax.ShapeDtypeStruct((NC * T * NP_, D), jnp.float32),
        mesh=_MESH,
        scratch_types=[
            pltpu.VMEM_SHARED((NP_, D), jnp.float32),
            pltpu.VMEM((CH, D), jnp.float32),
            pltpu.VMEM((CH, D), jnp.float32),
            pltpu.VMEM((CH,), jnp.int32),
            pltpu.VMEM((CH,), jnp.int32),
            pltpu.VMEM((CH,), jnp.int32),
            pltpu.VMEM((CH,), jnp.int32),
            pltpu.SemaphoreType.DMA,
            pltpu.SemaphoreType.DMA,
            pltpu.SemaphoreType.DMA,
        ],
    )
    def _sc_scatter(*refs):
        tbls = refs[:T]
        rows = refs[T:2 * T]
        cols = refs[2 * T:3 * T]
        zeros_hbm = refs[3 * T]
        out = refs[3 * T + 1]
        acc = refs[3 * T + 2]
        bufs = refs[3 * T + 3:3 * T + 5]
        rw0, rw1, cw0, cw1 = refs[3 * T + 5:3 * T + 9]
        gsem, isem0, isem1 = refs[3 * T + 9:]
        isems = (isem0, isem1)
        rws = (rw0, rw1)
        cws = (cw0, cw1)

        cid = lax.axis_index("c")
        sid = lax.axis_index("s")
        wid = sid * NC + cid

        def zero_acc():
            pltpu.sync_copy(zeros_hbm, acc.at[pl.ds(sid * RPT, RPT)])

        def drain(ssem):
            pltpu.make_async_copy(zeros_hbm.at[pl.ds(0, CH)],
                                  acc.at[pl.ds(0, CH)], ssem).wait()

        zero_acc()
        plsc.subcore_barrier()

        for t in range(T):
            def ebase(k):
                return pl.multiple_of((wid * FULL + k) * CH, CH)

            def fire_idx(k, h, t=t):
                pltpu.async_copy(rows[t].at[pl.ds(ebase(k), CH)],
                                 rws[h], isems[h])
                pltpu.async_copy(cols[t].at[pl.ds(ebase(k), CH)],
                                 cws[h], isems[h])

            def wait_idx(h, t=t):
                pltpu.make_async_copy(rows[t].at[pl.ds(ebase(0), CH)],
                                      rws[h], isems[h]).wait()
                pltpu.make_async_copy(cols[t].at[pl.ds(ebase(0), CH)],
                                      cws[h], isems[h]).wait()

            def fire_gather(h, t=t):
                pltpu.async_copy(tbls[t].at[rws[h]], bufs[h], gsem)

            def wait_gather(h, t=t):
                pltpu.make_async_copy(tbls[t].at[rws[h]], bufs[h],
                                      gsem).wait()

            fire_idx(0, 0)
            fire_idx(1, 1)
            wait_idx(0)
            fire_gather(0)

            def group(gg, c, t=t):
                for h in range(2):
                    k = gg * 2 + h

                    @pl.when(k < FULL - 1)
                    def _(h=h, k=k):
                        wait_idx(1 - h)
                        fire_gather(1 - h)

                    wait_gather(h)
                    pltpu.sync_copy(bufs[h], acc.at[cws[h]], add=True)

                    @pl.when(k < FULL - 2)
                    def _(h=h, k=k):
                        fire_idx(k + 2, h)
                return c

            lax.fori_loop(0, FULL // 2, group, 0)

            plsc.subcore_barrier()
            dst = (cid * T + t) * NP_ + sid * RPT
            pltpu.sync_copy(acc.at[pl.ds(sid * RPT, RPT)],
                            out.at[pl.ds(dst, RPT)])
            if t < T - 1:
                plsc.subcore_barrier()
                zero_acc()
                plsc.subcore_barrier()

    return _sc_scatter


_sc_scatter3 = _make_scatter(3)
_sc_scatter2 = _make_scatter(2)


BM = 1000


def _scales(cnt_ref):
    deg_pp = cnt_ref[0, 0, :, 0:1] + cnt_ref[1, 0, :, 0:1]
    cnt_qp = cnt_ref[0, 1, :, 0:1] + cnt_ref[1, 1, :, 0:1]
    deg_qq = cnt_ref[0, 2, :, 0:1] + cnt_ref[1, 2, :, 0:1]
    dinv_pp = jnp.where(deg_pp > 0, lax.rsqrt(jnp.maximum(deg_pp, 1e-12)), 0.0)
    dinv_qq = jnp.where(deg_qq > 0, lax.rsqrt(jnp.maximum(deg_qq, 1e-12)), 0.0)
    invc_qp = 1.0 / jnp.maximum(cnt_qp, 1.0)
    return dinv_pp, invc_qp, dinv_qq


def _lrelu(x):
    return jnp.where(x >= 0, x, NEG * x)


def _dot(a, b):
    return jnp.dot(a, b, preferred_element_type=jnp.float32)


def _tck_a_body(xp, xq, cnt, wpp, wl, wqq, wr, z_pp, z_qp, z_qq, xr):
    dinv_pp, _, dinv_qq = _scales(cnt)
    z_pp[...] = _dot(xp[...] * dinv_pp, wpp[...])
    z_qp[...] = _dot(xq[...], wl[...])
    z_qq[...] = _dot(xq[...] * dinv_qq, wqq[...])
    xr[...] = _dot(xp[...], wr[...])


def _tck_b_body(aggs, cnt, xr0, bpp, bs, bqq, wpp, wl, wr,
                z_pp1, z_qp1, xr1):
    dinv_pp, invc_qp, dinv_qq = _scales(cnt)
    a_pp = aggs[0, 0] + aggs[1, 0]
    a_qp = aggs[0, 1] + aggs[1, 1]
    a_qq = aggs[0, 2] + aggs[1, 2]
    p0 = _lrelu(dinv_pp * a_pp + bpp[...] + invc_qp * a_qp + bs[...] + xr0[...])
    q0 = _lrelu(dinv_qq * a_qq + bqq[...])
    z_pp1[...] = _dot(p0 * dinv_pp, wpp[...])
    z_qp1[...] = _dot(q0, wl[...])
    xr1[...] = _dot(p0, wr[...])


def _tck_c_body(aggs, cnt, xr1, bpp, bs, pw, pb, out):
    dinv_pp, invc_qp, _ = _scales(cnt)
    a_pp = aggs[0, 0] + aggs[1, 0]
    a_qp = aggs[0, 1] + aggs[1, 1]
    p1 = _lrelu(dinv_pp * a_pp + bpp[...] + invc_qp * a_qp + bs[...] + xr1[...])
    logits = _dot(p1, pw[...]) + pb[...]
    m = jnp.max(logits, axis=-1, keepdims=True)
    s = logits - m
    out[...] = s - jnp.log(jnp.sum(jnp.exp(s), axis=-1, keepdims=True))


def _row_block(nd_shape, idx_axis):
    shape = list(nd_shape)
    shape[idx_axis] = BM
    nd = len(shape)

    def imap(i):
        return tuple(i if a == idx_axis else 0 for a in range(nd))

    return pl.BlockSpec(tuple(shape), imap)


def _whole(shape):
    nd = len(shape)
    return pl.BlockSpec(shape, lambda i: (0,) * nd)


_f32 = jnp.float32
_GRID = N // BM

_tck_a = pl.pallas_call(
    _tck_a_body,
    grid=(_GRID,),
    in_specs=[
        _row_block((N, D), 0), _row_block((N, D), 0),
        _row_block((NC, 3, NP_, D), 2),
        _whole((D, D)), _whole((D, D)), _whole((D, D)), _whole((D, D)),
    ],
    out_specs=[_row_block((N, D), 0)] * 4,
    out_shape=[jax.ShapeDtypeStruct((N, D), _f32)] * 4,
)

_tck_b = pl.pallas_call(
    _tck_b_body,
    grid=(_GRID,),
    in_specs=[
        _row_block((NC, 3, NP_, D), 2),
        _row_block((NC, 3, NP_, D), 2),
        _row_block((N, D), 0),
        _whole((1, D)), _whole((1, D)), _whole((1, D)),
        _whole((D, D)), _whole((D, D)), _whole((D, D)),
    ],
    out_specs=[_row_block((N, D), 0)] * 3,
    out_shape=[jax.ShapeDtypeStruct((N, D), _f32)] * 3,
)

_tck_c = pl.pallas_call(
    _tck_c_body,
    grid=(_GRID,),
    in_specs=[
        _row_block((NC, 2, NP_, D), 2),
        _row_block((NC, 3, NP_, D), 2),
        _row_block((N, D), 0),
        _whole((1, D)), _whole((1, D)),
        _whole((D, A)), _whole((1, A)),
    ],
    out_specs=_row_block((N, A), 0),
    out_shape=jax.ShapeDtypeStruct((N, A), _f32),
)


def _pad_edges(ei):
    npad = EP - E
    pad_r = (jnp.arange(npad, dtype=jnp.int32) * 37) % N
    pad_c = N + (jnp.arange(npad, dtype=jnp.int32) % (NP_ - N))
    r = jnp.concatenate([ei[0], pad_r])
    c = jnp.concatenate([ei[1], pad_c])
    return r, c


def kernel(x_player, x_pellet, edge_index_pp, edge_index_qp, edge_index_qq,
           gcn_pp_W, gcn_pp_b, sage_Wl, sage_Wr, sage_b,
           gcn_qq_W, gcn_qq_b, post_W, post_b):
    r_pp, c_pp = _pad_edges(edge_index_pp)
    r_qp, c_qp = _pad_edges(edge_index_qp)
    r_qq, c_qq = _pad_edges(edge_index_qq)

    ones_rows = jnp.ones((CH, D), _f32)
    zeros_rows = jnp.zeros((RPT, D), _f32)

    cnt = _sc_counts(c_pp, c_qp, c_qq, ones_rows, zeros_rows)
    cnt = cnt.reshape(NC, 3, NP_, D)

    z_pp, z_qp, z_qq, xr0 = _tck_a(
        x_player, x_pellet, cnt,
        gcn_pp_W[0], sage_Wl[0], gcn_qq_W[0], sage_Wr[0])

    aggs0 = _sc_scatter3(z_pp, z_qp, z_qq,
                         r_pp, r_qp, r_qq,
                         c_pp, c_qp, c_qq,
                         zeros_rows).reshape(NC, 3, NP_, D)

    z_pp1, z_qp1, xr1 = _tck_b(
        aggs0, cnt, xr0,
        gcn_pp_b[0:1], sage_b[0:1], gcn_qq_b[0:1],
        gcn_pp_W[1], sage_Wl[1], sage_Wr[1])

    aggs1 = _sc_scatter2(z_pp1, z_qp1,
                         r_pp, r_qp,
                         c_pp, c_qp,
                         zeros_rows).reshape(NC, 2, NP_, D)

    return _tck_c(aggs1, cnt, xr1,
                  gcn_pp_b[1:2], sage_b[1:2],
                  post_W, post_b.reshape(1, A))

# --- scband reference (transcript-rebuilt; emitter-appended) ---
"""Pipeline reference for scband-hetero-gnn-32358283608584 (READ-ONLY COPY).

The authoritative reference and input builder live on the scoring server;
editing this copy changes nothing except your own understanding.
"""

import jax, jax.numpy as jnp
import numpy as np

NP = 10000
NQ = 10000
E = 320000
D = 128
H = 128
L = 2
A = 5
NEG_SLOPE = 0.01


def setup_inputs(seed: int = 0) -> dict:
    key = jax.random.key(seed)
    ks = jax.random.split(key, 16)
    s = 1.0 / np.sqrt(H)
    inp = {
        "x_player": jax.random.normal(ks[0], (NP, D), dtype=jnp.float32),
        "x_pellet": jax.random.normal(ks[1], (NQ, D), dtype=jnp.float32),
        "edge_index_pp": jax.random.randint(ks[2], (2, E), 0, NP, dtype=jnp.int32),
        "edge_index_qp": jax.random.randint(ks[3], (2, E), 0, NP, dtype=jnp.int32),
        "edge_index_qq": jax.random.randint(ks[4], (2, E), 0, NQ, dtype=jnp.int32),
        "gcn_pp_W": jax.random.normal(ks[5], (L, D, H), dtype=jnp.float32) * s,
        "gcn_pp_b": jnp.zeros((L, H), dtype=jnp.float32),
        "sage_Wl": jax.random.normal(ks[6], (L, D, H), dtype=jnp.float32) * s,
        "sage_Wr": jax.random.normal(ks[7], (L, D, H), dtype=jnp.float32) * s,
        "sage_b": jnp.zeros((L, H), dtype=jnp.float32),
        "gcn_qq_W": jax.random.normal(ks[8], (L, D, H), dtype=jnp.float32) * s,
        "gcn_qq_b": jnp.zeros((L, H), dtype=jnp.float32),
        "post_W": jax.random.normal(ks[9], (H, A), dtype=jnp.float32) * s,
        "post_b": jnp.zeros((A,), dtype=jnp.float32),
    }
    return inp


def _gcn(x, ei, W, b, n_dst):
    # PyG GCNConv(add_self_loops=False): xw = x @ W; gcn_norm from dst degree; scatter-add; + bias
    row, col = ei[0], ei[1]
    xw = x @ W
    deg = jnp.zeros((n_dst,), dtype=x.dtype).at[col].add(1.0)
    dinv = jnp.where(deg > 0, jax.lax.rsqrt(jnp.maximum(deg, 1e-12)), 0.0)
    norm = dinv[row] * dinv[col]
    out = jnp.zeros((n_dst, xw.shape[1]), dtype=x.dtype).at[col].add(xw[row] * norm[:, None])
    return out + b


def _sage(x_src, x_dst, ei, Wl, Wr, b, n_dst):
    # PyG SAGEConv bipartite, aggr='mean': lin_l(mean_j x_src_j) + lin_r(x_dst)
    row, col = ei[0], ei[1]
    s = jnp.zeros((n_dst, x_src.shape[1]), dtype=x_src.dtype).at[col].add(x_src[row])
    cnt = jnp.zeros((n_dst,), dtype=x_src.dtype).at[col].add(1.0)
    mean = s / jnp.maximum(cnt, 1.0)[:, None]
    return mean @ Wl + b + x_dst @ Wr


def _lrelu(x):
    return jnp.where(x >= 0, x, NEG_SLOPE * x)


def reference(x_player, x_pellet, edge_index_pp, edge_index_qp, edge_index_qq,
              gcn_pp_W, gcn_pp_b, sage_Wl, sage_Wr, sage_b,
              gcn_qq_W, gcn_qq_b, post_W, post_b):
    xp, xq = x_player, x_pellet
    for l in range(L):
        p_new = _gcn(xp, edge_index_pp, gcn_pp_W[l], gcn_pp_b[l], NP) \
              + _sage(xq, xp, edge_index_qp, sage_Wl[l], sage_Wr[l], sage_b[l], NP)
        q_new = _gcn(xq, edge_index_qq, gcn_qq_W[l], gcn_qq_b[l], NQ)
        xp = _lrelu(p_new)
        xq = _lrelu(q_new)
    logits = xp @ post_W + post_b
    return jax.nn.log_softmax(logits, axis=-1)

if __name__ == "__main__":
    import jax
    _d = setup_inputs()
    print(jax.jit(kernel)(*tuple(_d.values())))

</pallas_src>

<mosaic_0001>
#map = affine_map<(d0, d1) -> (0, 0)>
#map1 = affine_map<(d0, d1) -> (0)>
module attributes {stable_mosaic.version = 14 : i64} {
  func.func @_sc_scatter(%arg0: i32, %arg1: i32, %arg2: memref<10000x128xf32, #tpu.memory_space<hbm>>, %arg3: memref<10000x128xf32, #tpu.memory_space<hbm>>, %arg4: memref<10000x128xf32, #tpu.memory_space<hbm>>, %arg5: memref<327680xi32, #tpu.memory_space<hbm>>, %arg6: memref<327680xi32, #tpu.memory_space<hbm>>, %arg7: memref<327680xi32, #tpu.memory_space<hbm>>, %arg8: memref<327680xi32, #tpu.memory_space<hbm>>, %arg9: memref<327680xi32, #tpu.memory_space<hbm>>, %arg10: memref<327680xi32, #tpu.memory_space<hbm>>, %arg11: memref<640x128xf32, #tpu.memory_space<hbm>>, %arg12: memref<61440x128xf32, #tpu.memory_space<hbm>>, %arg13: memref<10240x128xf32, #tpu.memory_space<vmem_shared>>, %arg14: memref<128x128xf32, #tpu.memory_space<vmem>>, %arg15: memref<128x128xf32, #tpu.memory_space<vmem>>, %arg16: memref<128xi32, #tpu.memory_space<vmem>>, %arg17: memref<128xi32, #tpu.memory_space<vmem>>, %arg18: memref<128xi32, #tpu.memory_space<vmem>>, %arg19: memref<128xi32, #tpu.memory_space<vmem>>, %arg20: memref<!tpu.dma_semaphore, #tpu.memory_space<semaphore_mem>>, %arg21: memref<!tpu.dma_semaphore, #tpu.memory_space<semaphore_mem>>, %arg22: memref<!tpu.dma_semaphore, #tpu.memory_space<semaphore_mem>>) attributes {dimension_semantics = [#tpu.dimension_semantics<core_parallel>, #tpu.dimension_semantics<subcore_parallel>], iteration_bounds = array<i64: 2, 16>, scalar_prefetch = 0 : i64, scratch_operands = 10 : i64, tpu.core_type = #tpu.core_type<sc_vector_subcore>, window_params = [{transform_indices = #map}, {transform_indices = #map}, {transform_indices = #map}, {transform_indices = #map1}, {transform_indices = #map1}, {transform_indices = #map1}, {transform_indices = #map1}, {transform_indices = #map1}, {transform_indices = #map1}, {transform_indices = #map}, {transform_indices = #map}]} {
    %mul3A = arith.constant 2 : i32
    %mul3A_0 = arith.muli %arg1, %mul3A : i32
    %add3A = arith.addi %mul3A_0, %arg0 : i32
    %mul3A_1 = arith.constant 640 : i32
    %mul3A_2 = arith.muli %arg1, %mul3A_1 : i32
    "tpu.region"() ({
      %run_scoped3A = tpu.sem_alloc : memref<!tpu.dma_semaphore, #tpu.memory_space<semaphore_mem>>
      %dma_start3A_232 = arith.constant 0 : i32
      %dma_start3A_233 = tpu.memref_slice %arg13[%mul3A_2, %dma_start3A_232] : memref<10240x128xf32, #tpu.memory_space<vmem_shared>> -> memref<640x128xf32, #tpu.memory_space<vmem_shared>>
      tpu.enqueue_dma source(%arg11 : memref<640x128xf32, #tpu.memory_space<hbm>>) target(%dma_start3A_233 : memref<640x128xf32, #tpu.memory_space<vmem_shared>>) target_semaphore(%run_scoped3A : memref<!tpu.dma_semaphore, #tpu.memory_space<semaphore_mem>>)
      %dma_wait3A_234 = arith.constant 0 : i32
      %dma_wait3A_235 = tpu.memref_slice %arg13[%mul3A_2, %dma_wait3A_234] : memref<10240x128xf32, #tpu.memory_space<vmem_shared>> -> memref<640x128xf32, #tpu.memory_space<vmem_shared>>
      tpu.wait_dma2 semaphore(%run_scoped3A : memref<!tpu.dma_semaphore, #tpu.memory_space<semaphore_mem>>) src(%arg11 : memref<640x128xf32, #tpu.memory_space<hbm>>) dst(%dma_wait3A_235 : memref<640x128xf32, #tpu.memory_space<vmem_shared>>)
      tpu.yield
    }) : () -> ()
    %barrier3A = arith.constant 0 : index
    tpu.barrier barrier_id(%barrier3A)
    %mul3A_3 = arith.constant 80 : i32
    %mul3A_4 = arith.muli %add3A, %mul3A_3 : i32
    %add3A_5 = arith.constant 0 : i32
    %add3A_6 = arith.addi %mul3A_4, %add3A_5 : i32
    %mul3A_7 = arith.constant 128 : i32
    %mul3A_8 = arith.muli %add3A_6, %mul3A_7 : i32
    %multiple_of3A = tpu.assume_multiple %mul3A_8, 128 : i32
    %dma_start3A = tpu.memref_slice %arg5[%multiple_of3A] : memref<327680xi32, #tpu.memory_space<hbm>> -> memref<128xi32, #tpu.memory_space<hbm>>
    %dma_start3A_9 = tpu.memref_slice %arg5[%multiple_of3A] : memref<327680xi32, #tpu.memory_space<hbm>> -> memref<128xi32, #tpu.memory_space<hbm>>
    tpu.enqueue_dma source(%dma_start3A_9 : memref<128xi32, #tpu.memory_space<hbm>>) target(%arg16 : memref<128xi32, #tpu.memory_space<vmem>>) target_semaphore(%arg21 : memref<!tpu.dma_semaphore, #tpu.memory_space<semaphore_mem>>)
    %mul3A_10 = arith.constant 80 : i32
    %mul3A_11 = arith.muli %add3A, %mul3A_10 : i32
    %add3A_12 = arith.constant 0 : i32
    %add3A_13 = arith.addi %mul3A_11, %add3A_12 : i32
    %mul3A_14 = arith.constant 128 : i32
    %mul3A_15 = arith.muli %add3A_13, %mul3A_14 : i32
    %multiple_of3A_16 = tpu.assume_multiple %mul3A_15, 128 : i32
    %dma_start3A_17 = tpu.memref_slice %arg8[%multiple_of3A_16] : memref<327680xi32, #tpu.memory_space<hbm>> -> memref<128xi32, #tpu.memory_space<hbm>>
    %dma_start3A_18 = tpu.memref_slice %arg8[%multiple_of3A_16] : memref<327680xi32, #tpu.memory_space<hbm>> -> memref<128xi32, #tpu.memory_space<hbm>>
    tpu.enqueue_dma source(%dma_start3A_18 : memref<128xi32, #tpu.memory_space<hbm>>) target(%arg18 : memref<128xi32, #tpu.memory_space<vmem>>) target_semaphore(%arg21 : memref<!tpu.dma_semaphore, #tpu.memory_space<semaphore_mem>>)
    %mul3A_19 = arith.constant 80 : i32
    %mul3A_20 = arith.muli %add3A, %mul3A_19 : i32
    %add3A_21 = arith.constant 1 : i32
    %add3A_22 = arith.addi %mul3A_20, %add3A_21 : i32
    %mul3A_23 = arith.constant 128 : i32
    %mul3A_24 = arith.muli %add3A_22, %mul3A_23 : i32
    %multiple_of3A_25 = tpu.assume_multiple %mul3A_24, 128 : i32
    %dma_start3A_26 = tpu.memref_slice %arg5[%multiple_of3A_25] : memref<327680xi32, #tpu.memory_space<hbm>> -> memref<128xi32, #tpu.memory_space<hbm>>
    %dma_start3A_27 = tpu.memref_slice %arg5[%multiple_of3A_25] : memref<327680xi32, #tpu.memory_space<hbm>> -> memref<128xi32, #tpu.memory_space<hbm>>
    tpu.enqueue_dma source(%dma_start3A_27 : memref<128xi32, #tpu.memory_space<hbm>>) target(%arg17 : memref<128xi32, #tpu.memory_space<vmem>>) target_semaphore(%arg22 : memref<!tpu.dma_semaphore, #tpu.memory_space<semaphore_mem>>)
    %mul3A_28 = arith.constant 80 : i32
    %mul3A_29 = arith.muli %add3A, %mul3A_28 : i32
    %add3A_30 = arith.constant 1 : i32
    %add3A_31 = arith.addi %mul3A_29, %add3A_30 : i32
    %mul3A_32 = arith.constant 128 : i32
    %mul3A_33 = arith.muli %add3A_31, %mul3A_32 : i32
    %multiple_of3A_34 = tpu.assume_multiple %mul3A_33, 128 : i32
    %dma_start3A_35 = tpu.memref_slice %arg8[%multiple_of3A_34] : memref<327680xi32, #tpu.memory_space<hbm>> -> memref<128xi32, #tpu.memory_space<hbm>>
    %dma_start3A_36 = tpu.memref_slice %arg8[%multiple_of3A_34] : memref<327680xi32, #tpu.memory_space<hbm>> -> memref<128xi32, #tpu.memory_space<hbm>>
    tpu.enqueue_dma source(%dma_start3A_36 : memref<128xi32, #tpu.memory_space<hbm>>) target(%arg19 : memref<128xi32, #tpu.memory_space<vmem>>) target_semaphore(%arg22 : memref<!tpu.dma_semaphore, #tpu.memory_space<semaphore_mem>>)
    %mul3A_37 = arith.constant 80 : i32
    %mul3A_38 = arith.muli %add3A, %mul3A_37 : i32
    %add3A_39 = arith.constant 0 : i32
    %add3A_40 = arith.addi %mul3A_38, %add3A_39 : i32
    %mul3A_41 = arith.constant 128 : i32
    %mul3A_42 = arith.muli %add3A_40, %mul3A_41 : i32
    %multiple_of3A_43 = tpu.assume_multiple %mul3A_42, 128 : i32
    %dma_wait3A = tpu.memref_slice %arg5[%multiple_of3A_43] : memref<327680xi32, #tpu.memory_space<hbm>> -> memref<128xi32, #tpu.memory_space<hbm>>
    %dma_wait3A_44 = tpu.memref_slice %arg5[%multiple_of3A_43] : memref<327680xi32, #tpu.memory_space<hbm>> -> memref<128xi32, #tpu.memory_space<hbm>>
    tpu.wait_dma2 semaphore(%arg21 : memref<!tpu.dma_semaphore, #tpu.memory_space<semaphore_mem>>) src(%dma_wait3A_44 : memref<128xi32, #tpu.memory_space<hbm>>) dst(%arg16 : memref<128xi32, #tpu.memory_space<vmem>>)
    %mul3A_45 = arith.constant 80 : i32
    %mul3A_46 = arith.muli %add3A, %mul3A_45 : i32
    %add3A_47 = arith.constant 0 : i32
    %add3A_48 = arith.addi %mul3A_46, %add3A_47 : i32
    %mul3A_49 = arith.constant 128 : i32
    %mul3A_50 = arith.muli %add3A_48, %mul3A_49 : i32
    %multiple_of3A_51 = tpu.assume_multiple %mul3A_50, 128 : i32
    %dma_wait3A_52 = tpu.memref_slice %arg8[%multiple_of3A_51] : memref<327680xi32, #tpu.memory_space<hbm>> -> memref<128xi32, #tpu.memory_space<hbm>>
    %dma_wait3A_53 = tpu.memref_slice %arg8[%multiple_of3A_51] : memref<327680xi32, #tpu.memory_space<hbm>> -> memref<128xi32, #tpu.memory_space<hbm>>
    tpu.wait_dma2 semaphore(%arg21 : memref<!tpu.dma_semaphore, #tpu.memory_space<semaphore_mem>>) src(%dma_wait3A_53 : memref<128xi32, #tpu.memory_space<hbm>>) dst(%arg18 : memref<128xi32, #tpu.memory_space<vmem>>)
    %dma_start3A_54 = arith.constant 0 : i32
    %dma_start3A_55 = arith.constant 0 : i32
    %dma_start3A_56 = tpu.memref_slice %arg2[%dma_start3A_54, %dma_start3A_55] : memref<10000x128xf32, #tpu.memory_space<hbm>> -> memref<10000x128xf32, #tpu.memory_space<hbm>>
    tpu.enqueue_indirect_dma source(%dma_start3A_56 : memref<10000x128xf32, #tpu.memory_space<hbm>>) target(%arg14 : memref<128x128xf32, #tpu.memory_space<vmem>>) offsets(%arg16 : memref<128xi32, #tpu.memory_space<vmem>>) semaphore(%arg20 : memref<!tpu.dma_semaphore, #tpu.memory_space<semaphore_mem>>)
    %scan3A = arith.constant 0 : i32
    %scan3A_57 = arith.constant 0 : i32
    %scan3A_58 = arith.constant 40 : i32
    %scan3A_59 = arith.addi %scan3A_57, %scan3A_58 : i32
    %scan3A_60 = arith.constant 1 : i32
    scf.for %scan3A_232 = %scan3A_57 to %scan3A_59 step %scan3A_60  : i32 {
      %mul3A_233 = arith.constant 2 : i32
      %mul3A_234 = arith.muli %scan3A_232, %mul3A_233 : i32
      %add3A_235 = arith.constant 0 : i32
      %add3A_236 = arith.addi %mul3A_234, %add3A_235 : i32
      %lt3A = arith.constant 79 : i32
      %lt3A_237 = arith.cmpi slt, %add3A_236, %lt3A : i32
      %convert_element_type3A = arith.extui %lt3A_237 : i1 to i32
      %cond3A = arith.constant 0 : i32
      %cond3A_238 = arith.cmpi ne, %convert_element_type3A, %cond3A : i32
      scf.if %cond3A_238 {
        %mul3A_264 = arith.constant 80 : i32
        %mul3A_265 = arith.muli %add3A, %mul3A_264 : i32
        %add3A_266 = arith.constant 0 : i32
        %add3A_267 = arith.addi %mul3A_265, %add3A_266 : i32
        %mul3A_268 = arith.constant 128 : i32
        %mul3A_269 = arith.muli %add3A_267, %mul3A_268 : i32
        %multiple_of3A_270 = tpu.assume_multiple %mul3A_269, 128 : i32
        %dma_wait3A_271 = tpu.memref_slice %arg5[%multiple_of3A_270] : memref<327680xi32, #tpu.memory_space<hbm>> -> memref<128xi32, #tpu.memory_space<hbm>>
        %dma_wait3A_272 = tpu.memref_slice %arg5[%multiple_of3A_270] : memref<327680xi32, #tpu.memory_space<hbm>> -> memref<128xi32, #tpu.memory_space<hbm>>
        tpu.wait_dma2 semaphore(%arg22 : memref<!tpu.dma_semaphore, #tpu.memory_space<semaphore_mem>>) src(%dma_wait3A_272 : memref<128xi32, #tpu.memory_space<hbm>>) dst(%arg17 : memref<128xi32, #tpu.memory_space<vmem>>)
        %mul3A_273 = arith.constant 80 : i32
        %mul3A_274 = arith.muli %add3A, %mul3A_273 : i32
        %add3A_275 = arith.constant 0 : i32
        %add3A_276 = arith.addi %mul3A_274, %add3A_275 : i32
        %mul3A_277 = arith.constant 128 : i32
        %mul3A_278 = arith.muli %add3A_276, %mul3A_277 : i32
        %multiple_of3A_279 = tpu.assume_multiple %mul3A_278, 128 : i32
        %dma_wait3A_280 = tpu.memref_slice %arg8[%multiple_of3A_279] : memref<327680xi32, #tpu.memory_space<hbm>> -> memref<128xi32, #tpu.memory_space<hbm>>
        %dma_wait3A_281 = tpu.memref_slice %arg8[%multiple_of3A_279] : memref<327680xi32, #tpu.memory_space<hbm>> -> memref<128xi32, #tpu.memory_space<hbm>>
        tpu.wait_dma2 semaphore(%arg22 : memref<!tpu.dma_semaphore, #tpu.memory_space<semaphore_mem>>) src(%dma_wait3A_281 : memref<128xi32, #tpu.memory_space<hbm>>) dst(%arg19 : memref<128xi32, #tpu.memory_space<vmem>>)
        %dma_start3A_282 = arith.constant 0 : i32
        %dma_start3A_283 = arith.constant 0 : i32
        %dma_start3A_284 = tpu.memref_slice %arg2[%dma_start3A_282, %dma_start3A_283] : memref<10000x128xf32, #tpu.memory_space<hbm>> -> memref<10000x128xf32, #tpu.memory_space<hbm>>
        tpu.enqueue_indirect_dma source(%dma_start3A_284 : memref<10000x128xf32, #tpu.memory_space<hbm>>) target(%arg15 : memref<128x128xf32, #tpu.memory_space<vmem>>) offsets(%arg17 : memref<128xi32, #tpu.memory_space<vmem>>) semaphore(%arg20 : memref<!tpu.dma_semaphore, #tpu.memory_space<semaphore_mem>>)
      } else {
      }
      %dma_wait3A_239 = arith.constant 0 : i32
      %dma_wait3A_240 = arith.constant 0 : i32
      %dma_wait3A_241 = tpu.memref_slice %arg2[%dma_wait3A_239, %dma_wait3A_240] : memref<10000x128xf32, #tpu.memory_space<hbm>> -> memref<10000x128xf32, #tpu.memory_space<hbm>>
      tpu.wait_indirect_dma semaphore(%arg20 : memref<!tpu.dma_semaphore, #tpu.memory_space<semaphore_mem>>) src(%dma_wait3A_241 : memref<10000x128xf32, #tpu.memory_space<hbm>>) dst(%arg14 : memref<128x128xf32, #tpu.memory_space<vmem>>)
      "tpu.region"() ({
        %run_scoped3A = tpu.sem_alloc : memref<!tpu.dma_semaphore, #tpu.memory_space<semaphore_mem>>
        %dma_start3A_264 = arith.constant 0 : i32
        %dma_start3A_265 = arith.constant 0 : i32
        %dma_start3A_266 = tpu.memref_slice %arg13[%dma_start3A_264, %dma_start3A_265] : memref<10240x128xf32, #tpu.memory_space<vmem_shared>> -> memref<10240x128xf32, #tpu.memory_space<vmem_shared>>
        tpu.enqueue_indirect_dma source(%arg14 : memref<128x128xf32, #tpu.memory_space<vmem>>) target(%dma_start3A_266 : memref<10240x128xf32, #tpu.memory_space<vmem_shared>>) offsets(%arg18 : memref<128xi32, #tpu.memory_space<vmem>>) semaphore(%run_scoped3A : memref<!tpu.dma_semaphore, #tpu.memory_space<semaphore_mem>>) {add = true}
        %dma_wait3A_267 = arith.constant 0 : i32
        %dma_wait3A_268 = arith.constant 0 : i32
        %dma_wait3A_269 = tpu.memref_slice %arg13[%dma_wait3A_267, %dma_wait3A_268] : memref<10240x128xf32, #tpu.memory_space<vmem_shared>> -> memref<10240x128xf32, #tpu.memory_space<vmem_shared>>
        tpu.wait_indirect_dma semaphore(%run_scoped3A : memref<!tpu.dma_semaphore, #tpu.memory_space<semaphore_mem>>) src(%arg14 : memref<128x128xf32, #tpu.memory_space<vmem>>) dst(%dma_wait3A_269 : memref<10240x128xf32, #tpu.memory_space<vmem_shared>>)
        tpu.yield
      }) : () -> ()
      %lt3A_242 = arith.constant 78 : i32
      %lt3A_243 = arith.cmpi slt, %add3A_236, %lt3A_242 : i32
      %convert_element_type3A_244 = arith.extui %lt3A_243 : i1 to i32
      %cond3A_245 = arith.constant 0 : i32
      %cond3A_246 = arith.cmpi ne, %convert_element_type3A_244, %cond3A_245 : i32
      scf.if %cond3A_246 {
        %add3A_264 = arith.constant 2 : i32
        %add3A_265 = arith.addi %add3A_236, %add3A_264 : i32
        %mul3A_266 = arith.constant 80 : i32
        %mul3A_267 = arith.muli %add3A, %mul3A_266 : i32
        %add3A_268 = arith.addi %mul3A_267, %add3A_265 : i32
        %mul3A_269 = arith.constant 128 : i32
        %mul3A_270 = arith.muli %add3A_268, %mul3A_269 : i32
        %multiple_of3A_271 = tpu.assume_multiple %mul3A_270, 128 : i32
        %dma_start3A_272 = tpu.memref_slice %arg5[%multiple_of3A_271] : memref<327680xi32, #tpu.memory_space<hbm>> -> memref<128xi32, #tpu.memory_space<hbm>>
        %dma_start3A_273 = tpu.memref_slice %arg5[%multiple_of3A_271] : memref<327680xi32, #tpu.memory_space<hbm>> -> memref<128xi32, #tpu.memory_space<hbm>>
        tpu.enqueue_dma source(%dma_start3A_273 : memref<128xi32, #tpu.memory_space<hbm>>) target(%arg16 : memref<128xi32, #tpu.memory_space<vmem>>) target_semaphore(%arg21 : memref<!tpu.dma_semaphore, #tpu.memory_space<semaphore_mem>>)
        %mul3A_274 = arith.constant 80 : i32
        %mul3A_275 = arith.muli %add3A, %mul3A_274 : i32
        %add3A_276 = arith.addi %mul3A_275, %add3A_265 : i32
        %mul3A_277 = arith.constant 128 : i32
        %mul3A_278 = arith.muli %add3A_276, %mul3A_277 : i32
        %multiple_of3A_279 = tpu.assume_multiple %mul3A_278, 128 : i32
        %dma_start3A_280 = tpu.memref_slice %arg8[%multiple_of3A_279] : memref<327680xi32, #tpu.memory_space<hbm>> -> memref<128xi32, #tpu.memory_space<hbm>>
        %dma_start3A_281 = tpu.memref_slice %arg8[%multiple_of3A_279] : memref<327680xi32, #tpu.memory_space<hbm>> -> memref<128xi32, #tpu.memory_space<hbm>>
        tpu.enqueue_dma source(%dma_start3A_281 : memref<128xi32, #tpu.memory_space<hbm>>) target(%arg18 : memref<128xi32, #tpu.memory_space<vmem>>) target_semaphore(%arg21 : memref<!tpu.dma_semaphore, #tpu.memory_space<semaphore_mem>>)
      } else {
      }
      %mul3A_247 = arith.constant 2 : i32
      %mul3A_248 = arith.muli %scan3A_232, %mul3A_247 : i32
      %add3A_249 = arith.constant 1 : i32
      %add3A_250 = arith.addi %mul3A_248, %add3A_249 : i32
      %lt3A_251 = arith.constant 79 : i32
      %lt3A_252 = arith.cmpi slt, %add3A_250, %lt3A_251 : i32
      %convert_element_type3A_253 = arith.extui %lt3A_252 : i1 to i32
      %cond3A_254 = arith.constant 0 : i32
      %cond3A_255 = arith.cmpi ne, %convert_element_type3A_253, %cond3A_254 : i32
      scf.if %cond3A_255 {
        %mul3A_264 = arith.constant 80 : i32
        %mul3A_265 = arith.muli %add3A, %mul3A_264 : i32
        %add3A_266 = arith.constant 0 : i32
        %add3A_267 = arith.addi %mul3A_265, %add3A_266 : i32
        %mul3A_268 = arith.constant 128 : i32
        %mul3A_269 = arith.muli %add3A_267, %mul3A_268 : i32
        %multiple_of3A_270 = tpu.assume_multiple %mul3A_269, 128 : i32
        %dma_wait3A_271 = tpu.memref_slice %arg5[%multiple_of3A_270] : memref<327680xi32, #tpu.memory_space<hbm>> -> memref<128xi32, #tpu.memory_space<hbm>>
        %dma_wait3A_272 = tpu.memref_slice %arg5[%multiple_of3A_270] : memref<327680xi32, #tpu.memory_space<hbm>> -> memref<128xi32, #tpu.memory_space<hbm>>
        tpu.wait_dma2 semaphore(%arg21 : memref<!tpu.dma_semaphore, #tpu.memory_space<semaphore_mem>>) src(%dma_wait3A_272 : memref<128xi32, #tpu.memory_space<hbm>>) dst(%arg16 : memref<128xi32, #tpu.memory_space<vmem>>)
        %mul3A_273 = arith.constant 80 : i32
        %mul3A_274 = arith.muli %add3A, %mul3A_273 : i32
        %add3A_275 = arith.constant 0 : i32
        %add3A_276 = arith.addi %mul3A_274, %add3A_275 : i32
        %mul3A_277 = arith.constant 128 : i32
        %mul3A_278 = arith.muli %add3A_276, %mul3A_277 : i32
        %multiple_of3A_279 = tpu.assume_multiple %mul3A_278, 128 : i32
        %dma_wait3A_280 = tpu.memref_slice %arg8[%multiple_of3A_279] : memref<327680xi32, #tpu.memory_space<hbm>> -> memref<128xi32, #tpu.memory_space<hbm>>
        %dma_wait3A_281 = tpu.memref_slice %arg8[%multiple_of3A_279] : memref<327680xi32, #tpu.memory_space<hbm>> -> memref<128xi32, #tpu.memory_space<hbm>>
        tpu.wait_dma2 semaphore(%arg21 : memref<!tpu.dma_semaphore, #tpu.memory_space<semaphore_mem>>) src(%dma_wait3A_281 : memref<128xi32, #tpu.memory_space<hbm>>) dst(%arg18 : memref<128xi32, #tpu.memory_space<vmem>>)
        %dma_start3A_282 = arith.constant 0 : i32
        %dma_start3A_283 = arith.constant 0 : i32
        %dma_start3A_284 = tpu.memref_slice %arg2[%dma_start3A_282, %dma_start3A_283] : memref<10000x128xf32, #tpu.memory_space<hbm>> -> memref<10000x128xf32, #tpu.memory_space<hbm>>
        tpu.enqueue_indirect_dma source(%dma_start3A_284 : memref<10000x128xf32, #tpu.memory_space<hbm>>) target(%arg14 : memref<128x128xf32, #tpu.memory_space<vmem>>) offsets(%arg16 : memref<128xi32, #tpu.memory_space<vmem>>) semaphore(%arg20 : memref<!tpu.dma_semaphore, #tpu.memory_space<semaphore_mem>>)
      } else {
      }
      %dma_wait3A_256 = arith.constant 0 : i32
      %dma_wait3A_257 = arith.constant 0 : i32
      %dma_wait3A_258 = tpu.memref_slice %arg2[%dma_wait3A_256, %dma_wait3A_257] : memref<10000x128xf32, #tpu.memory_space<hbm>> -> memref<10000x128xf32, #tpu.memory_space<hbm>>
      tpu.wait_indirect_dma semaphore(%arg20 : memref<!tpu.dma_semaphore, #tpu.memory_space<semaphore_mem>>) src(%dma_wait3A_258 : memref<10000x128xf32, #tpu.memory_space<hbm>>) dst(%arg15 : memref<128x128xf32, #tpu.memory_space<vmem>>)
      "tpu.region"() ({
        %run_scoped3A = tpu.sem_alloc : memref<!tpu.dma_semaphore, #tpu.memory_space<semaphore_mem>>
        %dma_start3A_264 = arith.constant 0 : i32
        %dma_start3A_265 = arith.constant 0 : i32
        %dma_start3A_266 = tpu.memref_slice %arg13[%dma_start3A_264, %dma_start3A_265] : memref<10240x128xf32, #tpu.memory_space<vmem_shared>> -> memref<10240x128xf32, #tpu.memory_space<vmem_shared>>
        tpu.enqueue_indirect_dma source(%arg15 : memref<128x128xf32, #tpu.memory_space<vmem>>) target(%dma_start3A_266 : memref<10240x128xf32, #tpu.memory_space<vmem_shared>>) offsets(%arg19 : memref<128xi32, #tpu.memory_space<vmem>>) semaphore(%run_scoped3A : memref<!tpu.dma_semaphore, #tpu.memory_space<semaphore_mem>>) {add = true}
        %dma_wait3A_267 = arith.constant 0 : i32
        %dma_wait3A_268 = arith.constant 0 : i32
        %dma_wait3A_269 = tpu.memref_slice %arg13[%dma_wait3A_267, %dma_wait3A_268] : memref<10240x128xf32, #tpu.memory_space<vmem_shared>> -> memref<10240x128xf32, #tpu.memory_space<vmem_shared>>
        tpu.wait_indirect_dma semaphore(%run_scoped3A : memref<!tpu.dma_semaphore, #tpu.memory_space<semaphore_mem>>) src(%arg15 : memref<128x128xf32, #tpu.memory_space<vmem>>) dst(%dma_wait3A_269 : memref<10240x128xf32, #tpu.memory_space<vmem_shared>>)
        tpu.yield
      }) : () -> ()
      %lt3A_259 = arith.constant 78 : i32
      %lt3A_260 = arith.cmpi slt, %add3A_250, %lt3A_259 : i32
      %convert_element_type3A_261 = arith.extui %lt3A_260 : i1 to i32
      %cond3A_262 = arith.constant 0 : i32
      %cond3A_263 = arith.cmpi ne, %convert_element_type3A_261, %cond3A_262 : i32
      scf.if %cond3A_263 {
        %add3A_264 = arith.constant 2 : i32
        %add3A_265 = arith.addi %add3A_250, %add3A_264 : i32
        %mul3A_266 = arith.constant 80 : i32
        %mul3A_267 = arith.muli %add3A, %mul3A_266 : i32
        %add3A_268 = arith.addi %mul3A_267, %add3A_265 : i32
        %mul3A_269 = arith.constant 128 : i32
        %mul3A_270 = arith.muli %add3A_268, %mul3A_269 : i32
        %multiple_of3A_271 = tpu.assume_multiple %mul3A_270, 128 : i32
        %dma_start3A_272 = tpu.memref_slice %arg5[%multiple_of3A_271] : memref<327680xi32, #tpu.memory_space<hbm>> -> memref<128xi32, #tpu.memory_space<hbm>>
        %dma_start3A_273 = tpu.memref_slice %arg5[%multiple_of3A_271] : memref<327680xi32, #tpu.memory_space<hbm>> -> memref<128xi32, #tpu.memory_space<hbm>>
        tpu.enqueue_dma source(%dma_start3A_273 : memref<128xi32, #tpu.memory_space<hbm>>) target(%arg17 : memref<128xi32, #tpu.memory_space<vmem>>) target_semaphore(%arg22 : memref<!tpu.dma_semaphore, #tpu.memory_space<semaphore_mem>>)
        %mul3A_274 = arith.constant 80 : i32
        %mul3A_275 = arith.muli %add3A, %mul3A_274 : i32
        %add3A_276 = arith.addi %mul3A_275, %add3A_265 : i32
        %mul3A_277 = arith.constant 128 : i32
        %mul3A_278 = arith.muli %add3A_276, %mul3A_277 : i32
        %multiple_of3A_279 = tpu.assume_multiple %mul3A_278, 128 : i32
        %dma_start3A_280 = tpu.memref_slice %arg8[%multiple_of3A_279] : memref<327680xi32, #tpu.memory_space<hbm>> -> memref<128xi32, #tpu.memory_space<hbm>>
        %dma_start3A_281 = tpu.memref_slice %arg8[%multiple_of3A_279] : memref<327680xi32, #tpu.memory_space<hbm>> -> memref<128xi32, #tpu.memory_space<hbm>>
        tpu.enqueue_dma source(%dma_start3A_281 : memref<128xi32, #tpu.memory_space<hbm>>) target(%arg19 : memref<128xi32, #tpu.memory_space<vmem>>) target_semaphore(%arg22 : memref<!tpu.dma_semaphore, #tpu.memory_space<semaphore_mem>>)
      } else {
      }
    }
    %scan3A_61 = arith.constant 40 : i32
    %barrier3A_62 = arith.constant 0 : index
    tpu.barrier barrier_id(%barrier3A_62)
    %mul3A_63 = arith.constant 3 : i32
    %mul3A_64 = arith.muli %arg0, %mul3A_63 : i32
    %add3A_65 = arith.constant 0 : i32
    %add3A_66 = arith.addi %mul3A_64, %add3A_65 : i32
    %mul3A_67 = arith.constant 10240 : i32
    %mul3A_68 = arith.muli %add3A_66, %mul3A_67 : i32
    %mul3A_69 = arith.constant 640 : i32
    %mul3A_70 = arith.muli %arg1, %mul3A_69 : i32
    %add3A_71 = arith.addi %mul3A_68, %mul3A_70 : i32
    %mul3A_72 = arith.constant 640 : i32
    %mul3A_73 = arith.muli %arg1, %mul3A_72 : i32
    "tpu.region"() ({
      %run_scoped3A = tpu.sem_alloc : memref<!tpu.dma_semaphore, #tpu.memory_space<semaphore_mem>>
      %dma_start3A_232 = arith.constant 0 : i32
      %dma_start3A_233 = tpu.memref_slice %arg12[%add3A_71, %dma_start3A_232] : memref<61440x128xf32, #tpu.memory_space<hbm>> -> memref<640x128xf32, #tpu.memory_space<hbm>>
      %dma_start3A_234 = arith.constant 0 : i32
      %dma_start3A_235 = tpu.memref_slice %arg13[%mul3A_73, %dma_start3A_234] : memref<10240x128xf32, #tpu.memory_space<vmem_shared>> -> memref<640x128xf32, #tpu.memory_space<vmem_shared>>
      tpu.enqueue_dma source(%dma_start3A_235 : memref<640x128xf32, #tpu.memory_space<vmem_shared>>) target(%dma_start3A_233 : memref<640x128xf32, #tpu.memory_space<hbm>>) target_semaphore(%run_scoped3A : memref<!tpu.dma_semaphore, #tpu.memory_space<semaphore_mem>>)
      %dma_wait3A_236 = arith.constant 0 : i32
      %dma_wait3A_237 = tpu.memref_slice %arg12[%add3A_71, %dma_wait3A_236] : memref<61440x128xf32, #tpu.memory_space<hbm>> -> memref<640x128xf32, #tpu.memory_space<hbm>>
      %dma_wait3A_238 = arith.constant 0 : i32
      %dma_wait3A_239 = tpu.memref_slice %arg13[%mul3A_73, %dma_wait3A_238] : memref<10240x128xf32, #tpu.memory_space<vmem_shared>> -> memref<640x128xf32, #tpu.memory_space<vmem_shared>>
      tpu.wait_dma2 semaphore(%run_scoped3A : memref<!tpu.dma_semaphore, #tpu.memory_space<semaphore_mem>>) src(%dma_wait3A_239 : memref<640x128xf32, #tpu.memory_space<vmem_shared>>) dst(%dma_wait3A_237 : memref<640x128xf32, #tpu.memory_space<hbm>>)
      tpu.yield
    }) : () -> ()
    %barrier3A_74 = arith.constant 0 : index
    tpu.barrier barrier_id(%barrier3A_74)
    %mul3A_75 = arith.constant 640 : i32
    %mul3A_76 = arith.muli %arg1, %mul3A_75 : i32
    "tpu.region"() ({
      %run_scoped3A = tpu.sem_alloc : memref<!tpu.dma_semaphore, #tpu.memory_space<semaphore_mem>>
      %dma_start3A_232 = arith.constant 0 : i32
      %dma_start3A_233 = tpu.memref_slice %arg13[%mul3A_76, %dma_start3A_232] : memref<10240x128xf32, #tpu.memory_space<vmem_shared>> -> memref<640x128xf32, #tpu.memory_space<vmem_shared>>
      tpu.enqueue_dma source(%arg11 : memref<640x128xf32, #tpu.memory_space<hbm>>) target(%dma_start3A_233 : memref<640x128xf32, #tpu.memory_space<vmem_shared>>) target_semaphore(%run_scoped3A : memref<!tpu.dma_semaphore, #tpu.memory_space<semaphore_mem>>)
      %dma_wait3A_234 = arith.constant 0 : i32
      %dma_wait3A_235 = tpu.memref_slice %arg13[%mul3A_76, %dma_wait3A_234] : memref<10240x128xf32, #tpu.memory_space<vmem_shared>> -> memref<640x128xf32, #tpu.memory_space<vmem_shared>>
      tpu.wait_dma2 semaphore(%run_scoped3A : memref<!tpu.dma_semaphore, #tpu.memory_space<semaphore_mem>>) src(%arg11 : memref<640x128xf32, #tpu.memory_space<hbm>>) dst(%dma_wait3A_235 : memref<640x128xf32, #tpu.memory_space<vmem_shared>>)
      tpu.yield
    }) : () -> ()
    %barrier3A_77 = arith.constant 0 : index
    tpu.barrier barrier_id(%barrier3A_77)
    %mul3A_78 = arith.constant 80 : i32
    %mul3A_79 = arith.muli %add3A, %mul3A_78 : i32
    %add3A_80 = arith.constant 0 : i32
    %add3A_81 = arith.addi %mul3A_79, %add3A_80 : i32
    %mul3A_82 = arith.constant 128 : i32
    %mul3A_83 = arith.muli %add3A_81, %mul3A_82 : i32
    %multiple_of3A_84 = tpu.assume_multiple %mul3A_83, 128 : i32
    %dma_start3A_85 = tpu.memref_slice %arg6[%multiple_of3A_84] : memref<327680xi32, #tpu.memory_space<hbm>> -> memref<128xi32, #tpu.memory_space<hbm>>
    %dma_start3A_86 = tpu.memref_slice %arg6[%multiple_of3A_84] : memref<327680xi32, #tpu.memory_space<hbm>> -> memref<128xi32, #tpu.memory_space<hbm>>
    tpu.enqueue_dma source(%dma_start3A_86 : memref<128xi32, #tpu.memory_space<hbm>>) target(%arg16 : memref<128xi32, #tpu.memory_space<vmem>>) target_semaphore(%arg21 : memref<!tpu.dma_semaphore, #tpu.memory_space<semaphore_mem>>)
    %mul3A_87 = arith.constant 80 : i32
    %mul3A_88 = arith.muli %add3A, %mul3A_87 : i32
    %add3A_89 = arith.constant 0 : i32
    %add3A_90 = arith.addi %mul3A_88, %add3A_89 : i32
    %mul3A_91 = arith.constant 128 : i32
    %mul3A_92 = arith.muli %add3A_90, %mul3A_91 : i32
    %multiple_of3A_93 = tpu.assume_multiple %mul3A_92, 128 : i32
    %dma_start3A_94 = tpu.memref_slice %arg9[%multiple_of3A_93] : memref<327680xi32, #tpu.memory_space<hbm>> -> memref<128xi32, #tpu.memory_space<hbm>>
    %dma_start3A_95 = tpu.memref_slice %arg9[%multiple_of3A_93] : memref<327680xi32, #tpu.memory_space<hbm>> -> memref<128xi32, #tpu.memory_space<hbm>>
    tpu.enqueue_dma source(%dma_start3A_95 : memref<128xi32, #tpu.memory_space<hbm>>) target(%arg18 : memref<128xi32, #tpu.memory_space<vmem>>) target_semaphore(%arg21 : memref<!tpu.dma_semaphore, #tpu.memory_space<semaphore_mem>>)
    %mul3A_96 = arith.constant 80 : i32
    %mul3A_97 = arith.muli %add3A, %mul3A_96 : i32
    %add3A_98 = arith.constant 1 : i32
    %add3A_99 = arith.addi %mul3A_97, %add3A_98 : i32
    %mul3A_100 = arith.constant 128 : i32
    %mul3A_101 = arith.muli %add3A_99, %mul3A_100 : i32
    %multiple_of3A_102 = tpu.assume_multiple %mul3A_101, 128 : i32
    %dma_start3A_103 = tpu.memref_slice %arg6[%multiple_of3A_102] : memref<327680xi32, #tpu.memory_space<hbm>> -> memref<128xi32, #tpu.memory_space<hbm>>
    %dma_start3A_104 = tpu.memref_slice %arg6[%multiple_of3A_102] : memref<327680xi32, #tpu.memory_space<hbm>> -> memref<128xi32, #tpu.memory_space<hbm>>
    tpu.enqueue_dma source(%dma_start3A_104 : memref<128xi32, #tpu.memory_space<hbm>>) target(%arg17 : memref<128xi32, #tpu.memory_space<vmem>>) target_semaphore(%arg22 : memref<!tpu.dma_semaphore, #tpu.memory_space<semaphore_mem>>)
    %mul3A_105 = arith.constant 80 : i32
    %mul3A_106 = arith.muli %add3A, %mul3A_105 : i32
    %add3A_107 = arith.constant 1 : i32
    %add3A_108 = arith.addi %mul3A_106, %add3A_107 : i32
    %mul3A_109 = arith.constant 128 : i32
    %mul3A_110 = arith.muli %add3A_108, %mul3A_109 : i32
    %multiple_of3A_111 = tpu.assume_multiple %mul3A_110, 128 : i32
    %dma_start3A_112 = tpu.memref_slice %arg9[%multiple_of3A_111] : memref<327680xi32, #tpu.memory_space<hbm>> -> memref<128xi32, #tpu.memory_space<hbm>>
    %dma_start3A_113 = tpu.memref_slice %arg9[%multiple_of3A_111] : memref<327680xi32, #tpu.memory_space<hbm>> -> memref<128xi32, #tpu.memory_space<hbm>>
    tpu.enqueue_dma source(%dma_start3A_113 : memref<128xi32, #tpu.memory_space<hbm>>) target(%arg19 : memref<128xi32, #tpu.memory_space<vmem>>) target_semaphore(%arg22 : memref<!tpu.dma_semaphore, #tpu.memory_space<semaphore_mem>>)
    %mul3A_114 = arith.constant 80 : i32
    %mul3A_115 = arith.muli %add3A, %mul3A_114 : i32
    %add3A_116 = arith.constant 0 : i32
    %add3A_117 = arith.addi %mul3A_115, %add3A_116 : i32
    %mul3A_118 = arith.constant 128 : i32
    %mul3A_119 = arith.muli %add3A_117, %mul3A_118 : i32
    %multiple_of3A_120 = tpu.assume_multiple %mul3A_119, 128 : i32
    %dma_wait3A_121 = tpu.memref_slice %arg6[%multiple_of3A_120] : memref<327680xi32, #tpu.memory_space<hbm>> -> memref<128xi32, #tpu.memory_space<hbm>>
    %dma_wait3A_122 = tpu.memref_slice %arg6[%multiple_of3A_120] : memref<327680xi32, #tpu.memory_space<hbm>> -> memref<128xi32, #tpu.memory_space<hbm>>
    tpu.wait_dma2 semaphore(%arg21 : memref<!tpu.dma_semaphore, #tpu.memory_space<semaphore_mem>>) src(%dma_wait3A_122 : memref<128xi32, #tpu.memory_space<hbm>>) dst(%arg16 : memref<128xi32, #tpu.memory_space<vmem>>)
    %mul3A_123 = arith.constant 80 : i32
    %mul3A_124 = arith.muli %add3A, %mul3A_123 : i32
    %add3A_125 = arith.constant 0 : i32
    %add3A_126 = arith.addi %mul3A_124, %add3A_125 : i32
    %mul3A_127 = arith.constant 128 : i32
    %mul3A_128 = arith.muli %add3A_126, %mul3A_127 : i32
    %multiple_of3A_129 = tpu.assume_multiple %mul3A_128, 128 : i32
    %dma_wait3A_130 = tpu.memref_slice %arg9[%multiple_of3A_129] : memref<327680xi32, #tpu.memory_space<hbm>> -> memref<128xi32, #tpu.memory_space<hbm>>
    %dma_wait3A_131 = tpu.memref_slice %arg9[%multiple_of3A_129] : memref<327680xi32, #tpu.memory_space<hbm>> -> memref<128xi32, #tpu.memory_space<hbm>>
    tpu.wait_dma2 semaphore(%arg21 : memref<!tpu.dma_semaphore, #tpu.memory_space<semaphore_mem>>) src(%dma_wait3A_131 : memref<128xi32, #tpu.memory_space<hbm>>) dst(%arg18 : memref<128xi32, #tpu.memory_space<vmem>>)
    %dma_start3A_132 = arith.constant 0 : i32
    %dma_start3A_133 = arith.constant 0 : i32
    %dma_start3A_134 = tpu.memref_slice %arg3[%dma_start3A_132, %dma_start3A_133] : memref<10000x128xf32, #tpu.memory_space<hbm>> -> memref<10000x128xf32, #tpu.memory_space<hbm>>
    tpu.enqueue_indirect_dma source(%dma_start3A_134 : memref<10000x128xf32, #tpu.memory_space<hbm>>) target(%arg14 : memref<128x128xf32, #tpu.memory_space<vmem>>) offsets(%arg16 : memref<128xi32, #tpu.memory_space<vmem>>) semaphore(%arg20 : memref<!tpu.dma_semaphore, #tpu.memory_space<semaphore_mem>>)
    %scan3A_135 = arith.constant 0 : i32
    %scan3A_136 = arith.constant 0 : i32
    %scan3A_137 = arith.constant 40 : i32
    %scan3A_138 = arith.addi %scan3A_136, %scan3A_137 : i32
    %scan3A_139 = arith.constant 1 : i32
    scf.for %scan3A_232 = %scan3A_136 to %scan3A_138 step %scan3A_139  : i32 {
      %mul3A_233 = arith.constant 2 : i32
      %mul3A_234 = arith.muli %scan3A_232, %mul3A_233 : i32
      %add3A_235 = arith.constant 0 : i32
      %add3A_236 = arith.addi %mul3A_234, %add3A_235 : i32
      %lt3A = arith.constant 79 : i32
      %lt3A_237 = arith.cmpi slt, %add3A_236, %lt3A : i32
      %convert_element_type3A = arith.extui %lt3A_237 : i1 to i32
      %cond3A = arith.constant 0 : i32
      %cond3A_238 = arith.cmpi ne, %convert_element_type3A, %cond3A : i32
      scf.if %cond3A_238 {
        %mul3A_264 = arith.constant 80 : i32
        %mul3A_265 = arith.muli %add3A, %mul3A_264 : i32
        %add3A_266 = arith.constant 0 : i32
        %add3A_267 = arith.addi %mul3A_265, %add3A_266 : i32
        %mul3A_268 = arith.constant 128 : i32
        %mul3A_269 = arith.muli %add3A_267, %mul3A_268 : i32
        %multiple_of3A_270 = tpu.assume_multiple %mul3A_269, 128 : i32
        %dma_wait3A_271 = tpu.memref_slice %arg6[%multiple_of3A_270] : memref<327680xi32, #tpu.memory_space<hbm>> -> memref<128xi32, #tpu.memory_space<hbm>>
        %dma_wait3A_272 = tpu.memref_slice %arg6[%multiple_of3A_270] : memref<327680xi32, #tpu.memory_space<hbm>> -> memref<128xi32, #tpu.memory_space<hbm>>
        tpu.wait_dma2 semaphore(%arg22 : memref<!tpu.dma_semaphore, #tpu.memory_space<semaphore_mem>>) src(%dma_wait3A_272 : memref<128xi32, #tpu.memory_space<hbm>>) dst(%arg17 : memref<128xi32, #tpu.memory_space<vmem>>)
        %mul3A_273 = arith.constant 80 : i32
        %mul3A_274 = arith.muli %add3A, %mul3A_273 : i32
        %add3A_275 = arith.constant 0 : i32
        %add3A_276 = arith.addi %mul3A_274, %add3A_275 : i32
        %mul3A_277 = arith.constant 128 : i32
        %mul3A_278 = arith.muli %add3A_276, %mul3A_277 : i32
        %multiple_of3A_279 = tpu.assume_multiple %mul3A_278, 128 : i32
        %dma_wait3A_280 = tpu.memref_slice %arg9[%multiple_of3A_279] : memref<327680xi32, #tpu.memory_space<hbm>> -> memref<128xi32, #tpu.memory_space<hbm>>
        %dma_wait3A_281 = tpu.memref_slice %arg9[%multiple_of3A_279] : memref<327680xi32, #tpu.memory_space<hbm>> -> memref<128xi32, #tpu.memory_space<hbm>>
        tpu.wait_dma2 semaphore(%arg22 : memref<!tpu.dma_semaphore, #tpu.memory_space<semaphore_mem>>) src(%dma_wait3A_281 : memref<128xi32, #tpu.memory_space<hbm>>) dst(%arg19 : memref<128xi32, #tpu.memory_space<vmem>>)
        %dma_start3A_282 = arith.constant 0 : i32
        %dma_start3A_283 = arith.constant 0 : i32
        %dma_start3A_284 = tpu.memref_slice %arg3[%dma_start3A_282, %dma_start3A_283] : memref<10000x128xf32, #tpu.memory_space<hbm>> -> memref<10000x128xf32, #tpu.memory_space<hbm>>
        tpu.enqueue_indirect_dma source(%dma_start3A_284 : memref<10000x128xf32, #tpu.memory_space<hbm>>) target(%arg15 : memref<128x128xf32, #tpu.memory_space<vmem>>) offsets(%arg17 : memref<128xi32, #tpu.memory_space<vmem>>) semaphore(%arg20 : memref<!tpu.dma_semaphore, #tpu.memory_space<semaphore_mem>>)
      } else {
      }
      %dma_wait3A_239 = arith.constant 0 : i32
      %dma_wait3A_240 = arith.constant 0 : i32
      %dma_wait3A_241 = tpu.memref_slice %arg3[%dma_wait3A_239, %dma_wait3A_240] : memref<10000x128xf32, #tpu.memory_space<hbm>> -> memref<10000x128xf32, #tpu.memory_space<hbm>>
      tpu.wait_indirect_dma semaphore(%arg20 : memref<!tpu.dma_semaphore, #tpu.memory_space<semaphore_mem>>) src(%dma_wait3A_241 : memref<10000x128xf32, #tpu.memory_space<hbm>>) dst(%arg14 : memref<128x128xf32, #tpu.memory_space<vmem>>)
      "tpu.region"() ({
        %run_scoped3A = tpu.sem_alloc : memref<!tpu.dma_semaphore, #tpu.memory_space<semaphore_mem>>
        %dma_start3A_264 = arith.constant 0 : i32
        %dma_start3A_265 = arith.constant 0 : i32
        %dma_start3A_266 = tpu.memref_slice %arg13[%dma_start3A_264, %dma_start3A_265] : memref<10240x128xf32, #tpu.memory_space<vmem_shared>> -> memref<10240x128xf32, #tpu.memory_space<vmem_shared>>
        tpu.enqueue_indirect_dma source(%arg14 : memref<128x128xf32, #tpu.memory_space<vmem>>) target(%dma_start3A_266 : memref<10240x128xf32, #tpu.memory_space<vmem_shared>>) offsets(%arg18 : memref<128xi32, #tpu.memory_space<vmem>>) semaphore(%run_scoped3A : memref<!tpu.dma_semaphore, #tpu.memory_space<semaphore_mem>>) {add = true}
        %dma_wait3A_267 = arith.constant 0 : i32
        %dma_wait3A_268 = arith.constant 0 : i32
        %dma_wait3A_269 = tpu.memref_slice %arg13[%dma_wait3A_267, %dma_wait3A_268] : memref<10240x128xf32, #tpu.memory_space<vmem_shared>> -> memref<10240x128xf32, #tpu.memory_space<vmem_shared>>
        tpu.wait_indirect_dma semaphore(%run_scoped3A : memref<!tpu.dma_semaphore, #tpu.memory_space<semaphore_mem>>) src(%arg14 : memref<128x128xf32, #tpu.memory_space<vmem>>) dst(%dma_wait3A_269 : memref<10240x128xf32, #tpu.memory_space<vmem_shared>>)
        tpu.yield
      }) : () -> ()
      %lt3A_242 = arith.constant 78 : i32
      %lt3A_243 = arith.cmpi slt, %add3A_236, %lt3A_242 : i32
      %convert_element_type3A_244 = arith.extui %lt3A_243 : i1 to i32
      %cond3A_245 = arith.constant 0 : i32
      %cond3A_246 = arith.cmpi ne, %convert_element_type3A_244, %cond3A_245 : i32
      scf.if %cond3A_246 {
        %add3A_264 = arith.constant 2 : i32
        %add3A_265 = arith.addi %add3A_236, %add3A_264 : i32
        %mul3A_266 = arith.constant 80 : i32
        %mul3A_267 = arith.muli %add3A, %mul3A_266 : i32
        %add3A_268 = arith.addi %mul3A_267, %add3A_265 : i32
        %mul3A_269 = arith.constant 128 : i32
        %mul3A_270 = arith.muli %add3A_268, %mul3A_269 : i32
        %multiple_of3A_271 = tpu.assume_multiple %mul3A_270, 128 : i32
        %dma_start3A_272 = tpu.memref_slice %arg6[%multiple_of3A_271] : memref<327680xi32, #tpu.memory_space<hbm>> -> memref<128xi32, #tpu.memory_space<hbm>>
        %dma_start3A_273 = tpu.memref_slice %arg6[%multiple_of3A_271] : memref<327680xi32, #tpu.memory_space<hbm>> -> memref<128xi32, #tpu.memory_space<hbm>>
        tpu.enqueue_dma source(%dma_start3A_273 : memref<128xi32, #tpu.memory_space<hbm>>) target(%arg16 : memref<128xi32, #tpu.memory_space<vmem>>) target_semaphore(%arg21 : memref<!tpu.dma_semaphore, #tpu.memory_space<semaphore_mem>>)
        %mul3A_274 = arith.constant 80 : i32
        %mul3A_275 = arith.muli %add3A, %mul3A_274 : i32
        %add3A_276 = arith.addi %mul3A_275, %add3A_265 : i32
        %mul3A_277 = arith.constant 128 : i32
        %mul3A_278 = arith.muli %add3A_276, %mul3A_277 : i32
        %multiple_of3A_279 = tpu.assume_multiple %mul3A_278, 128 : i32
        %dma_start3A_280 = tpu.memref_slice %arg9[%multiple_of3A_279] : memref<327680xi32, #tpu.memory_space<hbm>> -> memref<128xi32, #tpu.memory_space<hbm>>
        %dma_start3A_281 = tpu.memref_slice %arg9[%multiple_of3A_279] : memref<327680xi32, #tpu.memory_space<hbm>> -> memref<128xi32, #tpu.memory_space<hbm>>
        tpu.enqueue_dma source(%dma_start3A_281 : memref<128xi32, #tpu.memory_space<hbm>>) target(%arg18 : memref<128xi32, #tpu.memory_space<vmem>>) target_semaphore(%arg21 : memref<!tpu.dma_semaphore, #tpu.memory_space<semaphore_mem>>)
      } else {
      }
      %mul3A_247 = arith.constant 2 : i32
      %mul3A_248 = arith.muli %scan3A_232, %mul3A_247 : i32
      %add3A_249 = arith.constant 1 : i32
      %add3A_250 = arith.addi %mul3A_248, %add3A_249 : i32
      %lt3A_251 = arith.constant 79 : i32
      %lt3A_252 = arith.cmpi slt, %add3A_250, %lt3A_251 : i32
      %convert_element_type3A_253 = arith.extui %lt3A_252 : i1 to i32
      %cond3A_254 = arith.constant 0 : i32
      %cond3A_255 = arith.cmpi ne, %convert_element_type3A_253, %cond3A_254 : i32
      scf.if %cond3A_255 {
        %mul3A_264 = arith.constant 80 : i32
        %mul3A_265 = arith.muli %add3A, %mul3A_264 : i32
        %add3A_266 = arith.constant 0 : i32
        %add3A_267 = arith.addi %mul3A_265, %add3A_266 : i32
        %mul3A_268 = arith.constant 128 : i32
        %mul3A_269 = arith.muli %add3A_267, %mul3A_268 : i32
        %multiple_of3A_270 = tpu.assume_multiple %mul3A_269, 128 : i32
        %dma_wait3A_271 = tpu.memref_slice %arg6[%multiple_of3A_270] : memref<327680xi32, #tpu.memory_space<hbm>> -> memref<128xi32, #tpu.memory_space<hbm>>
        %dma_wait3A_272 = tpu.memref_slice %arg6[%multiple_of3A_270] : memref<327680xi32, #tpu.memory_space<hbm>> -> memref<128xi32, #tpu.memory_space<hbm>>
        tpu.wait_dma2 semaphore(%arg21 : memref<!tpu.dma_semaphore, #tpu.memory_space<semaphore_mem>>) src(%dma_wait3A_272 : memref<128xi32, #tpu.memory_space<hbm>>) dst(%arg16 : memref<128xi32, #tpu.memory_space<vmem>>)
        %mul3A_273 = arith.constant 80 : i32
        %mul3A_274 = arith.muli %add3A, %mul3A_273 : i32
        %add3A_275 = arith.constant 0 : i32
        %add3A_276 = arith.addi %mul3A_274, %add3A_275 : i32
        %mul3A_277 = arith.constant 128 : i32
        %mul3A_278 = arith.muli %add3A_276, %mul3A_277 : i32
        %multiple_of3A_279 = tpu.assume_multiple %mul3A_278, 128 : i32
        %dma_wait3A_280 = tpu.memref_slice %arg9[%multiple_of3A_279] : memref<327680xi32, #tpu.memory_space<hbm>> -> memref<128xi32, #tpu.memory_space<hbm>>
        %dma_wait3A_281 = tpu.memref_slice %arg9[%multiple_of3A_279] : memref<327680xi32, #tpu.memory_space<hbm>> -> memref<128xi32, #tpu.memory_space<hbm>>
        tpu.wait_dma2 semaphore(%arg21 : memref<!tpu.dma_semaphore, #tpu.memory_space<semaphore_mem>>) src(%dma_wait3A_281 : memref<128xi32, #tpu.memory_space<hbm>>) dst(%arg18 : memref<128xi32, #tpu.memory_space<vmem>>)
        %dma_start3A_282 = arith.constant 0 : i32
        %dma_start3A_283 = arith.constant 0 : i32
        %dma_start3A_284 = tpu.memref_slice %arg3[%dma_start3A_282, %dma_start3A_283] : memref<10000x128xf32, #tpu.memory_space<hbm>> -> memref<10000x128xf32, #tpu.memory_space<hbm>>
        tpu.enqueue_indirect_dma source(%dma_start3A_284 : memref<10000x128xf32, #tpu.memory_space<hbm>>) target(%arg14 : memref<128x128xf32, #tpu.memory_space<vmem>>) offsets(%arg16 : memref<128xi32, #tpu.memory_space<vmem>>) semaphore(%arg20 : memref<!tpu.dma_semaphore, #tpu.memory_space<semaphore_mem>>)
      } else {
      }
      %dma_wait3A_256 = arith.constant 0 : i32
      %dma_wait3A_257 = arith.constant 0 : i32
      %dma_wait3A_258 = tpu.memref_slice %arg3[%dma_wait3A_256, %dma_wait3A_257] : memref<10000x128xf32, #tpu.memory_space<hbm>> -> memref<10000x128xf32, #tpu.memory_space<hbm>>
      tpu.wait_indirect_dma semaphore(%arg20 : memref<!tpu.dma_semaphore, #tpu.memory_space<semaphore_mem>>) src(%dma_wait3A_258 : memref<10000x128xf32, #tpu.memory_space<hbm>>) dst(%arg15 : memref<128x128xf32, #tpu.memory_space<vmem>>)
      "tpu.region"() ({
        %run_scoped3A = tpu.sem_alloc : memref<!tpu.dma_semaphore, #tpu.memory_space<semaphore_mem>>
        %dma_start3A_264 = arith.constant 0 : i32
        %dma_start3A_265 = arith.constant 0 : i32
        %dma_start3A_266 = tpu.memref_slice %arg13[%dma_start3A_264, %dma_start3A_265] : memref<10240x128xf32, #tpu.memory_space<vmem_shared>> -> memref<10240x128xf32, #tpu.memory_space<vmem_shared>>
        tpu.enqueue_indirect_dma source(%arg15 : memref<128x128xf32, #tpu.memory_space<vmem>>) target(%dma_start3A_266 : memref<10240x128xf32, #tpu.memory_space<vmem_shared>>) offsets(%arg19 : memref<128xi32, #tpu.memory_space<vmem>>) semaphore(%run_scoped3A : memref<!tpu.dma_semaphore, #tpu.memory_space<semaphore_mem>>) {add = true}
        %dma_wait3A_267 = arith.constant 0 : i32
        %dma_wait3A_268 = arith.constant 0 : i32
        %dma_wait3A_269 = tpu.memref_slice %arg13[%dma_wait3A_267, %dma_wait3A_268] : memref<10240x128xf32, #tpu.memory_space<vmem_shared>> -> memref<10240x128xf32, #tpu.memory_space<vmem_shared>>
        tpu.wait_indirect_dma semaphore(%run_scoped3A : memref<!tpu.dma_semaphore, #tpu.memory_space<semaphore_mem>>) src(%arg15 : memref<128x128xf32, #tpu.memory_space<vmem>>) dst(%dma_wait3A_269 : memref<10240x128xf32, #tpu.memory_space<vmem_shared>>)
        tpu.yield
      }) : () -> ()
      %lt3A_259 = arith.constant 78 : i32
      %lt3A_260 = arith.cmpi slt, %add3A_250, %lt3A_259 : i32
      %convert_element_type3A_261 = arith.extui %lt3A_260 : i1 to i32
      %cond3A_262 = arith.constant 0 : i32
      %cond3A_263 = arith.cmpi ne, %convert_element_type3A_261, %cond3A_262 : i32
      scf.if %cond3A_263 {
        %add3A_264 = arith.constant 2 : i32
        %add3A_265 = arith.addi %add3A_250, %add3A_264 : i32
        %mul3A_266 = arith.constant 80 : i32
        %mul3A_267 = arith.muli %add3A, %mul3A_266 : i32
        %add3A_268 = arith.addi %mul3A_267, %add3A_265 : i32
        %mul3A_269 = arith.constant 128 : i32
        %mul3A_270 = arith.muli %add3A_268, %mul3A_269 : i32
        %multiple_of3A_271 = tpu.assume_multiple %mul3A_270, 128 : i32
        %dma_start3A_272 = tpu.memref_slice %arg6[%multiple_of3A_271] : memref<327680xi32, #tpu.memory_space<hbm>> -> memref<128xi32, #tpu.memory_space<hbm>>
        %dma_start3A_273 = tpu.memref_slice %arg6[%multiple_of3A_271] : memref<327680xi32, #tpu.memory_space<hbm>> -> memref<128xi32, #tpu.memory_space<hbm>>
        tpu.enqueue_dma source(%dma_start3A_273 : memref<128xi32, #tpu.memory_space<hbm>>) target(%arg17 : memref<128xi32, #tpu.memory_space<vmem>>) target_semaphore(%arg22 : memref<!tpu.dma_semaphore, #tpu.memory_space<semaphore_mem>>)
        %mul3A_274 = arith.constant 80 : i32
        %mul3A_275 = arith.muli %add3A, %mul3A_274 : i32
        %add3A_276 = arith.addi %mul3A_275, %add3A_265 : i32
        %mul3A_277 = arith.constant 128 : i32
        %mul3A_278 = arith.muli %add3A_276, %mul3A_277 : i32
        %multiple_of3A_279 = tpu.assume_multiple %mul3A_278, 128 : i32
        %dma_start3A_280 = tpu.memref_slice %arg9[%multiple_of3A_279] : memref<327680xi32, #tpu.memory_space<hbm>> -> memref<128xi32, #tpu.memory_space<hbm>>
        %dma_start3A_281 = tpu.memref_slice %arg9[%multiple_of3A_279] : memref<327680xi32, #tpu.memory_space<hbm>> -> memref<128xi32, #tpu.memory_space<hbm>>
        tpu.enqueue_dma source(%dma_start3A_281 : memref<128xi32, #tpu.memory_space<hbm>>) target(%arg19 : memref<128xi32, #tpu.memory_space<vmem>>) target_semaphore(%arg22 : memref<!tpu.dma_semaphore, #tpu.memory_space<semaphore_mem>>)
      } else {
      }
    }
    %scan3A_140 = arith.constant 40 : i32
    %barrier3A_141 = arith.constant 0 : index
    tpu.barrier barrier_id(%barrier3A_141)
    %mul3A_142 = arith.constant 3 : i32
    %mul3A_143 = arith.muli %arg0, %mul3A_142 : i32
    %add3A_144 = arith.constant 1 : i32
    %add3A_145 = arith.addi %mul3A_143, %add3A_144 : i32
    %mul3A_146 = arith.constant 10240 : i32
    %mul3A_147 = arith.muli %add3A_145, %mul3A_146 : i32
    %mul3A_148 = arith.constant 640 : i32
    %mul3A_149 = arith.muli %arg1, %mul3A_148 : i32
    %add3A_150 = arith.addi %mul3A_147, %mul3A_149 : i32
    %mul3A_151 = arith.constant 640 : i32
    %mul3A_152 = arith.muli %arg1, %mul3A_151 : i32
    "tpu.region"() ({
      %run_scoped3A = tpu.sem_alloc : memref<!tpu.dma_semaphore, #tpu.memory_space<semaphore_mem>>
      %dma_start3A_232 = arith.constant 0 : i32
      %dma_start3A_233 = tpu.memref_slice %arg12[%add3A_150, %dma_start3A_232] : memref<61440x128xf32, #tpu.memory_space<hbm>> -> memref<640x128xf32, #tpu.memory_space<hbm>>
      %dma_start3A_234 = arith.constant 0 : i32
      %dma_start3A_235 = tpu.memref_slice %arg13[%mul3A_152, %dma_start3A_234] : memref<10240x128xf32, #tpu.memory_space<vmem_shared>> -> memref<640x128xf32, #tpu.memory_space<vmem_shared>>
      tpu.enqueue_dma source(%dma_start3A_235 : memref<640x128xf32, #tpu.memory_space<vmem_shared>>) target(%dma_start3A_233 : memref<640x128xf32, #tpu.memory_space<hbm>>) target_semaphore(%run_scoped3A : memref<!tpu.dma_semaphore, #tpu.memory_space<semaphore_mem>>)
      %dma_wait3A_236 = arith.constant 0 : i32
      %dma_wait3A_237 = tpu.memref_slice %arg12[%add3A_150, %dma_wait3A_236] : memref<61440x128xf32, #tpu.memory_space<hbm>> -> memref<640x128xf32, #tpu.memory_space<hbm>>
      %dma_wait3A_238 = arith.constant 0 : i32
      %dma_wait3A_239 = tpu.memref_slice %arg13[%mul3A_152, %dma_wait3A_238] : memref<10240x128xf32, #tpu.memory_space<vmem_shared>> -> memref<640x128xf32, #tpu.memory_space<vmem_shared>>
      tpu.wait_dma2 semaphore(%run_scoped3A : memref<!tpu.dma_semaphore, #tpu.memory_space<semaphore_mem>>) src(%dma_wait3A_239 : memref<640x128xf32, #tpu.memory_space<vmem_shared>>) dst(%dma_wait3A_237 : memref<640x128xf32, #tpu.memory_space<hbm>>)
      tpu.yield
    }) : () -> ()
    %barrier3A_153 = arith.constant 0 : index
    tpu.barrier barrier_id(%barrier3A_153)
    %mul3A_154 = arith.constant 640 : i32
    %mul3A_155 = arith.muli %arg1, %mul3A_154 : i32
    "tpu.region"() ({
      %run_scoped3A = tpu.sem_alloc : memref<!tpu.dma_semaphore, #tpu.memory_space<semaphore_mem>>
      %dma_start3A_232 = arith.constant 0 : i32
      %dma_start3A_233 = tpu.memref_slice %arg13[%mul3A_155, %dma_start3A_232] : memref<10240x128xf32, #tpu.memory_space<vmem_shared>> -> memref<640x128xf32, #tpu.memory_space<vmem_shared>>
      tpu.enqueue_dma source(%arg11 : memref<640x128xf32, #tpu.memory_space<hbm>>) target(%dma_start3A_233 : memref<640x128xf32, #tpu.memory_space<vmem_shared>>) target_semaphore(%run_scoped3A : memref<!tpu.dma_semaphore, #tpu.memory_space<semaphore_mem>>)
      %dma_wait3A_234 = arith.constant 0 : i32
      %dma_wait3A_235 = tpu.memref_slice %arg13[%mul3A_155, %dma_wait3A_234] : memref<10240x128xf32, #tpu.memory_space<vmem_shared>> -> memref<640x128xf32, #tpu.memory_space<vmem_shared>>
      tpu.wait_dma2 semaphore(%run_scoped3A : memref<!tpu.dma_semaphore, #tpu.memory_space<semaphore_mem>>) src(%arg11 : memref<640x128xf32, #tpu.memory_space<hbm>>) dst(%dma_wait3A_235 : memref<640x128xf32, #tpu.memory_space<vmem_shared>>)
      tpu.yield
    }) : () -> ()
    %barrier3A_156 = arith.constant 0 : index
    tpu.barrier barrier_id(%barrier3A_156)
    %mul3A_157 = arith.constant 80 : i32
    %mul3A_158 = arith.muli %add3A, %mul3A_157 : i32
    %add3A_159 = arith.constant 0 : i32
    %add3A_160 = arith.addi %mul3A_158, %add3A_159 : i32
    %mul3A_161 = arith.constant 128 : i32
    %mul3A_162 = arith.muli %add3A_160, %mul3A_161 : i32
    %multiple_of3A_163 = tpu.assume_multiple %mul3A_162, 128 : i32
    %dma_start3A_164 = tpu.memref_slice %arg7[%multiple_of3A_163] : memref<327680xi32, #tpu.memory_space<hbm>> -> memref<128xi32, #tpu.memory_space<hbm>>
    %dma_start3A_165 = tpu.memref_slice %arg7[%multiple_of3A_163] : memref<327680xi32, #tpu.memory_space<hbm>> -> memref<128xi32, #tpu.memory_space<hbm>>
    tpu.enqueue_dma source(%dma_start3A_165 : memref<128xi32, #tpu.memory_space<hbm>>) target(%arg16 : memref<128xi32, #tpu.memory_space<vmem>>) target_semaphore(%arg21 : memref<!tpu.dma_semaphore, #tpu.memory_space<semaphore_mem>>)
    %mul3A_166 = arith.constant 80 : i32
    %mul3A_167 = arith.muli %add3A, %mul3A_166 : i32
    %add3A_168 = arith.constant 0 : i32
    %add3A_169 = arith.addi %mul3A_167, %add3A_168 : i32
    %mul3A_170 = arith.constant 128 : i32
    %mul3A_171 = arith.muli %add3A_169, %mul3A_170 : i32
    %multiple_of3A_172 = tpu.assume_multiple %mul3A_171, 128 : i32
    %dma_start3A_173 = tpu.memref_slice %arg10[%multiple_of3A_172] : memref<327680xi32, #tpu.memory_space<hbm>> -> memref<128xi32, #tpu.memory_space<hbm>>
    %dma_start3A_174 = tpu.memref_slice %arg10[%multiple_of3A_172] : memref<327680xi32, #tpu.memory_space<hbm>> -> memref<128xi32, #tpu.memory_space<hbm>>
    tpu.enqueue_dma source(%dma_start3A_174 : memref<128xi32, #tpu.memory_space<hbm>>) target(%arg18 : memref<128xi32, #tpu.memory_space<vmem>>) target_semaphore(%arg21 : memref<!tpu.dma_semaphore, #tpu.memory_space<semaphore_mem>>)
    %mul3A_175 = arith.constant 80 : i32
    %mul3A_176 = arith.muli %add3A, %mul3A_175 : i32
    %add3A_177 = arith.constant 1 : i32
    %add3A_178 = arith.addi %mul3A_176, %add3A_177 : i32
    %mul3A_179 = arith.constant 128 : i32
    %mul3A_180 = arith.muli %add3A_178, %mul3A_179 : i32
    %multiple_of3A_181 = tpu.assume_multiple %mul3A_180, 128 : i32
    %dma_start3A_182 = tpu.memref_slice %arg7[%multiple_of3A_181] : memref<327680xi32, #tpu.memory_space<hbm>> -> memref<128xi32, #tpu.memory_space<hbm>>
    %dma_start3A_183 = tpu.memref_slice %arg7[%multiple_of3A_181] : memref<327680xi32, #tpu.memory_space<hbm>> -> memref<128xi32, #tpu.memory_space<hbm>>
    tpu.enqueue_dma source(%dma_start3A_183 : memref<128xi32, #tpu.memory_space<hbm>>) target(%arg17 : memref<128xi32, #tpu.memory_space<vmem>>) target_semaphore(%arg22 : memref<!tpu.dma_semaphore, #tpu.memory_space<semaphore_mem>>)
    %mul3A_184 = arith.constant 80 : i32
    %mul3A_185 = arith.muli %add3A, %mul3A_184 : i32
    %add3A_186 = arith.constant 1 : i32
    %add3A_187 = arith.addi %mul3A_185, %add3A_186 : i32
    %mul3A_188 = arith.constant 128 : i32
    %mul3A_189 = arith.muli %add3A_187, %mul3A_188 : i32
    %multiple_of3A_190 = tpu.assume_multiple %mul3A_189, 128 : i32
    %dma_start3A_191 = tpu.memref_slice %arg10[%multiple_of3A_190] : memref<327680xi32, #tpu.memory_space<hbm>> -> memref<128xi32, #tpu.memory_space<hbm>>
    %dma_start3A_192 = tpu.memref_slice %arg10[%multiple_of3A_190] : memref<327680xi32, #tpu.memory_space<hbm>> -> memref<128xi32, #tpu.memory_space<hbm>>
    tpu.enqueue_dma source(%dma_start3A_192 : memref<128xi32, #tpu.memory_space<hbm>>) target(%arg19 : memref<128xi32, #tpu.memory_space<vmem>>) target_semaphore(%arg22 : memref<!tpu.dma_semaphore, #tpu.memory_space<semaphore_mem>>)
    %mul3A_193 = arith.constant 80 : i32
    %mul3A_194 = arith.muli %add3A, %mul3A_193 : i32
    %add3A_195 = arith.constant 0 : i32
    %add3A_196 = arith.addi %mul3A_194, %add3A_195 : i32
    %mul3A_197 = arith.constant 128 : i32
    %mul3A_198 = arith.muli %add3A_196, %mul3A_197 : i32
    %multiple_of3A_199 = tpu.assume_multiple %mul3A_198, 128 : i32
    %dma_wait3A_200 = tpu.memref_slice %arg7[%multiple_of3A_199] : memref<327680xi32, #tpu.memory_space<hbm>> -> memref<128xi32, #tpu.memory_space<hbm>>
    %dma_wait3A_201 = tpu.memref_slice %arg7[%multiple_of3A_199] : memref<327680xi32, #tpu.memory_space<hbm>> -> memref<128xi32, #tpu.memory_space<hbm>>
    tpu.wait_dma2 semaphore(%arg21 : memref<!tpu.dma_semaphore, #tpu.memory_space<semaphore_mem>>) src(%dma_wait3A_201 : memref<128xi32, #tpu.memory_space<hbm>>) dst(%arg16 : memref<128xi32, #tpu.memory_space<vmem>>)
    %mul3A_202 = arith.constant 80 : i32
    %mul3A_203 = arith.muli %add3A, %mul3A_202 : i32
    %add3A_204 = arith.constant 0 : i32
    %add3A_205 = arith.addi %mul3A_203, %add3A_204 : i32
    %mul3A_206 = arith.constant 128 : i32
    %mul3A_207 = arith.muli %add3A_205, %mul3A_206 : i32
    %multiple_of3A_208 = tpu.assume_multiple %mul3A_207, 128 : i32
    %dma_wait3A_209 = tpu.memref_slice %arg10[%multiple_of3A_208] : memref<327680xi32, #tpu.memory_space<hbm>> -> memref<128xi32, #tpu.memory_space<hbm>>
    %dma_wait3A_210 = tpu.memref_slice %arg10[%multiple_of3A_208] : memref<327680xi32, #tpu.memory_space<hbm>> -> memref<128xi32, #tpu.memory_space<hbm>>
    tpu.wait_dma2 semaphore(%arg21 : memref<!tpu.dma_semaphore, #tpu.memory_space<semaphore_mem>>) src(%dma_wait3A_210 : memref<128xi32, #tpu.memory_space<hbm>>) dst(%arg18 : memref<128xi32, #tpu.memory_space<vmem>>)
    %dma_start3A_211 = arith.constant 0 : i32
    %dma_start3A_212 = arith.constant 0 : i32
    %dma_start3A_213 = tpu.memref_slice %arg4[%dma_start3A_211, %dma_start3A_212] : memref<10000x128xf32, #tpu.memory_space<hbm>> -> memref<10000x128xf32, #tpu.memory_space<hbm>>
    tpu.enqueue_indirect_dma source(%dma_start3A_213 : memref<10000x128xf32, #tpu.memory_space<hbm>>) target(%arg14 : memref<128x128xf32, #tpu.memory_space<vmem>>) offsets(%arg16 : memref<128xi32, #tpu.memory_space<vmem>>) semaphore(%arg20 : memref<!tpu.dma_semaphore, #tpu.memory_space<semaphore_mem>>)
    %scan3A_214 = arith.constant 0 : i32
    %scan3A_215 = arith.constant 0 : i32
    %scan3A_216 = arith.constant 40 : i32
    %scan3A_217 = arith.addi %scan3A_215, %scan3A_216 : i32
    %scan3A_218 = arith.constant 1 : i32
    scf.for %scan3A_232 = %scan3A_215 to %scan3A_217 step %scan3A_218  : i32 {
      %mul3A_233 = arith.constant 2 : i32
      %mul3A_234 = arith.muli %scan3A_232, %mul3A_233 : i32
      %add3A_235 = arith.constant 0 : i32
      %add3A_236 = arith.addi %mul3A_234, %add3A_235 : i32
      %lt3A = arith.constant 79 : i32
      %lt3A_237 = arith.cmpi slt, %add3A_236, %lt3A : i32
      %convert_element_type3A = arith.extui %lt3A_237 : i1 to i32
      %cond3A = arith.constant 0 : i32
      %cond3A_238 = arith.cmpi ne, %convert_element_type3A, %cond3A : i32
      scf.if %cond3A_238 {
        %mul3A_264 = arith.constant 80 : i32
        %mul3A_265 = arith.muli %add3A, %mul3A_264 : i32
        %add3A_266 = arith.constant 0 : i32
        %add3A_267 = arith.addi %mul3A_265, %add3A_266 : i32
        %mul3A_268 = arith.constant 128 : i32
        %mul3A_269 = arith.muli %add3A_267, %mul3A_268 : i32
        %multiple_of3A_270 = tpu.assume_multiple %mul3A_269, 128 : i32
        %dma_wait3A_271 = tpu.memref_slice %arg7[%multiple_of3A_270] : memref<327680xi32, #tpu.memory_space<hbm>> -> memref<128xi32, #tpu.memory_space<hbm>>
        %dma_wait3A_272 = tpu.memref_slice %arg7[%multiple_of3A_270] : memref<327680xi32, #tpu.memory_space<hbm>> -> memref<128xi32, #tpu.memory_space<hbm>>
        tpu.wait_dma2 semaphore(%arg22 : memref<!tpu.dma_semaphore, #tpu.memory_space<semaphore_mem>>) src(%dma_wait3A_272 : memref<128xi32, #tpu.memory_space<hbm>>) dst(%arg17 : memref<128xi32, #tpu.memory_space<vmem>>)
        %mul3A_273 = arith.constant 80 : i32
        %mul3A_274 = arith.muli %add3A, %mul3A_273 : i32
        %add3A_275 = arith.constant 0 : i32
        %add3A_276 = arith.addi %mul3A_274, %add3A_275 : i32
        %mul3A_277 = arith.constant 128 : i32
        %mul3A_278 = arith.muli %add3A_276, %mul3A_277 : i32
        %multiple_of3A_279 = tpu.assume_multiple %mul3A_278, 128 : i32
        %dma_wait3A_280 = tpu.memref_slice %arg10[%multiple_of3A_279] : memref<327680xi32, #tpu.memory_space<hbm>> -> memref<128xi32, #tpu.memory_space<hbm>>
        %dma_wait3A_281 = tpu.memref_slice %arg10[%multiple_of3A_279] : memref<327680xi32, #tpu.memory_space<hbm>> -> memref<128xi32, #tpu.memory_space<hbm>>
        tpu.wait_dma2 semaphore(%arg22 : memref<!tpu.dma_semaphore, #tpu.memory_space<semaphore_mem>>) src(%dma_wait3A_281 : memref<128xi32, #tpu.memory_space<hbm>>) dst(%arg19 : memref<128xi32, #tpu.memory_space<vmem>>)
        %dma_start3A_282 = arith.constant 0 : i32
        %dma_start3A_283 = arith.constant 0 : i32
        %dma_start3A_284 = tpu.memref_slice %arg4[%dma_start3A_282, %dma_start3A_283] : memref<10000x128xf32, #tpu.memory_space<hbm>> -> memref<10000x128xf32, #tpu.memory_space<hbm>>
        tpu.enqueue_indirect_dma source(%dma_start3A_284 : memref<10000x128xf32, #tpu.memory_space<hbm>>) target(%arg15 : memref<128x128xf32, #tpu.memory_space<vmem>>) offsets(%arg17 : memref<128xi32, #tpu.memory_space<vmem>>) semaphore(%arg20 : memref<!tpu.dma_semaphore, #tpu.memory_space<semaphore_mem>>)
      } else {
      }
      %dma_wait3A_239 = arith.constant 0 : i32
      %dma_wait3A_240 = arith.constant 0 : i32
      %dma_wait3A_241 = tpu.memref_slice %arg4[%dma_wait3A_239, %dma_wait3A_240] : memref<10000x128xf32, #tpu.memory_space<hbm>> -> memref<10000x128xf32, #tpu.memory_space<hbm>>
      tpu.wait_indirect_dma semaphore(%arg20 : memref<!tpu.dma_semaphore, #tpu.memory_space<semaphore_mem>>) src(%dma_wait3A_241 : memref<10000x128xf32, #tpu.memory_space<hbm>>) dst(%arg14 : memref<128x128xf32, #tpu.memory_space<vmem>>)
      "tpu.region"() ({
        %run_scoped3A = tpu.sem_alloc : memref<!tpu.dma_semaphore, #tpu.memory_space<semaphore_mem>>
        %dma_start3A_264 = arith.constant 0 : i32
        %dma_start3A_265 = arith.constant 0 : i32
        %dma_start3A_266 = tpu.memref_slice %arg13[%dma_start3A_264, %dma_start3A_265] : memref<10240x128xf32, #tpu.memory_space<vmem_shared>> -> memref<10240x128xf32, #tpu.memory_space<vmem_shared>>
        tpu.enqueue_indirect_dma source(%arg14 : memref<128x128xf32, #tpu.memory_space<vmem>>) target(%dma_start3A_266 : memref<10240x128xf32, #tpu.memory_space<vmem_shared>>) offsets(%arg18 : memref<128xi32, #tpu.memory_space<vmem>>) semaphore(%run_scoped3A : memref<!tpu.dma_semaphore, #tpu.memory_space<semaphore_mem>>) {add = true}
        %dma_wait3A_267 = arith.constant 0 : i32
        %dma_wait3A_268 = arith.constant 0 : i32
        %dma_wait3A_269 = tpu.memref_slice %arg13[%dma_wait3A_267, %dma_wait3A_268] : memref<10240x128xf32, #tpu.memory_space<vmem_shared>> -> memref<10240x128xf32, #tpu.memory_space<vmem_shared>>
        tpu.wait_indirect_dma semaphore(%run_scoped3A : memref<!tpu.dma_semaphore, #tpu.memory_space<semaphore_mem>>) src(%arg14 : memref<128x128xf32, #tpu.memory_space<vmem>>) dst(%dma_wait3A_269 : memref<10240x128xf32, #tpu.memory_space<vmem_shared>>)
        tpu.yield
      }) : () -> ()
      %lt3A_242 = arith.constant 78 : i32
      %lt3A_243 = arith.cmpi slt, %add3A_236, %lt3A_242 : i32
      %convert_element_type3A_244 = arith.extui %lt3A_243 : i1 to i32
      %cond3A_245 = arith.constant 0 : i32
      %cond3A_246 = arith.cmpi ne, %convert_element_type3A_244, %cond3A_245 : i32
      scf.if %cond3A_246 {
        %add3A_264 = arith.constant 2 : i32
        %add3A_265 = arith.addi %add3A_236, %add3A_264 : i32
        %mul3A_266 = arith.constant 80 : i32
        %mul3A_267 = arith.muli %add3A, %mul3A_266 : i32
        %add3A_268 = arith.addi %mul3A_267, %add3A_265 : i32
        %mul3A_269 = arith.constant 128 : i32
        %mul3A_270 = arith.muli %add3A_268, %mul3A_269 : i32
        %multiple_of3A_271 = tpu.assume_multiple %mul3A_270, 128 : i32
        %dma_start3A_272 = tpu.memref_slice %arg7[%multiple_of3A_271] : memref<327680xi32, #tpu.memory_space<hbm>> -> memref<128xi32, #tpu.memory_space<hbm>>
        %dma_start3A_273 = tpu.memref_slice %arg7[%multiple_of3A_271] : memref<327680xi32, #tpu.memory_space<hbm>> -> memref<128xi32, #tpu.memory_space<hbm>>
        tpu.enqueue_dma source(%dma_start3A_273 : memref<128xi32, #tpu.memory_space<hbm>>) target(%arg16 : memref<128xi32, #tpu.memory_space<vmem>>) target_semaphore(%arg21 : memref<!tpu.dma_semaphore, #tpu.memory_space<semaphore_mem>>)
        %mul3A_274 = arith.constant 80 : i32
        %mul3A_275 = arith.muli %add3A, %mul3A_274 : i32
        %add3A_276 = arith.addi %mul3A_275, %add3A_265 : i32
        %mul3A_277 = arith.constant 128 : i32
        %mul3A_278 = arith.muli %add3A_276, %mul3A_277 : i32
        %multiple_of3A_279 = tpu.assume_multiple %mul3A_278, 128 : i32
        %dma_start3A_280 = tpu.memref_slice %arg10[%multiple_of3A_279] : memref<327680xi32, #tpu.memory_space<hbm>> -> memref<128xi32, #tpu.memory_space<hbm>>
        %dma_start3A_281 = tpu.memref_slice %arg10[%multiple_of3A_279] : memref<327680xi32, #tpu.memory_space<hbm>> -> memref<128xi32, #tpu.memory_space<hbm>>
        tpu.enqueue_dma source(%dma_start3A_281 : memref<128xi32, #tpu.memory_space<hbm>>) target(%arg18 : memref<128xi32, #tpu.memory_space<vmem>>) target_semaphore(%arg21 : memref<!tpu.dma_semaphore, #tpu.memory_space<semaphore_mem>>)
      } else {
      }
      %mul3A_247 = arith.constant 2 : i32
      %mul3A_248 = arith.muli %scan3A_232, %mul3A_247 : i32
      %add3A_249 = arith.constant 1 : i32
      %add3A_250 = arith.addi %mul3A_248, %add3A_249 : i32
      %lt3A_251 = arith.constant 79 : i32
      %lt3A_252 = arith.cmpi slt, %add3A_250, %lt3A_251 : i32
      %convert_element_type3A_253 = arith.extui %lt3A_252 : i1 to i32
      %cond3A_254 = arith.constant 0 : i32
      %cond3A_255 = arith.cmpi ne, %convert_element_type3A_253, %cond3A_254 : i32
      scf.if %cond3A_255 {
        %mul3A_264 = arith.constant 80 : i32
        %mul3A_265 = arith.muli %add3A, %mul3A_264 : i32
        %add3A_266 = arith.constant 0 : i32
        %add3A_267 = arith.addi %mul3A_265, %add3A_266 : i32
        %mul3A_268 = arith.constant 128 : i32
        %mul3A_269 = arith.muli %add3A_267, %mul3A_268 : i32
        %multiple_of3A_270 = tpu.assume_multiple %mul3A_269, 128 : i32
        %dma_wait3A_271 = tpu.memref_slice %arg7[%multiple_of3A_270] : memref<327680xi32, #tpu.memory_space<hbm>> -> memref<128xi32, #tpu.memory_space<hbm>>
        %dma_wait3A_272 = tpu.memref_slice %arg7[%multiple_of3A_270] : memref<327680xi32, #tpu.memory_space<hbm>> -> memref<128xi32, #tpu.memory_space<hbm>>
        tpu.wait_dma2 semaphore(%arg21 : memref<!tpu.dma_semaphore, #tpu.memory_space<semaphore_mem>>) src(%dma_wait3A_272 : memref<128xi32, #tpu.memory_space<hbm>>) dst(%arg16 : memref<128xi32, #tpu.memory_space<vmem>>)
        %mul3A_273 = arith.constant 80 : i32
        %mul3A_274 = arith.muli %add3A, %mul3A_273 : i32
        %add3A_275 = arith.constant 0 : i32
        %add3A_276 = arith.addi %mul3A_274, %add3A_275 : i32
        %mul3A_277 = arith.constant 128 : i32
        %mul3A_278 = arith.muli %add3A_276, %mul3A_277 : i32
        %multiple_of3A_279 = tpu.assume_multiple %mul3A_278, 128 : i32
        %dma_wait3A_280 = tpu.memref_slice %arg10[%multiple_of3A_279] : memref<327680xi32, #tpu.memory_space<hbm>> -> memref<128xi32, #tpu.memory_space<hbm>>
        %dma_wait3A_281 = tpu.memref_slice %arg10[%multiple_of3A_279] : memref<327680xi32, #tpu.memory_space<hbm>> -> memref<128xi32, #tpu.memory_space<hbm>>
        tpu.wait_dma2 semaphore(%arg21 : memref<!tpu.dma_semaphore, #tpu.memory_space<semaphore_mem>>) src(%dma_wait3A_281 : memref<128xi32, #tpu.memory_space<hbm>>) dst(%arg18 : memref<128xi32, #tpu.memory_space<vmem>>)
        %dma_start3A_282 = arith.constant 0 : i32
        %dma_start3A_283 = arith.constant 0 : i32
        %dma_start3A_284 = tpu.memref_slice %arg4[%dma_start3A_282, %dma_start3A_283] : memref<10000x128xf32, #tpu.memory_space<hbm>> -> memref<10000x128xf32, #tpu.memory_space<hbm>>
        tpu.enqueue_indirect_dma source(%dma_start3A_284 : memref<10000x128xf32, #tpu.memory_space<hbm>>) target(%arg14 : memref<128x128xf32, #tpu.memory_space<vmem>>) offsets(%arg16 : memref<128xi32, #tpu.memory_space<vmem>>) semaphore(%arg20 : memref<!tpu.dma_semaphore, #tpu.memory_space<semaphore_mem>>)
      } else {
      }
      %dma_wait3A_256 = arith.constant 0 : i32
      %dma_wait3A_257 = arith.constant 0 : i32
      %dma_wait3A_258 = tpu.memref_slice %arg4[%dma_wait3A_256, %dma_wait3A_257] : memref<10000x128xf32, #tpu.memory_space<hbm>> -> memref<10000x128xf32, #tpu.memory_space<hbm>>
      tpu.wait_indirect_dma semaphore(%arg20 : memref<!tpu.dma_semaphore, #tpu.memory_space<semaphore_mem>>) src(%dma_wait3A_258 : memref<10000x128xf32, #tpu.memory_space<hbm>>) dst(%arg15 : memref<128x128xf32, #tpu.memory_space<vmem>>)
      "tpu.region"() ({
        %run_scoped3A = tpu.sem_alloc : memref<!tpu.dma_semaphore, #tpu.memory_space<semaphore_mem>>
        %dma_start3A_264 = arith.constant 0 : i32
        %dma_start3A_265 = arith.constant 0 : i32
        %dma_start3A_266 = tpu.memref_slice %arg13[%dma_start3A_264, %dma_start3A_265] : memref<10240x128xf32, #tpu.memory_space<vmem_shared>> -> memref<10240x128xf32, #tpu.memory_space<vmem_shared>>
        tpu.enqueue_indirect_dma source(%arg15 : memref<128x128xf32, #tpu.memory_space<vmem>>) target(%dma_start3A_266 : memref<10240x128xf32, #tpu.memory_space<vmem_shared>>) offsets(%arg19 : memref<128xi32, #tpu.memory_space<vmem>>) semaphore(%run_scoped3A : memref<!tpu.dma_semaphore, #tpu.memory_space<semaphore_mem>>) {add = true}
        %dma_wait3A_267 = arith.constant 0 : i32
        %dma_wait3A_268 = arith.constant 0 : i32
        %dma_wait3A_269 = tpu.memref_slice %arg13[%dma_wait3A_267, %dma_wait3A_268] : memref<10240x128xf32, #tpu.memory_space<vmem_shared>> -> memref<10240x128xf32, #tpu.memory_space<vmem_shared>>
        tpu.wait_indirect_dma semaphore(%run_scoped3A : memref<!tpu.dma_semaphore, #tpu.memory_space<semaphore_mem>>) src(%arg15 : memref<128x128xf32, #tpu.memory_space<vmem>>) dst(%dma_wait3A_269 : memref<10240x128xf32, #tpu.memory_space<vmem_shared>>)
        tpu.yield
      }) : () -> ()
      %lt3A_259 = arith.constant 78 : i32
      %lt3A_260 = arith.cmpi slt, %add3A_250, %lt3A_259 : i32
      %convert_element_type3A_261 = arith.extui %lt3A_260 : i1 to i32
      %cond3A_262 = arith.constant 0 : i32
      %cond3A_263 = arith.cmpi ne, %convert_element_type3A_261, %cond3A_262 : i32
      scf.if %cond3A_263 {
        %add3A_264 = arith.constant 2 : i32
        %add3A_265 = arith.addi %add3A_250, %add3A_264 : i32
        %mul3A_266 = arith.constant 80 : i32
        %mul3A_267 = arith.muli %add3A, %mul3A_266 : i32
        %add3A_268 = arith.addi %mul3A_267, %add3A_265 : i32
        %mul3A_269 = arith.constant 128 : i32
        %mul3A_270 = arith.muli %add3A_268, %mul3A_269 : i32
        %multiple_of3A_271 = tpu.assume_multiple %mul3A_270, 128 : i32
        %dma_start3A_272 = tpu.memref_slice %arg7[%multiple_of3A_271] : memref<327680xi32, #tpu.memory_space<hbm>> -> memref<128xi32, #tpu.memory_space<hbm>>
        %dma_start3A_273 = tpu.memref_slice %arg7[%multiple_of3A_271] : memref<327680xi32, #tpu.memory_space<hbm>> -> memref<128xi32, #tpu.memory_space<hbm>>
        tpu.enqueue_dma source(%dma_start3A_273 : memref<128xi32, #tpu.memory_space<hbm>>) target(%arg17 : memref<128xi32, #tpu.memory_space<vmem>>) target_semaphore(%arg22 : memref<!tpu.dma_semaphore, #tpu.memory_space<semaphore_mem>>)
        %mul3A_274 = arith.constant 80 : i32
        %mul3A_275 = arith.muli %add3A, %mul3A_274 : i32
        %add3A_276 = arith.addi %mul3A_275, %add3A_265 : i32
        %mul3A_277 = arith.constant 128 : i32
        %mul3A_278 = arith.muli %add3A_276, %mul3A_277 : i32
        %multiple_of3A_279 = tpu.assume_multiple %mul3A_278, 128 : i32
        %dma_start3A_280 = tpu.memref_slice %arg10[%multiple_of3A_279] : memref<327680xi32, #tpu.memory_space<hbm>> -> memref<128xi32, #tpu.memory_space<hbm>>
        %dma_start3A_281 = tpu.memref_slice %arg10[%multiple_of3A_279] : memref<327680xi32, #tpu.memory_space<hbm>> -> memref<128xi32, #tpu.memory_space<hbm>>
        tpu.enqueue_dma source(%dma_start3A_281 : memref<128xi32, #tpu.memory_space<hbm>>) target(%arg19 : memref<128xi32, #tpu.memory_space<vmem>>) target_semaphore(%arg22 : memref<!tpu.dma_semaphore, #tpu.memory_space<semaphore_mem>>)
      } else {
      }
    }
    %scan3A_219 = arith.constant 40 : i32
    %barrier3A_220 = arith.constant 0 : index
    tpu.barrier barrier_id(%barrier3A_220)
    %mul3A_221 = arith.constant 3 : i32
    %mul3A_222 = arith.muli %arg0, %mul3A_221 : i32
    %add3A_223 = arith.constant 2 : i32
    %add3A_224 = arith.addi %mul3A_222, %add3A_223 : i32
    %mul3A_225 = arith.constant 10240 : i32
    %mul3A_226 = arith.muli %add3A_224, %mul3A_225 : i32
    %mul3A_227 = arith.constant 640 : i32
    %mul3A_228 = arith.muli %arg1, %mul3A_227 : i32
    %add3A_229 = arith.addi %mul3A_226, %mul3A_228 : i32
    %mul3A_230 = arith.constant 640 : i32
    %mul3A_231 = arith.muli %arg1, %mul3A_230 : i32
    "tpu.region"() ({
      %run_scoped3A = tpu.sem_alloc : memref<!tpu.dma_semaphore, #tpu.memory_space<semaphore_mem>>
      %dma_start3A_232 = arith.constant 0 : i32
      %dma_start3A_233 = tpu.memref_slice %arg12[%add3A_229, %dma_start3A_232] : memref<61440x128xf32, #tpu.memory_space<hbm>> -> memref<640x128xf32, #tpu.memory_space<hbm>>
      %dma_start3A_234 = arith.constant 0 : i32
      %dma_start3A_235 = tpu.memref_slice %arg13[%mul3A_231, %dma_start3A_234] : memref<10240x128xf32, #tpu.memory_space<vmem_shared>> -> memref<640x128xf32, #tpu.memory_space<vmem_shared>>
      tpu.enqueue_dma source(%dma_start3A_235 : memref<640x128xf32, #tpu.memory_space<vmem_shared>>) target(%dma_start3A_233 : memref<640x128xf32, #tpu.memory_space<hbm>>) target_semaphore(%run_scoped3A : memref<!tpu.dma_semaphore, #tpu.memory_space<semaphore_mem>>)
      %dma_wait3A_236 = arith.constant 0 : i32
      %dma_wait3A_237 = tpu.memref_slice %arg12[%add3A_229, %dma_wait3A_236] : memref<61440x128xf32, #tpu.memory_space<hbm>> -> memref<640x128xf32, #tpu.memory_space<hbm>>
      %dma_wait3A_238 = arith.constant 0 : i32
      %dma_wait3A_239 = tpu.memref_slice %arg13[%mul3A_231, %dma_wait3A_238] : memref<10240x128xf32, #tpu.memory_space<vmem_shared>> -> memref<640x128xf32, #tpu.memory_space<vmem_shared>>
      tpu.wait_dma2 semaphore(%run_scoped3A : memref<!tpu.dma_semaphore, #tpu.memory_space<semaphore_mem>>) src(%dma_wait3A_239 : memref<640x128xf32, #tpu.memory_space<vmem_shared>>) dst(%dma_wait3A_237 : memref<640x128xf32, #tpu.memory_space<hbm>>)
      tpu.yield
    }) : () -> ()
    return
  }
}

#map = affine_map<(d0, d1) -> (0, 0)>
#map1 = affine_map<(d0, d1) -> (0)>
module attributes {stable_mosaic.version = 14 : i64} {
  func.func @_sc_scatter(%arg0: i32, %arg1: i32, %arg2: memref<10000x128xf32, #tpu.memory_space<hbm>>, %arg3: memref<10000x128xf32, #tpu.memory_space<hbm>>, %arg4: memref<327680xi32, #tpu.memory_space<hbm>>, %arg5: memref<327680xi32, #tpu.memory_space<hbm>>, %arg6: memref<327680xi32, #tpu.memory_space<hbm>>, %arg7: memref<327680xi32, #tpu.memory_space<hbm>>, %arg8: memref<640x128xf32, #tpu.memory_space<hbm>>, %arg9: memref<40960x128xf32, #tpu.memory_space<hbm>>, %arg10: memref<10240x128xf32, #tpu.memory_space<vmem_shared>>, %arg11: memref<128x128xf32, #tpu.memory_space<vmem>>, %arg12: memref<128x128xf32, #tpu.memory_space<vmem>>, %arg13: memref<128xi32, #tpu.memory_space<vmem>>, %arg14: memref<128xi32, #tpu.memory_space<vmem>>, %arg15: memref<128xi32, #tpu.memory_space<vmem>>, %arg16: memref<128xi32, #tpu.memory_space<vmem>>, %arg17: memref<!tpu.dma_semaphore, #tpu.memory_space<semaphore_mem>>, %arg18: memref<!tpu.dma_semaphore, #tpu.memory_space<semaphore_mem>>, %arg19: memref<!tpu.dma_semaphore, #tpu.memory_space<semaphore_mem>>) attributes {dimension_semantics = [#tpu.dimension_semantics<core_parallel>, #tpu.dimension_semantics<subcore_parallel>], iteration_bounds = array<i64: 2, 16>, scalar_prefetch = 0 : i64, scratch_operands = 10 : i64, tpu.core_type = #tpu.core_type<sc_vector_subcore>, window_params = [{transform_indices = #map}, {transform_indices = #map}, {transform_indices = #map1}, {transform_indices = #map1}, {transform_indices = #map1}, {transform_indices = #map1}, {transform_indices = #map}, {transform_indices = #map}]} {
    %mul3A = arith.constant 2 : i32
    %mul3A_0 = arith.muli %arg1, %mul3A : i32
    %add3A = arith.addi %mul3A_0, %arg0 : i32
    %mul3A_1 = arith.constant 640 : i32
    %mul3A_2 = arith.muli %arg1, %mul3A_1 : i32
    "tpu.region"() ({
      %run_scoped3A = tpu.sem_alloc : memref<!tpu.dma_semaphore, #tpu.memory_space<semaphore_mem>>
      %dma_start3A_153 = arith.constant 0 : i32
      %dma_start3A_154 = tpu.memref_slice %arg10[%mul3A_2, %dma_start3A_153] : memref<10240x128xf32, #tpu.memory_space<vmem_shared>> -> memref<640x128xf32, #tpu.memory_space<vmem_shared>>
      tpu.enqueue_dma source(%arg8 : memref<640x128xf32, #tpu.memory_space<hbm>>) target(%dma_start3A_154 : memref<640x128xf32, #tpu.memory_space<vmem_shared>>) target_semaphore(%run_scoped3A : memref<!tpu.dma_semaphore, #tpu.memory_space<semaphore_mem>>)
      %dma_wait3A_155 = arith.constant 0 : i32
      %dma_wait3A_156 = tpu.memref_slice %arg10[%mul3A_2, %dma_wait3A_155] : memref<10240x128xf32, #tpu.memory_space<vmem_shared>> -> memref<640x128xf32, #tpu.memory_space<vmem_shared>>
      tpu.wait_dma2 semaphore(%run_scoped3A : memref<!tpu.dma_semaphore, #tpu.memory_space<semaphore_mem>>) src(%arg8 : memref<640x128xf32, #tpu.memory_space<hbm>>) dst(%dma_wait3A_156 : memref<640x128xf32, #tpu.memory_space<vmem_shared>>)
      tpu.yield
    }) : () -> ()
    %barrier3A = arith.constant 0 : index
    tpu.barrier barrier_id(%barrier3A)
    %mul3A_3 = arith.constant 80 : i32
    %mul3A_4 = arith.muli %add3A, %mul3A_3 : i32
    %add3A_5 = arith.constant 0 : i32
    %add3A_6 = arith.addi %mul3A_4, %add3A_5 : i32
    %mul3A_7 = arith.constant 128 : i32
    %mul3A_8 = arith.muli %add3A_6, %mul3A_7 : i32
    %multiple_of3A = tpu.assume_multiple %mul3A_8, 128 : i32
    %dma_start3A = tpu.memref_slice %arg4[%multiple_of3A] : memref<327680xi32, #tpu.memory_space<hbm>> -> memref<128xi32, #tpu.memory_space<hbm>>
    %dma_start3A_9 = tpu.memref_slice %arg4[%multiple_of3A] : memref<327680xi32, #tpu.memory_space<hbm>> -> memref<128xi32, #tpu.memory_space<hbm>>
    tpu.enqueue_dma source(%dma_start3A_9 : memref<128xi32, #tpu.memory_space<hbm>>) target(%arg13 : memref<128xi32, #tpu.memory_space<vmem>>) target_semaphore(%arg18 : memref<!tpu.dma_semaphore, #tpu.memory_space<semaphore_mem>>)
    %mul3A_10 = arith.constant 80 : i32
    %mul3A_11 = arith.muli %add3A, %mul3A_10 : i32
    %add3A_12 = arith.constant 0 : i32
    %add3A_13 = arith.addi %mul3A_11, %add3A_12 : i32
    %mul3A_14 = arith.constant 128 : i32
    %mul3A_15 = arith.muli %add3A_13, %mul3A_14 : i32
    %multiple_of3A_16 = tpu.assume_multiple %mul3A_15, 128 : i32
    %dma_start3A_17 = tpu.memref_slice %arg6[%multiple_of3A_16] : memref<327680xi32, #tpu.memory_space<hbm>> -> memref<128xi32, #tpu.memory_space<hbm>>
    %dma_start3A_18 = tpu.memref_slice %arg6[%multiple_of3A_16] : memref<327680xi32, #tpu.memory_space<hbm>> -> memref<128xi32, #tpu.memory_space<hbm>>
    tpu.enqueue_dma source(%dma_start3A_18 : memref<128xi32, #tpu.memory_space<hbm>>) target(%arg15 : memref<128xi32, #tpu.memory_space<vmem>>) target_semaphore(%arg18 : memref<!tpu.dma_semaphore, #tpu.memory_space<semaphore_mem>>)
    %mul3A_19 = arith.constant 80 : i32
    %mul3A_20 = arith.muli %add3A, %mul3A_19 : i32
    %add3A_21 = arith.constant 1 : i32
    %add3A_22 = arith.addi %mul3A_20, %add3A_21 : i32
    %mul3A_23 = arith.constant 128 : i32
    %mul3A_24 = arith.muli %add3A_22, %mul3A_23 : i32
    %multiple_of3A_25 = tpu.assume_multiple %mul3A_24, 128 : i32
    %dma_start3A_26 = tpu.memref_slice %arg4[%multiple_of3A_25] : memref<327680xi32, #tpu.memory_space<hbm>> -> memref<128xi32, #tpu.memory_space<hbm>>
    %dma_start3A_27 = tpu.memref_slice %arg4[%multiple_of3A_25] : memref<327680xi32, #tpu.memory_space<hbm>> -> memref<128xi32, #tpu.memory_space<hbm>>
    tpu.enqueue_dma source(%dma_start3A_27 : memref<128xi32, #tpu.memory_space<hbm>>) target(%arg14 : memref<128xi32, #tpu.memory_space<vmem>>) target_semaphore(%arg19 : memref<!tpu.dma_semaphore, #tpu.memory_space<semaphore_mem>>)
    %mul3A_28 = arith.constant 80 : i32
    %mul3A_29 = arith.muli %add3A, %mul3A_28 : i32
    %add3A_30 = arith.constant 1 : i32
    %add3A_31 = arith.addi %mul3A_29, %add3A_30 : i32
    %mul3A_32 = arith.constant 128 : i32
    %mul3A_33 = arith.muli %add3A_31, %mul3A_32 : i32
    %multiple_of3A_34 = tpu.assume_multiple %mul3A_33, 128 : i32
    %dma_start3A_35 = tpu.memref_slice %arg6[%multiple_of3A_34] : memref<327680xi32, #tpu.memory_space<hbm>> -> memref<128xi32, #tpu.memory_space<hbm>>
    %dma_start3A_36 = tpu.memref_slice %arg6[%multiple_of3A_34] : memref<327680xi32, #tpu.memory_space<hbm>> -> memref<128xi32, #tpu.memory_space<hbm>>
    tpu.enqueue_dma source(%dma_start3A_36 : memref<128xi32, #tpu.memory_space<hbm>>) target(%arg16 : memref<128xi32, #tpu.memory_space<vmem>>) target_semaphore(%arg19 : memref<!tpu.dma_semaphore, #tpu.memory_space<semaphore_mem>>)
    %mul3A_37 = arith.constant 80 : i32
    %mul3A_38 = arith.muli %add3A, %mul3A_37 : i32
    %add3A_39 = arith.constant 0 : i32
    %add3A_40 = arith.addi %mul3A_38, %add3A_39 : i32
    %mul3A_41 = arith.constant 128 : i32
    %mul3A_42 = arith.muli %add3A_40, %mul3A_41 : i32
    %multiple_of3A_43 = tpu.assume_multiple %mul3A_42, 128 : i32
    %dma_wait3A = tpu.memref_slice %arg4[%multiple_of3A_43] : memref<327680xi32, #tpu.memory_space<hbm>> -> memref<128xi32, #tpu.memory_space<hbm>>
    %dma_wait3A_44 = tpu.memref_slice %arg4[%multiple_of3A_43] : memref<327680xi32, #tpu.memory_space<hbm>> -> memref<128xi32, #tpu.memory_space<hbm>>
    tpu.wait_dma2 semaphore(%arg18 : memref<!tpu.dma_semaphore, #tpu.memory_space<semaphore_mem>>) src(%dma_wait3A_44 : memref<128xi32, #tpu.memory_space<hbm>>) dst(%arg13 : memref<128xi32, #tpu.memory_space<vmem>>)
    %mul3A_45 = arith.constant 80 : i32
    %mul3A_46 = arith.muli %add3A, %mul3A_45 : i32
    %add3A_47 = arith.constant 0 : i32
    %add3A_48 = arith.addi %mul3A_46, %add3A_47 : i32
    %mul3A_49 = arith.constant 128 : i32
    %mul3A_50 = arith.muli %add3A_48, %mul3A_49 : i32
    %multiple_of3A_51 = tpu.assume_multiple %mul3A_50, 128 : i32
    %dma_wait3A_52 = tpu.memref_slice %arg6[%multiple_of3A_51] : memref<327680xi32, #tpu.memory_space<hbm>> -> memref<128xi32, #tpu.memory_space<hbm>>
    %dma_wait3A_53 = tpu.memref_slice %arg6[%multiple_of3A_51] : memref<327680xi32, #tpu.memory_space<hbm>> -> memref<128xi32, #tpu.memory_space<hbm>>
    tpu.wait_dma2 semaphore(%arg18 : memref<!tpu.dma_semaphore, #tpu.memory_space<semaphore_mem>>) src(%dma_wait3A_53 : memref<128xi32, #tpu.memory_space<hbm>>) dst(%arg15 : memref<128xi32, #tpu.memory_space<vmem>>)
    %dma_start3A_54 = arith.constant 0 : i32
    %dma_start3A_55 = arith.constant 0 : i32
    %dma_start3A_56 = tpu.memref_slice %arg2[%dma_start3A_54, %dma_start3A_55] : memref<10000x128xf32, #tpu.memory_space<hbm>> -> memref<10000x128xf32, #tpu.memory_space<hbm>>
    tpu.enqueue_indirect_dma source(%dma_start3A_56 : memref<10000x128xf32, #tpu.memory_space<hbm>>) target(%arg11 : memref<128x128xf32, #tpu.memory_space<vmem>>) offsets(%arg13 : memref<128xi32, #tpu.memory_space<vmem>>) semaphore(%arg17 : memref<!tpu.dma_semaphore, #tpu.memory_space<semaphore_mem>>)
    %scan3A = arith.constant 0 : i32
    %scan3A_57 = arith.constant 0 : i32
    %scan3A_58 = arith.constant 40 : i32
    %scan3A_59 = arith.addi %scan3A_57, %scan3A_58 : i32
    %scan3A_60 = arith.constant 1 : i32
    scf.for %scan3A_153 = %scan3A_57 to %scan3A_59 step %scan3A_60  : i32 {
      %mul3A_154 = arith.constant 2 : i32
      %mul3A_155 = arith.muli %scan3A_153, %mul3A_154 : i32
      %add3A_156 = arith.constant 0 : i32
      %add3A_157 = arith.addi %mul3A_155, %add3A_156 : i32
      %lt3A = arith.constant 79 : i32
      %lt3A_158 = arith.cmpi slt, %add3A_157, %lt3A : i32
      %convert_element_type3A = arith.extui %lt3A_158 : i1 to i32
      %cond3A = arith.constant 0 : i32
      %cond3A_159 = arith.cmpi ne, %convert_element_type3A, %cond3A : i32
      scf.if %cond3A_159 {
        %mul3A_185 = arith.constant 80 : i32
        %mul3A_186 = arith.muli %add3A, %mul3A_185 : i32
        %add3A_187 = arith.constant 0 : i32
        %add3A_188 = arith.addi %mul3A_186, %add3A_187 : i32
        %mul3A_189 = arith.constant 128 : i32
        %mul3A_190 = arith.muli %add3A_188, %mul3A_189 : i32
        %multiple_of3A_191 = tpu.assume_multiple %mul3A_190, 128 : i32
        %dma_wait3A_192 = tpu.memref_slice %arg4[%multiple_of3A_191] : memref<327680xi32, #tpu.memory_space<hbm>> -> memref<128xi32, #tpu.memory_space<hbm>>
        %dma_wait3A_193 = tpu.memref_slice %arg4[%multiple_of3A_191] : memref<327680xi32, #tpu.memory_space<hbm>> -> memref<128xi32, #tpu.memory_space<hbm>>
        tpu.wait_dma2 semaphore(%arg19 : memref<!tpu.dma_semaphore, #tpu.memory_space<semaphore_mem>>) src(%dma_wait3A_193 : memref<128xi32, #tpu.memory_space<hbm>>) dst(%arg14 : memref<128xi32, #tpu.memory_space<vmem>>)
        %mul3A_194 = arith.constant 80 : i32
        %mul3A_195 = arith.muli %add3A, %mul3A_194 : i32
        %add3A_196 = arith.constant 0 : i32
        %add3A_197 = arith.addi %mul3A_195, %add3A_196 : i32
        %mul3A_198 = arith.constant 128 : i32
        %mul3A_199 = arith.muli %add3A_197, %mul3A_198 : i32
        %multiple_of3A_200 = tpu.assume_multiple %mul3A_199, 128 : i32
        %dma_wait3A_201 = tpu.memref_slice %arg6[%multiple_of3A_200] : memref<327680xi32, #tpu.memory_space<hbm>> -> memref<128xi32, #tpu.memory_space<hbm>>
        %dma_wait3A_202 = tpu.memref_slice %arg6[%multiple_of3A_200] : memref<327680xi32, #tpu.memory_space<hbm>> -> memref<128xi32, #tpu.memory_space<hbm>>
        tpu.wait_dma2 semaphore(%arg19 : memref<!tpu.dma_semaphore, #tpu.memory_space<semaphore_mem>>) src(%dma_wait3A_202 : memref<128xi32, #tpu.memory_space<hbm>>) dst(%arg16 : memref<128xi32, #tpu.memory_space<vmem>>)
        %dma_start3A_203 = arith.constant 0 : i32
        %dma_start3A_204 = arith.constant 0 : i32
        %dma_start3A_205 = tpu.memref_slice %arg2[%dma_start3A_203, %dma_start3A_204] : memref<10000x128xf32, #tpu.memory_space<hbm>> -> memref<10000x128xf32, #tpu.memory_space<hbm>>
        tpu.enqueue_indirect_dma source(%dma_start3A_205 : memref<10000x128xf32, #tpu.memory_space<hbm>>) target(%arg12 : memref<128x128xf32, #tpu.memory_space<vmem>>) offsets(%arg14 : memref<128xi32, #tpu.memory_space<vmem>>) semaphore(%arg17 : memref<!tpu.dma_semaphore, #tpu.memory_space<semaphore_mem>>)
      } else {
      }
      %dma_wait3A_160 = arith.constant 0 : i32
      %dma_wait3A_161 = arith.constant 0 : i32
      %dma_wait3A_162 = tpu.memref_slice %arg2[%dma_wait3A_160, %dma_wait3A_161] : memref<10000x128xf32, #tpu.memory_space<hbm>> -> memref<10000x128xf32, #tpu.memory_space<hbm>>
      tpu.wait_indirect_dma semaphore(%arg17 : memref<!tpu.dma_semaphore, #tpu.memory_space<semaphore_mem>>) src(%dma_wait3A_162 : memref<10000x128xf32, #tpu.memory_space<hbm>>) dst(%arg11 : memref<128x128xf32, #tpu.memory_space<vmem>>)
      "tpu.region"() ({
        %run_scoped3A = tpu.sem_alloc : memref<!tpu.dma_semaphore, #tpu.memory_space<semaphore_mem>>
        %dma_start3A_185 = arith.constant 0 : i32
        %dma_start3A_186 = arith.constant 0 : i32
        %dma_start3A_187 = tpu.memref_slice %arg10[%dma_start3A_185, %dma_start3A_186] : memref<10240x128xf32, #tpu.memory_space<vmem_shared>> -> memref<10240x128xf32, #tpu.memory_space<vmem_shared>>
        tpu.enqueue_indirect_dma source(%arg11 : memref<128x128xf32, #tpu.memory_space<vmem>>) target(%dma_start3A_187 : memref<10240x128xf32, #tpu.memory_space<vmem_shared>>) offsets(%arg15 : memref<128xi32, #tpu.memory_space<vmem>>) semaphore(%run_scoped3A : memref<!tpu.dma_semaphore, #tpu.memory_space<semaphore_mem>>) {add = true}
        %dma_wait3A_188 = arith.constant 0 : i32
        %dma_wait3A_189 = arith.constant 0 : i32
        %dma_wait3A_190 = tpu.memref_slice %arg10[%dma_wait3A_188, %dma_wait3A_189] : memref<10240x128xf32, #tpu.memory_space<vmem_shared>> -> memref<10240x128xf32, #tpu.memory_space<vmem_shared>>
        tpu.wait_indirect_dma semaphore(%run_scoped3A : memref<!tpu.dma_semaphore, #tpu.memory_space<semaphore_mem>>) src(%arg11 : memref<128x128xf32, #tpu.memory_space<vmem>>) dst(%dma_wait3A_190 : memref<10240x128xf32, #tpu.memory_space<vmem_shared>>)
        tpu.yield
      }) : () -> ()
      %lt3A_163 = arith.constant 78 : i32
      %lt3A_164 = arith.cmpi slt, %add3A_157, %lt3A_163 : i32
      %convert_element_type3A_165 = arith.extui %lt3A_164 : i1 to i32
      %cond3A_166 = arith.constant 0 : i32
      %cond3A_167 = arith.cmpi ne, %convert_element_type3A_165, %cond3A_166 : i32
      scf.if %cond3A_167 {
        %add3A_185 = arith.constant 2 : i32
        %add3A_186 = arith.addi %add3A_157, %add3A_185 : i32
        %mul3A_187 = arith.constant 80 : i32
        %mul3A_188 = arith.muli %add3A, %mul3A_187 : i32
        %add3A_189 = arith.addi %mul3A_188, %add3A_186 : i32
        %mul3A_190 = arith.constant 128 : i32
        %mul3A_191 = arith.muli %add3A_189, %mul3A_190 : i32
        %multiple_of3A_192 = tpu.assume_multiple %mul3A_191, 128 : i32
        %dma_start3A_193 = tpu.memref_slice %arg4[%multiple_of3A_192] : memref<327680xi32, #tpu.memory_space<hbm>> -> memref<128xi32, #tpu.memory_space<hbm>>
        %dma_start3A_194 = tpu.memref_slice %arg4[%multiple_of3A_192] : memref<327680xi32, #tpu.memory_space<hbm>> -> memref<128xi32, #tpu.memory_space<hbm>>
        tpu.enqueue_dma source(%dma_start3A_194 : memref<128xi32, #tpu.memory_space<hbm>>) target(%arg13 : memref<128xi32, #tpu.memory_space<vmem>>) target_semaphore(%arg18 : memref<!tpu.dma_semaphore, #tpu.memory_space<semaphore_mem>>)
        %mul3A_195 = arith.constant 80 : i32
        %mul3A_196 = arith.muli %add3A, %mul3A_195 : i32
        %add3A_197 = arith.addi %mul3A_196, %add3A_186 : i32
        %mul3A_198 = arith.constant 128 : i32
        %mul3A_199 = arith.muli %add3A_197, %mul3A_198 : i32
        %multiple_of3A_200 = tpu.assume_multiple %mul3A_199, 128 : i32
        %dma_start3A_201 = tpu.memref_slice %arg6[%multiple_of3A_200] : memref<327680xi32, #tpu.memory_space<hbm>> -> memref<128xi32, #tpu.memory_space<hbm>>
        %dma_start3A_202 = tpu.memref_slice %arg6[%multiple_of3A_200] : memref<327680xi32, #tpu.memory_space<hbm>> -> memref<128xi32, #tpu.memory_space<hbm>>
        tpu.enqueue_dma source(%dma_start3A_202 : memref<128xi32, #tpu.memory_space<hbm>>) target(%arg15 : memref<128xi32, #tpu.memory_space<vmem>>) target_semaphore(%arg18 : memref<!tpu.dma_semaphore, #tpu.memory_space<semaphore_mem>>)
      } else {
      }
      %mul3A_168 = arith.constant 2 : i32
      %mul3A_169 = arith.muli %scan3A_153, %mul3A_168 : i32
      %add3A_170 = arith.constant 1 : i32
      %add3A_171 = arith.addi %mul3A_169, %add3A_170 : i32
      %lt3A_172 = arith.constant 79 : i32
      %lt3A_173 = arith.cmpi slt, %add3A_171, %lt3A_172 : i32
      %convert_element_type3A_174 = arith.extui %lt3A_173 : i1 to i32
      %cond3A_175 = arith.constant 0 : i32
      %cond3A_176 = arith.cmpi ne, %convert_element_type3A_174, %cond3A_175 : i32
      scf.if %cond3A_176 {
        %mul3A_185 = arith.constant 80 : i32
        %mul3A_186 = arith.muli %add3A, %mul3A_185 : i32
        %add3A_187 = arith.constant 0 : i32
        %add3A_188 = arith.addi %mul3A_186, %add3A_187 : i32
        %mul3A_189 = arith.constant 128 : i32
        %mul3A_190 = arith.muli %add3A_188, %mul3A_189 : i32
        %multiple_of3A_191 = tpu.assume_multiple %mul3A_190, 128 : i32
        %dma_wait3A_192 = tpu.memref_slice %arg4[%multiple_of3A_191] : memref<327680xi32, #tpu.memory_space<hbm>> -> memref<128xi32, #tpu.memory_space<hbm>>
        %dma_wait3A_193 = tpu.memref_slice %arg4[%multiple_of3A_191] : memref<327680xi32, #tpu.memory_space<hbm>> -> memref<128xi32, #tpu.memory_space<hbm>>
        tpu.wait_dma2 semaphore(%arg18 : memref<!tpu.dma_semaphore, #tpu.memory_space<semaphore_mem>>) src(%dma_wait3A_193 : memref<128xi32, #tpu.memory_space<hbm>>) dst(%arg13 : memref<128xi32, #tpu.memory_space<vmem>>)
        %mul3A_194 = arith.constant 80 : i32
        %mul3A_195 = arith.muli %add3A, %mul3A_194 : i32
        %add3A_196 = arith.constant 0 : i32
        %add3A_197 = arith.addi %mul3A_195, %add3A_196 : i32
        %mul3A_198 = arith.constant 128 : i32
        %mul3A_199 = arith.muli %add3A_197, %mul3A_198 : i32
        %multiple_of3A_200 = tpu.assume_multiple %mul3A_199, 128 : i32
        %dma_wait3A_201 = tpu.memref_slice %arg6[%multiple_of3A_200] : memref<327680xi32, #tpu.memory_space<hbm>> -> memref<128xi32, #tpu.memory_space<hbm>>
        %dma_wait3A_202 = tpu.memref_slice %arg6[%multiple_of3A_200] : memref<327680xi32, #tpu.memory_space<hbm>> -> memref<128xi32, #tpu.memory_space<hbm>>
        tpu.wait_dma2 semaphore(%arg18 : memref<!tpu.dma_semaphore, #tpu.memory_space<semaphore_mem>>) src(%dma_wait3A_202 : memref<128xi32, #tpu.memory_space<hbm>>) dst(%arg15 : memref<128xi32, #tpu.memory_space<vmem>>)
        %dma_start3A_203 = arith.constant 0 : i32
        %dma_start3A_204 = arith.constant 0 : i32
        %dma_start3A_205 = tpu.memref_slice %arg2[%dma_start3A_203, %dma_start3A_204] : memref<10000x128xf32, #tpu.memory_space<hbm>> -> memref<10000x128xf32, #tpu.memory_space<hbm>>
        tpu.enqueue_indirect_dma source(%dma_start3A_205 : memref<10000x128xf32, #tpu.memory_space<hbm>>) target(%arg11 : memref<128x128xf32, #tpu.memory_space<vmem>>) offsets(%arg13 : memref<128xi32, #tpu.memory_space<vmem>>) semaphore(%arg17 : memref<!tpu.dma_semaphore, #tpu.memory_space<semaphore_mem>>)
      } else {
      }
      %dma_wait3A_177 = arith.constant 0 : i32
      %dma_wait3A_178 = arith.constant 0 : i32
      %dma_wait3A_179 = tpu.memref_slice %arg2[%dma_wait3A_177, %dma_wait3A_178] : memref<10000x128xf32, #tpu.memory_space<hbm>> -> memref<10000x128xf32, #tpu.memory_space<hbm>>
      tpu.wait_indirect_dma semaphore(%arg17 : memref<!tpu.dma_semaphore, #tpu.memory_space<semaphore_mem>>) src(%dma_wait3A_179 : memref<10000x128xf32, #tpu.memory_space<hbm>>) dst(%arg12 : memref<128x128xf32, #tpu.memory_space<vmem>>)
      "tpu.region"() ({
        %run_scoped3A = tpu.sem_alloc : memref<!tpu.dma_semaphore, #tpu.memory_space<semaphore_mem>>
        %dma_start3A_185 = arith.constant 0 : i32
        %dma_start3A_186 = arith.constant 0 : i32
        %dma_start3A_187 = tpu.memref_slice %arg10[%dma_start3A_185, %dma_start3A_186] : memref<10240x128xf32, #tpu.memory_space<vmem_shared>> -> memref<10240x128xf32, #tpu.memory_space<vmem_shared>>
        tpu.enqueue_indirect_dma source(%arg12 : memref<128x128xf32, #tpu.memory_space<vmem>>) target(%dma_start3A_187 : memref<10240x128xf32, #tpu.memory_space<vmem_shared>>) offsets(%arg16 : memref<128xi32, #tpu.memory_space<vmem>>) semaphore(%run_scoped3A : memref<!tpu.dma_semaphore, #tpu.memory_space<semaphore_mem>>) {add = true}
        %dma_wait3A_188 = arith.constant 0 : i32
        %dma_wait3A_189 = arith.constant 0 : i32
        %dma_wait3A_190 = tpu.memref_slice %arg10[%dma_wait3A_188, %dma_wait3A_189] : memref<10240x128xf32, #tpu.memory_space<vmem_shared>> -> memref<10240x128xf32, #tpu.memory_space<vmem_shared>>
        tpu.wait_indirect_dma semaphore(%run_scoped3A : memref<!tpu.dma_semaphore, #tpu.memory_space<semaphore_mem>>) src(%arg12 : memref<128x128xf32, #tpu.memory_space<vmem>>) dst(%dma_wait3A_190 : memref<10240x128xf32, #tpu.memory_space<vmem_shared>>)
        tpu.yield
      }) : () -> ()
      %lt3A_180 = arith.constant 78 : i32
      %lt3A_181 = arith.cmpi slt, %add3A_171, %lt3A_180 : i32
      %convert_element_type3A_182 = arith.extui %lt3A_181 : i1 to i32
      %cond3A_183 = arith.constant 0 : i32
      %cond3A_184 = arith.cmpi ne, %convert_element_type3A_182, %cond3A_183 : i32
      scf.if %cond3A_184 {
        %add3A_185 = arith.constant 2 : i32
        %add3A_186 = arith.addi %add3A_171, %add3A_185 : i32
        %mul3A_187 = arith.constant 80 : i32
        %mul3A_188 = arith.muli %add3A, %mul3A_187 : i32
        %add3A_189 = arith.addi %mul3A_188, %add3A_186 : i32
        %mul3A_190 = arith.constant 128 : i32
        %mul3A_191 = arith.muli %add3A_189, %mul3A_190 : i32
        %multiple_of3A_192 = tpu.assume_multiple %mul3A_191, 128 : i32
        %dma_start3A_193 = tpu.memref_slice %arg4[%multiple_of3A_192] : memref<327680xi32, #tpu.memory_space<hbm>> -> memref<128xi32, #tpu.memory_space<hbm>>
        %dma_start3A_194 = tpu.memref_slice %arg4[%multiple_of3A_192] : memref<327680xi32, #tpu.memory_space<hbm>> -> memref<128xi32, #tpu.memory_space<hbm>>
        tpu.enqueue_dma source(%dma_start3A_194 : memref<128xi32, #tpu.memory_space<hbm>>) target(%arg14 : memref<128xi32, #tpu.memory_space<vmem>>) target_semaphore(%arg19 : memref<!tpu.dma_semaphore, #tpu.memory_space<semaphore_mem>>)
        %mul3A_195 = arith.constant 80 : i32
        %mul3A_196 = arith.muli %add3A, %mul3A_195 : i32
        %add3A_197 = arith.addi %mul3A_196, %add3A_186 : i32
        %mul3A_198 = arith.constant 128 : i32
        %mul3A_199 = arith.muli %add3A_197, %mul3A_198 : i32
        %multiple_of3A_200 = tpu.assume_multiple %mul3A_199, 128 : i32
        %dma_start3A_201 = tpu.memref_slice %arg6[%multiple_of3A_200] : memref<327680xi32, #tpu.memory_space<hbm>> -> memref<128xi32, #tpu.memory_space<hbm>>
        %dma_start3A_202 = tpu.memref_slice %arg6[%multiple_of3A_200] : memref<327680xi32, #tpu.memory_space<hbm>> -> memref<128xi32, #tpu.memory_space<hbm>>
        tpu.enqueue_dma source(%dma_start3A_202 : memref<128xi32, #tpu.memory_space<hbm>>) target(%arg16 : memref<128xi32, #tpu.memory_space<vmem>>) target_semaphore(%arg19 : memref<!tpu.dma_semaphore, #tpu.memory_space<semaphore_mem>>)
      } else {
      }
    }
    %scan3A_61 = arith.constant 40 : i32
    %barrier3A_62 = arith.constant 0 : index
    tpu.barrier barrier_id(%barrier3A_62)
    %mul3A_63 = arith.constant 2 : i32
    %mul3A_64 = arith.muli %arg0, %mul3A_63 : i32
    %add3A_65 = arith.constant 0 : i32
    %add3A_66 = arith.addi %mul3A_64, %add3A_65 : i32
    %mul3A_67 = arith.constant 10240 : i32
    %mul3A_68 = arith.muli %add3A_66, %mul3A_67 : i32
    %mul3A_69 = arith.constant 640 : i32
    %mul3A_70 = arith.muli %arg1, %mul3A_69 : i32
    %add3A_71 = arith.addi %mul3A_68, %mul3A_70 : i32
    %mul3A_72 = arith.constant 640 : i32
    %mul3A_73 = arith.muli %arg1, %mul3A_72 : i32
    "tpu.region"() ({
      %run_scoped3A = tpu.sem_alloc : memref<!tpu.dma_semaphore, #tpu.memory_space<semaphore_mem>>
      %dma_start3A_153 = arith.constant 0 : i32
      %dma_start3A_154 = tpu.memref_slice %arg9[%add3A_71, %dma_start3A_153] : memref<40960x128xf32, #tpu.memory_space<hbm>> -> memref<640x128xf32, #tpu.memory_space<hbm>>
      %dma_start3A_155 = arith.constant 0 : i32
      %dma_start3A_156 = tpu.memref_slice %arg10[%mul3A_73, %dma_start3A_155] : memref<10240x128xf32, #tpu.memory_space<vmem_shared>> -> memref<640x128xf32, #tpu.memory_space<vmem_shared>>
      tpu.enqueue_dma source(%dma_start3A_156 : memref<640x128xf32, #tpu.memory_space<vmem_shared>>) target(%dma_start3A_154 : memref<640x128xf32, #tpu.memory_space<hbm>>) target_semaphore(%run_scoped3A : memref<!tpu.dma_semaphore, #tpu.memory_space<semaphore_mem>>)
      %dma_wait3A_157 = arith.constant 0 : i32
      %dma_wait3A_158 = tpu.memref_slice %arg9[%add3A_71, %dma_wait3A_157] : memref<40960x128xf32, #tpu.memory_space<hbm>> -> memref<640x128xf32, #tpu.memory_space<hbm>>
      %dma_wait3A_159 = arith.constant 0 : i32
      %dma_wait3A_160 = tpu.memref_slice %arg10[%mul3A_73, %dma_wait3A_159] : memref<10240x128xf32, #tpu.memory_space<vmem_shared>> -> memref<640x128xf32, #tpu.memory_space<vmem_shared>>
      tpu.wait_dma2 semaphore(%run_scoped3A : memref<!tpu.dma_semaphore, #tpu.memory_space<semaphore_mem>>) src(%dma_wait3A_160 : memref<640x128xf32, #tpu.memory_space<vmem_shared>>) dst(%dma_wait3A_158 : memref<640x128xf32, #tpu.memory_space<hbm>>)
      tpu.yield
    }) : () -> ()
    %barrier3A_74 = arith.constant 0 : index
    tpu.barrier barrier_id(%barrier3A_74)
    %mul3A_75 = arith.constant 640 : i32
    %mul3A_76 = arith.muli %arg1, %mul3A_75 : i32
    "tpu.region"() ({
      %run_scoped3A = tpu.sem_alloc : memref<!tpu.dma_semaphore, #tpu.memory_space<semaphore_mem>>
      %dma_start3A_153 = arith.constant 0 : i32
      %dma_start3A_154 = tpu.memref_slice %arg10[%mul3A_76, %dma_start3A_153] : memref<10240x128xf32, #tpu.memory_space<vmem_shared>> -> memref<640x128xf32, #tpu.memory_space<vmem_shared>>
      tpu.enqueue_dma source(%arg8 : memref<640x128xf32, #tpu.memory_space<hbm>>) target(%dma_start3A_154 : memref<640x128xf32, #tpu.memory_space<vmem_shared>>) target_semaphore(%run_scoped3A : memref<!tpu.dma_semaphore, #tpu.memory_space<semaphore_mem>>)
      %dma_wait3A_155 = arith.constant 0 : i32
      %dma_wait3A_156 = tpu.memref_slice %arg10[%mul3A_76, %dma_wait3A_155] : memref<10240x128xf32, #tpu.memory_space<vmem_shared>> -> memref<640x128xf32, #tpu.memory_space<vmem_shared>>
      tpu.wait_dma2 semaphore(%run_scoped3A : memref<!tpu.dma_semaphore, #tpu.memory_space<semaphore_mem>>) src(%arg8 : memref<640x128xf32, #tpu.memory_space<hbm>>) dst(%dma_wait3A_156 : memref<640x128xf32, #tpu.memory_space<vmem_shared>>)
      tpu.yield
    }) : () -> ()
    %barrier3A_77 = arith.constant 0 : index
    tpu.barrier barrier_id(%barrier3A_77)
    %mul3A_78 = arith.constant 80 : i32
    %mul3A_79 = arith.muli %add3A, %mul3A_78 : i32
    %add3A_80 = arith.constant 0 : i32
    %add3A_81 = arith.addi %mul3A_79, %add3A_80 : i32
    %mul3A_82 = arith.constant 128 : i32
    %mul3A_83 = arith.muli %add3A_81, %mul3A_82 : i32
    %multiple_of3A_84 = tpu.assume_multiple %mul3A_83, 128 : i32
    %dma_start3A_85 = tpu.memref_slice %arg5[%multiple_of3A_84] : memref<327680xi32, #tpu.memory_space<hbm>> -> memref<128xi32, #tpu.memory_space<hbm>>
    %dma_start3A_86 = tpu.memref_slice %arg5[%multiple_of3A_84] : memref<327680xi32, #tpu.memory_space<hbm>> -> memref<128xi32, #tpu.memory_space<hbm>>
    tpu.enqueue_dma source(%dma_start3A_86 : memref<128xi32, #tpu.memory_space<hbm>>) target(%arg13 : memref<128xi32, #tpu.memory_space<vmem>>) target_semaphore(%arg18 : memref<!tpu.dma_semaphore, #tpu.memory_space<semaphore_mem>>)
    %mul3A_87 = arith.constant 80 : i32
    %mul3A_88 = arith.muli %add3A, %mul3A_87 : i32
    %add3A_89 = arith.constant 0 : i32
    %add3A_90 = arith.addi %mul3A_88, %add3A_89 : i32
    %mul3A_91 = arith.constant 128 : i32
    %mul3A_92 = arith.muli %add3A_90, %mul3A_91 : i32
    %multiple_of3A_93 = tpu.assume_multiple %mul3A_92, 128 : i32
    %dma_start3A_94 = tpu.memref_slice %arg7[%multiple_of3A_93] : memref<327680xi32, #tpu.memory_space<hbm>> -> memref<128xi32, #tpu.memory_space<hbm>>
    %dma_start3A_95 = tpu.memref_slice %arg7[%multiple_of3A_93] : memref<327680xi32, #tpu.memory_space<hbm>> -> memref<128xi32, #tpu.memory_space<hbm>>
    tpu.enqueue_dma source(%dma_start3A_95 : memref<128xi32, #tpu.memory_space<hbm>>) target(%arg15 : memref<128xi32, #tpu.memory_space<vmem>>) target_semaphore(%arg18 : memref<!tpu.dma_semaphore, #tpu.memory_space<semaphore_mem>>)
    %mul3A_96 = arith.constant 80 : i32
    %mul3A_97 = arith.muli %add3A, %mul3A_96 : i32
    %add3A_98 = arith.constant 1 : i32
    %add3A_99 = arith.addi %mul3A_97, %add3A_98 : i32
    %mul3A_100 = arith.constant 128 : i32
    %mul3A_101 = arith.muli %add3A_99, %mul3A_100 : i32
    %multiple_of3A_102 = tpu.assume_multiple %mul3A_101, 128 : i32
    %dma_start3A_103 = tpu.memref_slice %arg5[%multiple_of3A_102] : memref<327680xi32, #tpu.memory_space<hbm>> -> memref<128xi32, #tpu.memory_space<hbm>>
    %dma_start3A_104 = tpu.memref_slice %arg5[%multiple_of3A_102] : memref<327680xi32, #tpu.memory_space<hbm>> -> memref<128xi32, #tpu.memory_space<hbm>>
    tpu.enqueue_dma source(%dma_start3A_104 : memref<128xi32, #tpu.memory_space<hbm>>) target(%arg14 : memref<128xi32, #tpu.memory_space<vmem>>) target_semaphore(%arg19 : memref<!tpu.dma_semaphore, #tpu.memory_space<semaphore_mem>>)
    %mul3A_105 = arith.constant 80 : i32
    %mul3A_106 = arith.muli %add3A, %mul3A_105 : i32
    %add3A_107 = arith.constant 1 : i32
    %add3A_108 = arith.addi %mul3A_106, %add3A_107 : i32
    %mul3A_109 = arith.constant 128 : i32
    %mul3A_110 = arith.muli %add3A_108, %mul3A_109 : i32
    %multiple_of3A_111 = tpu.assume_multiple %mul3A_110, 128 : i32
    %dma_start3A_112 = tpu.memref_slice %arg7[%multiple_of3A_111] : memref<327680xi32, #tpu.memory_space<hbm>> -> memref<128xi32, #tpu.memory_space<hbm>>
    %dma_start3A_113 = tpu.memref_slice %arg7[%multiple_of3A_111] : memref<327680xi32, #tpu.memory_space<hbm>> -> memref<128xi32, #tpu.memory_space<hbm>>
    tpu.enqueue_dma source(%dma_start3A_113 : memref<128xi32, #tpu.memory_space<hbm>>) target(%arg16 : memref<128xi32, #tpu.memory_space<vmem>>) target_semaphore(%arg19 : memref<!tpu.dma_semaphore, #tpu.memory_space<semaphore_mem>>)
    %mul3A_114 = arith.constant 80 : i32
    %mul3A_115 = arith.muli %add3A, %mul3A_114 : i32
    %add3A_116 = arith.constant 0 : i32
    %add3A_117 = arith.addi %mul3A_115, %add3A_116 : i32
    %mul3A_118 = arith.constant 128 : i32
    %mul3A_119 = arith.muli %add3A_117, %mul3A_118 : i32
    %multiple_of3A_120 = tpu.assume_multiple %mul3A_119, 128 : i32
    %dma_wait3A_121 = tpu.memref_slice %arg5[%multiple_of3A_120] : memref<327680xi32, #tpu.memory_space<hbm>> -> memref<128xi32, #tpu.memory_space<hbm>>
    %dma_wait3A_122 = tpu.memref_slice %arg5[%multiple_of3A_120] : memref<327680xi32, #tpu.memory_space<hbm>> -> memref<128xi32, #tpu.memory_space<hbm>>
    tpu.wait_dma2 semaphore(%arg18 : memref<!tpu.dma_semaphore, #tpu.memory_space<semaphore_mem>>) src(%dma_wait3A_122 : memref<128xi32, #tpu.memory_space<hbm>>) dst(%arg13 : memref<128xi32, #tpu.memory_space<vmem>>)
    %mul3A_123 = arith.constant 80 : i32
    %mul3A_124 = arith.muli %add3A, %mul3A_123 : i32
    %add3A_125 = arith.constant 0 : i32
    %add3A_126 = arith.addi %mul3A_124, %add3A_125 : i32
    %mul3A_127 = arith.constant 128 : i32
    %mul3A_128 = arith.muli %add3A_126, %mul3A_127 : i32
    %multiple_of3A_129 = tpu.assume_multiple %mul3A_128, 128 : i32
    %dma_wait3A_130 = tpu.memref_slice %arg7[%multiple_of3A_129] : memref<327680xi32, #tpu.memory_space<hbm>> -> memref<128xi32, #tpu.memory_space<hbm>>
    %dma_wait3A_131 = tpu.memref_slice %arg7[%multiple_of3A_129] : memref<327680xi32, #tpu.memory_space<hbm>> -> memref<128xi32, #tpu.memory_space<hbm>>
    tpu.wait_dma2 semaphore(%arg18 : memref<!tpu.dma_semaphore, #tpu.memory_space<semaphore_mem>>) src(%dma_wait3A_131 : memref<128xi32, #tpu.memory_space<hbm>>) dst(%arg15 : memref<128xi32, #tpu.memory_space<vmem>>)
    %dma_start3A_132 = arith.constant 0 : i32
    %dma_start3A_133 = arith.constant 0 : i32
    %dma_start3A_134 = tpu.memref_slice %arg3[%dma_start3A_132, %dma_start3A_133] : memref<10000x128xf32, #tpu.memory_space<hbm>> -> memref<10000x128xf32, #tpu.memory_space<hbm>>
    tpu.enqueue_indirect_dma source(%dma_start3A_134 : memref<10000x128xf32, #tpu.memory_space<hbm>>) target(%arg11 : memref<128x128xf32, #tpu.memory_space<vmem>>) offsets(%arg13 : memref<128xi32, #tpu.memory_space<vmem>>) semaphore(%arg17 : memref<!tpu.dma_semaphore, #tpu.memory_space<semaphore_mem>>)
    %scan3A_135 = arith.constant 0 : i32
    %scan3A_136 = arith.constant 0 : i32
    %scan3A_137 = arith.constant 40 : i32
    %scan3A_138 = arith.addi %scan3A_136, %scan3A_137 : i32
    %scan3A_139 = arith.constant 1 : i32
    scf.for %scan3A_153 = %scan3A_136 to %scan3A_138 step %scan3A_139  : i32 {
      %mul3A_154 = arith.constant 2 : i32
      %mul3A_155 = arith.muli %scan3A_153, %mul3A_154 : i32
      %add3A_156 = arith.constant 0 : i32
      %add3A_157 = arith.addi %mul3A_155, %add3A_156 : i32
      %lt3A = arith.constant 79 : i32
      %lt3A_158 = arith.cmpi slt, %add3A_157, %lt3A : i32
      %convert_element_type3A = arith.extui %lt3A_158 : i1 to i32
      %cond3A = arith.constant 0 : i32
      %cond3A_159 = arith.cmpi ne, %convert_element_type3A, %cond3A : i32
      scf.if %cond3A_159 {
        %mul3A_185 = arith.constant 80 : i32
        %mul3A_186 = arith.muli %add3A, %mul3A_185 : i32
        %add3A_187 = arith.constant 0 : i32
        %add3A_188 = arith.addi %mul3A_186, %add3A_187 : i32
        %mul3A_189 = arith.constant 128 : i32
        %mul3A_190 = arith.muli %add3A_188, %mul3A_189 : i32
        %multiple_of3A_191 = tpu.assume_multiple %mul3A_190, 128 : i32
        %dma_wait3A_192 = tpu.memref_slice %arg5[%multiple_of3A_191] : memref<327680xi32, #tpu.memory_space<hbm>> -> memref<128xi32, #tpu.memory_space<hbm>>
        %dma_wait3A_193 = tpu.memref_slice %arg5[%multiple_of3A_191] : memref<327680xi32, #tpu.memory_space<hbm>> -> memref<128xi32, #tpu.memory_space<hbm>>
        tpu.wait_dma2 semaphore(%arg19 : memref<!tpu.dma_semaphore, #tpu.memory_space<semaphore_mem>>) src(%dma_wait3A_193 : memref<128xi32, #tpu.memory_space<hbm>>) dst(%arg14 : memref<128xi32, #tpu.memory_space<vmem>>)
        %mul3A_194 = arith.constant 80 : i32
        %mul3A_195 = arith.muli %add3A, %mul3A_194 : i32
        %add3A_196 = arith.constant 0 : i32
        %add3A_197 = arith.addi %mul3A_195, %add3A_196 : i32
        %mul3A_198 = arith.constant 128 : i32
        %mul3A_199 = arith.muli %add3A_197, %mul3A_198 : i32
        %multiple_of3A_200 = tpu.assume_multiple %mul3A_199, 128 : i32
        %dma_wait3A_201 = tpu.memref_slice %arg7[%multiple_of3A_200] : memref<327680xi32, #tpu.memory_space<hbm>> -> memref<128xi32, #tpu.memory_space<hbm>>
        %dma_wait3A_202 = tpu.memref_slice %arg7[%multiple_of3A_200] : memref<327680xi32, #tpu.memory_space<hbm>> -> memref<128xi32, #tpu.memory_space<hbm>>
        tpu.wait_dma2 semaphore(%arg19 : memref<!tpu.dma_semaphore, #tpu.memory_space<semaphore_mem>>) src(%dma_wait3A_202 : memref<128xi32, #tpu.memory_space<hbm>>) dst(%arg16 : memref<128xi32, #tpu.memory_space<vmem>>)
        %dma_start3A_203 = arith.constant 0 : i32
        %dma_start3A_204 = arith.constant 0 : i32
        %dma_start3A_205 = tpu.memref_slice %arg3[%dma_start3A_203, %dma_start3A_204] : memref<10000x128xf32, #tpu.memory_space<hbm>> -> memref<10000x128xf32, #tpu.memory_space<hbm>>
        tpu.enqueue_indirect_dma source(%dma_start3A_205 : memref<10000x128xf32, #tpu.memory_space<hbm>>) target(%arg12 : memref<128x128xf32, #tpu.memory_space<vmem>>) offsets(%arg14 : memref<128xi32, #tpu.memory_space<vmem>>) semaphore(%arg17 : memref<!tpu.dma_semaphore, #tpu.memory_space<semaphore_mem>>)
      } else {
      }
      %dma_wait3A_160 = arith.constant 0 : i32
      %dma_wait3A_161 = arith.constant 0 : i32
      %dma_wait3A_162 = tpu.memref_slice %arg3[%dma_wait3A_160, %dma_wait3A_161] : memref<10000x128xf32, #tpu.memory_space<hbm>> -> memref<10000x128xf32, #tpu.memory_space<hbm>>
      tpu.wait_indirect_dma semaphore(%arg17 : memref<!tpu.dma_semaphore, #tpu.memory_space<semaphore_mem>>) src(%dma_wait3A_162 : memref<10000x128xf32, #tpu.memory_space<hbm>>) dst(%arg11 : memref<128x128xf32, #tpu.memory_space<vmem>>)
      "tpu.region"() ({
        %run_scoped3A = tpu.sem_alloc : memref<!tpu.dma_semaphore, #tpu.memory_space<semaphore_mem>>
        %dma_start3A_185 = arith.constant 0 : i32
        %dma_start3A_186 = arith.constant 0 : i32
        %dma_start3A_187 = tpu.memref_slice %arg10[%dma_start3A_185, %dma_start3A_186] : memref<10240x128xf32, #tpu.memory_space<vmem_shared>> -> memref<10240x128xf32, #tpu.memory_space<vmem_shared>>
        tpu.enqueue_indirect_dma source(%arg11 : memref<128x128xf32, #tpu.memory_space<vmem>>) target(%dma_start3A_187 : memref<10240x128xf32, #tpu.memory_space<vmem_shared>>) offsets(%arg15 : memref<128xi32, #tpu.memory_space<vmem>>) semaphore(%run_scoped3A : memref<!tpu.dma_semaphore, #tpu.memory_space<semaphore_mem>>) {add = true}
        %dma_wait3A_188 = arith.constant 0 : i32
        %dma_wait3A_189 = arith.constant 0 : i32
        %dma_wait3A_190 = tpu.memref_slice %arg10[%dma_wait3A_188, %dma_wait3A_189] : memref<10240x128xf32, #tpu.memory_space<vmem_shared>> -> memref<10240x128xf32, #tpu.memory_space<vmem_shared>>
        tpu.wait_indirect_dma semaphore(%run_scoped3A : memref<!tpu.dma_semaphore, #tpu.memory_space<semaphore_mem>>) src(%arg11 : memref<128x128xf32, #tpu.memory_space<vmem>>) dst(%dma_wait3A_190 : memref<10240x128xf32, #tpu.memory_space<vmem_shared>>)
        tpu.yield
      }) : () -> ()
      %lt3A_163 = arith.constant 78 : i32
      %lt3A_164 = arith.cmpi slt, %add3A_157, %lt3A_163 : i32
      %convert_element_type3A_165 = arith.extui %lt3A_164 : i1 to i32
      %cond3A_166 = arith.constant 0 : i32
      %cond3A_167 = arith.cmpi ne, %convert_element_type3A_165, %cond3A_166 : i32
      scf.if %cond3A_167 {
        %add3A_185 = arith.constant 2 : i32
        %add3A_186 = arith.addi %add3A_157, %add3A_185 : i32
        %mul3A_187 = arith.constant 80 : i32
        %mul3A_188 = arith.muli %add3A, %mul3A_187 : i32
        %add3A_189 = arith.addi %mul3A_188, %add3A_186 : i32
        %mul3A_190 = arith.constant 128 : i32
        %mul3A_191 = arith.muli %add3A_189, %mul3A_190 : i32
        %multiple_of3A_192 = tpu.assume_multiple %mul3A_191, 128 : i32
        %dma_start3A_193 = tpu.memref_slice %arg5[%multiple_of3A_192] : memref<327680xi32, #tpu.memory_space<hbm>> -> memref<128xi32, #tpu.memory_space<hbm>>
        %dma_start3A_194 = tpu.memref_slice %arg5[%multiple_of3A_192] : memref<327680xi32, #tpu.memory_space<hbm>> -> memref<128xi32, #tpu.memory_space<hbm>>
        tpu.enqueue_dma source(%dma_start3A_194 : memref<128xi32, #tpu.memory_space<hbm>>) target(%arg13 : memref<128xi32, #tpu.memory_space<vmem>>) target_semaphore(%arg18 : memref<!tpu.dma_semaphore, #tpu.memory_space<semaphore_mem>>)
        %mul3A_195 = arith.constant 80 : i32
        %mul3A_196 = arith.muli %add3A, %mul3A_195 : i32
        %add3A_197 = arith.addi %mul3A_196, %add3A_186 : i32
        %mul3A_198 = arith.constant 128 : i32
        %mul3A_199 = arith.muli %add3A_197, %mul3A_198 : i32
        %multiple_of3A_200 = tpu.assume_multiple %mul3A_199, 128 : i32
        %dma_start3A_201 = tpu.memref_slice %arg7[%multiple_of3A_200] : memref<327680xi32, #tpu.memory_space<hbm>> -> memref<128xi32, #tpu.memory_space<hbm>>
        %dma_start3A_202 = tpu.memref_slice %arg7[%multiple_of3A_200] : memref<327680xi32, #tpu.memory_space<hbm>> -> memref<128xi32, #tpu.memory_space<hbm>>
        tpu.enqueue_dma source(%dma_start3A_202 : memref<128xi32, #tpu.memory_space<hbm>>) target(%arg15 : memref<128xi32, #tpu.memory_space<vmem>>) target_semaphore(%arg18 : memref<!tpu.dma_semaphore, #tpu.memory_space<semaphore_mem>>)
      } else {
      }
      %mul3A_168 = arith.constant 2 : i32
      %mul3A_169 = arith.muli %scan3A_153, %mul3A_168 : i32
      %add3A_170 = arith.constant 1 : i32
      %add3A_171 = arith.addi %mul3A_169, %add3A_170 : i32
      %lt3A_172 = arith.constant 79 : i32
      %lt3A_173 = arith.cmpi slt, %add3A_171, %lt3A_172 : i32
      %convert_element_type3A_174 = arith.extui %lt3A_173 : i1 to i32
      %cond3A_175 = arith.constant 0 : i32
      %cond3A_176 = arith.cmpi ne, %convert_element_type3A_174, %cond3A_175 : i32
      scf.if %cond3A_176 {
        %mul3A_185 = arith.constant 80 : i32
        %mul3A_186 = arith.muli %add3A, %mul3A_185 : i32
        %add3A_187 = arith.constant 0 : i32
        %add3A_188 = arith.addi %mul3A_186, %add3A_187 : i32
        %mul3A_189 = arith.constant 128 : i32
        %mul3A_190 = arith.muli %add3A_188, %mul3A_189 : i32
        %multiple_of3A_191 = tpu.assume_multiple %mul3A_190, 128 : i32
        %dma_wait3A_192 = tpu.memref_slice %arg5[%multiple_of3A_191] : memref<327680xi32, #tpu.memory_space<hbm>> -> memref<128xi32, #tpu.memory_space<hbm>>
        %dma_wait3A_193 = tpu.memref_slice %arg5[%multiple_of3A_191] : memref<327680xi32, #tpu.memory_space<hbm>> -> memref<128xi32, #tpu.memory_space<hbm>>
        tpu.wait_dma2 semaphore(%arg18 : memref<!tpu.dma_semaphore, #tpu.memory_space<semaphore_mem>>) src(%dma_wait3A_193 : memref<128xi32, #tpu.memory_space<hbm>>) dst(%arg13 : memref<128xi32, #tpu.memory_space<vmem>>)
        %mul3A_194 = arith.constant 80 : i32
        %mul3A_195 = arith.muli %add3A, %mul3A_194 : i32
        %add3A_196 = arith.constant 0 : i32
        %add3A_197 = arith.addi %mul3A_195, %add3A_196 : i32
        %mul3A_198 = arith.constant 128 : i32
        %mul3A_199 = arith.muli %add3A_197, %mul3A_198 : i32
        %multiple_of3A_200 = tpu.assume_multiple %mul3A_199, 128 : i32
        %dma_wait3A_201 = tpu.memref_slice %arg7[%multiple_of3A_200] : memref<327680xi32, #tpu.memory_space<hbm>> -> memref<128xi32, #tpu.memory_space<hbm>>
        %dma_wait3A_202 = tpu.memref_slice %arg7[%multiple_of3A_200] : memref<327680xi32, #tpu.memory_space<hbm>> -> memref<128xi32, #tpu.memory_space<hbm>>
        tpu.wait_dma2 semaphore(%arg18 : memref<!tpu.dma_semaphore, #tpu.memory_space<semaphore_mem>>) src(%dma_wait3A_202 : memref<128xi32, #tpu.memory_space<hbm>>) dst(%arg15 : memref<128xi32, #tpu.memory_space<vmem>>)
        %dma_start3A_203 = arith.constant 0 : i32
        %dma_start3A_204 = arith.constant 0 : i32
        %dma_start3A_205 = tpu.memref_slice %arg3[%dma_start3A_203, %dma_start3A_204] : memref<10000x128xf32, #tpu.memory_space<hbm>> -> memref<10000x128xf32, #tpu.memory_space<hbm>>
        tpu.enqueue_indirect_dma source(%dma_start3A_205 : memref<10000x128xf32, #tpu.memory_space<hbm>>) target(%arg11 : memref<128x128xf32, #tpu.memory_space<vmem>>) offsets(%arg13 : memref<128xi32, #tpu.memory_space<vmem>>) semaphore(%arg17 : memref<!tpu.dma_semaphore, #tpu.memory_space<semaphore_mem>>)
      } else {
      }
      %dma_wait3A_177 = arith.constant 0 : i32
      %dma_wait3A_178 = arith.constant 0 : i32
      %dma_wait3A_179 = tpu.memref_slice %arg3[%dma_wait3A_177, %dma_wait3A_178] : memref<10000x128xf32, #tpu.memory_space<hbm>> -> memref<10000x128xf32, #tpu.memory_space<hbm>>
      tpu.wait_indirect_dma semaphore(%arg17 : memref<!tpu.dma_semaphore, #tpu.memory_space<semaphore_mem>>) src(%dma_wait3A_179 : memref<10000x128xf32, #tpu.memory_space<hbm>>) dst(%arg12 : memref<128x128xf32, #tpu.memory_space<vmem>>)
      "tpu.region"() ({
        %run_scoped3A = tpu.sem_alloc : memref<!tpu.dma_semaphore, #tpu.memory_space<semaphore_mem>>
        %dma_start3A_185 = arith.constant 0 : i32
        %dma_start3A_186 = arith.constant 0 : i32
        %dma_start3A_187 = tpu.memref_slice %arg10[%dma_start3A_185, %dma_start3A_186] : memref<10240x128xf32, #tpu.memory_space<vmem_shared>> -> memref<10240x128xf32, #tpu.memory_space<vmem_shared>>
        tpu.enqueue_indirect_dma source(%arg12 : memref<128x128xf32, #tpu.memory_space<vmem>>) target(%dma_start3A_187 : memref<10240x128xf32, #tpu.memory_space<vmem_shared>>) offsets(%arg16 : memref<128xi32, #tpu.memory_space<vmem>>) semaphore(%run_scoped3A : memref<!tpu.dma_semaphore, #tpu.memory_space<semaphore_mem>>) {add = true}
        %dma_wait3A_188 = arith.constant 0 : i32
        %dma_wait3A_189 = arith.constant 0 : i32
        %dma_wait3A_190 = tpu.memref_slice %arg10[%dma_wait3A_188, %dma_wait3A_189] : memref<10240x128xf32, #tpu.memory_space<vmem_shared>> -> memref<10240x128xf32, #tpu.memory_space<vmem_shared>>
        tpu.wait_indirect_dma semaphore(%run_scoped3A : memref<!tpu.dma_semaphore, #tpu.memory_space<semaphore_mem>>) src(%arg12 : memref<128x128xf32, #tpu.memory_space<vmem>>) dst(%dma_wait3A_190 : memref<10240x128xf32, #tpu.memory_space<vmem_shared>>)
        tpu.yield
      }) : () -> ()
      %lt3A_180 = arith.constant 78 : i32
      %lt3A_181 = arith.cmpi slt, %add3A_171, %lt3A_180 : i32
      %convert_element_type3A_182 = arith.extui %lt3A_181 : i1 to i32
      %cond3A_183 = arith.constant 0 : i32
      %cond3A_184 = arith.cmpi ne, %convert_element_type3A_182, %cond3A_183 : i32
      scf.if %cond3A_184 {
        %add3A_185 = arith.constant 2 : i32
        %add3A_186 = arith.addi %add3A_171, %add3A_185 : i32
        %mul3A_187 = arith.constant 80 : i32
        %mul3A_188 = arith.muli %add3A, %mul3A_187 : i32
        %add3A_189 = arith.addi %mul3A_188, %add3A_186 : i32
        %mul3A_190 = arith.constant 128 : i32
        %mul3A_191 = arith.muli %add3A_189, %mul3A_190 : i32
        %multiple_of3A_192 = tpu.assume_multiple %mul3A_191, 128 : i32
        %dma_start3A_193 = tpu.memref_slice %arg5[%multiple_of3A_192] : memref<327680xi32, #tpu.memory_space<hbm>> -> memref<128xi32, #tpu.memory_space<hbm>>
        %dma_start3A_194 = tpu.memref_slice %arg5[%multiple_of3A_192] : memref<327680xi32, #tpu.memory_space<hbm>> -> memref<128xi32, #tpu.memory_space<hbm>>
        tpu.enqueue_dma source(%dma_start3A_194 : memref<128xi32, #tpu.memory_space<hbm>>) target(%arg14 : memref<128xi32, #tpu.memory_space<vmem>>) target_semaphore(%arg19 : memref<!tpu.dma_semaphore, #tpu.memory_space<semaphore_mem>>)
        %mul3A_195 = arith.constant 80 : i32
        %mul3A_196 = arith.muli %add3A, %mul3A_195 : i32
        %add3A_197 = arith.addi %mul3A_196, %add3A_186 : i32
        %mul3A_198 = arith.constant 128 : i32
        %mul3A_199 = arith.muli %add3A_197, %mul3A_198 : i32
        %multiple_of3A_200 = tpu.assume_multiple %mul3A_199, 128 : i32
        %dma_start3A_201 = tpu.memref_slice %arg7[%multiple_of3A_200] : memref<327680xi32, #tpu.memory_space<hbm>> -> memref<128xi32, #tpu.memory_space<hbm>>
        %dma_start3A_202 = tpu.memref_slice %arg7[%multiple_of3A_200] : memref<327680xi32, #tpu.memory_space<hbm>> -> memref<128xi32, #tpu.memory_space<hbm>>
        tpu.enqueue_dma source(%dma_start3A_202 : memref<128xi32, #tpu.memory_space<hbm>>) target(%arg16 : memref<128xi32, #tpu.memory_space<vmem>>) target_semaphore(%arg19 : memref<!tpu.dma_semaphore, #tpu.memory_space<semaphore_mem>>)
      } else {
      }
    }
    %scan3A_140 = arith.constant 40 : i32
    %barrier3A_141 = arith.constant 0 : index
    tpu.barrier barrier_id(%barrier3A_141)
    %mul3A_142 = arith.constant 2 : i32
    %mul3A_143 = arith.muli %arg0, %mul3A_142 : i32
    %add3A_144 = arith.constant 1 : i32
    %add3A_145 = arith.addi %mul3A_143, %add3A_144 : i32
    %mul3A_146 = arith.constant 10240 : i32
    %mul3A_147 = arith.muli %add3A_145, %mul3A_146 : i32
    %mul3A_148 = arith.constant 640 : i32
    %mul3A_149 = arith.muli %arg1, %mul3A_148 : i32
    %add3A_150 = arith.addi %mul3A_147, %mul3A_149 : i32
    %mul3A_151 = arith.constant 640 : i32
    %mul3A_152 = arith.muli %arg1, %mul3A_151 : i32
    "tpu.region"() ({
      %run_scoped3A = tpu.sem_alloc : memref<!tpu.dma_semaphore, #tpu.memory_space<semaphore_mem>>
      %dma_start3A_153 = arith.constant 0 : i32
      %dma_start3A_154 = tpu.memref_slice %arg9[%add3A_150, %dma_start3A_153] : memref<40960x128xf32, #tpu.memory_space<hbm>> -> memref<640x128xf32, #tpu.memory_space<hbm>>
      %dma_start3A_155 = arith.constant 0 : i32
      %dma_start3A_156 = tpu.memref_slice %arg10[%mul3A_152, %dma_start3A_155] : memref<10240x128xf32, #tpu.memory_space<vmem_shared>> -> memref<640x128xf32, #tpu.memory_space<vmem_shared>>
      tpu.enqueue_dma source(%dma_start3A_156 : memref<640x128xf32, #tpu.memory_space<vmem_shared>>) target(%dma_start3A_154 : memref<640x128xf32, #tpu.memory_space<hbm>>) target_semaphore(%run_scoped3A : memref<!tpu.dma_semaphore, #tpu.memory_space<semaphore_mem>>)
      %dma_wait3A_157 = arith.constant 0 : i32
      %dma_wait3A_158 = tpu.memref_slice %arg9[%add3A_150, %dma_wait3A_157] : memref<40960x128xf32, #tpu.memory_space<hbm>> -> memref<640x128xf32, #tpu.memory_space<hbm>>
      %dma_wait3A_159 = arith.constant 0 : i32
      %dma_wait3A_160 = tpu.memref_slice %arg10[%mul3A_152, %dma_wait3A_159] : memref<10240x128xf32, #tpu.memory_space<vmem_shared>> -> memref<640x128xf32, #tpu.memory_space<vmem_shared>>
      tpu.wait_dma2 semaphore(%run_scoped3A : memref<!tpu.dma_semaphore, #tpu.memory_space<semaphore_mem>>) src(%dma_wait3A_160 : memref<640x128xf32, #tpu.memory_space<vmem_shared>>) dst(%dma_wait3A_158 : memref<640x128xf32, #tpu.memory_space<hbm>>)
      tpu.yield
    }) : () -> ()
    return
  }
}

#map = affine_map<(d0, d1) -> (0)>
#map1 = affine_map<(d0, d1) -> (0, 0)>
module attributes {stable_mosaic.version = 14 : i64} {
  func.func @_sc_counts(%arg0: i32, %arg1: i32, %arg2: memref<327680xi32, #tpu.memory_space<hbm>>, %arg3: memref<327680xi32, #tpu.memory_space<hbm>>, %arg4: memref<327680xi32, #tpu.memory_space<hbm>>, %arg5: memref<128x128xf32, #tpu.memory_space<hbm>>, %arg6: memref<640x128xf32, #tpu.memory_space<hbm>>, %arg7: memref<61440x128xf32, #tpu.memory_space<hbm>>, %arg8: memref<10240x128xf32, #tpu.memory_space<vmem_shared>>, %arg9: memref<128x128xf32, #tpu.memory_space<vmem>>, %arg10: memref<128xi32, #tpu.memory_space<vmem>>, %arg11: memref<128xi32, #tpu.memory_space<vmem>>, %arg12: memref<!tpu.dma_semaphore, #tpu.memory_space<semaphore_mem>>, %arg13: memref<!tpu.dma_semaphore, #tpu.memory_space<semaphore_mem>>) attributes {dimension_semantics = [#tpu.dimension_semantics<core_parallel>, #tpu.dimension_semantics<subcore_parallel>], iteration_bounds = array<i64: 2, 16>, scalar_prefetch = 0 : i64, scratch_operands = 6 : i64, tpu.core_type = #tpu.core_type<sc_vector_subcore>, window_params = [{transform_indices = #map}, {transform_indices = #map}, {transform_indices = #map}, {transform_indices = #map1}, {transform_indices = #map1}, {transform_indices = #map1}]} {
    %mul3A = arith.constant 2 : i32
    %mul3A_0 = arith.muli %arg1, %mul3A : i32
    %add3A = arith.addi %mul3A_0, %arg0 : i32
    "tpu.region"() ({
      %run_scoped3A = tpu.sem_alloc : memref<!tpu.dma_semaphore, #tpu.memory_space<semaphore_mem>>
      tpu.enqueue_dma source(%arg5 : memref<128x128xf32, #tpu.memory_space<hbm>>) target(%arg9 : memref<128x128xf32, #tpu.memory_space<vmem>>) target_semaphore(%run_scoped3A : memref<!tpu.dma_semaphore, #tpu.memory_space<semaphore_mem>>)
      tpu.wait_dma2 semaphore(%run_scoped3A : memref<!tpu.dma_semaphore, #tpu.memory_space<semaphore_mem>>) src(%arg5 : memref<128x128xf32, #tpu.memory_space<hbm>>) dst(%arg9 : memref<128x128xf32, #tpu.memory_space<vmem>>)
      tpu.yield
    }) : () -> ()
    %mul3A_1 = arith.constant 640 : i32
    %mul3A_2 = arith.muli %arg1, %mul3A_1 : i32
    "tpu.region"() ({
      %run_scoped3A = tpu.sem_alloc : memref<!tpu.dma_semaphore, #tpu.memory_space<semaphore_mem>>
      %dma_start3A = arith.constant 0 : i32
      %dma_start3A_64 = tpu.memref_slice %arg8[%mul3A_2, %dma_start3A] : memref<10240x128xf32, #tpu.memory_space<vmem_shared>> -> memref<640x128xf32, #tpu.memory_space<vmem_shared>>
      tpu.enqueue_dma source(%arg6 : memref<640x128xf32, #tpu.memory_space<hbm>>) target(%dma_start3A_64 : memref<640x128xf32, #tpu.memory_space<vmem_shared>>) target_semaphore(%run_scoped3A : memref<!tpu.dma_semaphore, #tpu.memory_space<semaphore_mem>>)
      %dma_wait3A = arith.constant 0 : i32
      %dma_wait3A_65 = tpu.memref_slice %arg8[%mul3A_2, %dma_wait3A] : memref<10240x128xf32, #tpu.memory_space<vmem_shared>> -> memref<640x128xf32, #tpu.memory_space<vmem_shared>>
      tpu.wait_dma2 semaphore(%run_scoped3A : memref<!tpu.dma_semaphore, #tpu.memory_space<semaphore_mem>>) src(%arg6 : memref<640x128xf32, #tpu.memory_space<hbm>>) dst(%dma_wait3A_65 : memref<640x128xf32, #tpu.memory_space<vmem_shared>>)
      tpu.yield
    }) : () -> ()
    %barrier3A = arith.constant 0 : index
    tpu.barrier barrier_id(%barrier3A)
    %scan3A = arith.constant 0 : i32
    %scan3A_3 = arith.constant 0 : i32
    %scan3A_4 = arith.constant 40 : i32
    %scan3A_5 = arith.addi %scan3A_3, %scan3A_4 : i32
    %scan3A_6 = arith.constant 1 : i32
    scf.for %scan3A_64 = %scan3A_3 to %scan3A_5 step %scan3A_6  : i32 {
      %mul3A_65 = arith.constant 80 : i32
      %mul3A_66 = arith.muli %add3A, %mul3A_65 : i32
      %mul3A_67 = arith.constant 2 : i32
      %mul3A_68 = arith.muli %scan3A_64, %mul3A_67 : i32
      %add3A_69 = arith.addi %mul3A_66, %mul3A_68 : i32
      %add3A_70 = arith.constant 0 : i32
      %add3A_71 = arith.addi %add3A_69, %add3A_70 : i32
      %mul3A_72 = arith.constant 128 : i32
      %mul3A_73 = arith.muli %add3A_71, %mul3A_72 : i32
      %multiple_of3A = tpu.assume_multiple %mul3A_73, 128 : i32
      "tpu.region"() ({
        %run_scoped3A = tpu.sem_alloc : memref<!tpu.dma_semaphore, #tpu.memory_space<semaphore_mem>>
        %dma_start3A = tpu.memref_slice %arg2[%multiple_of3A] : memref<327680xi32, #tpu.memory_space<hbm>> -> memref<128xi32, #tpu.memory_space<hbm>>
        %dma_start3A_84 = tpu.memref_slice %arg2[%multiple_of3A] : memref<327680xi32, #tpu.memory_space<hbm>> -> memref<128xi32, #tpu.memory_space<hbm>>
        tpu.enqueue_dma source(%dma_start3A_84 : memref<128xi32, #tpu.memory_space<hbm>>) target(%arg10 : memref<128xi32, #tpu.memory_space<vmem>>) target_semaphore(%run_scoped3A : memref<!tpu.dma_semaphore, #tpu.memory_space<semaphore_mem>>)
        %dma_wait3A = tpu.memref_slice %arg2[%multiple_of3A] : memref<327680xi32, #tpu.memory_space<hbm>> -> memref<128xi32, #tpu.memory_space<hbm>>
        %dma_wait3A_85 = tpu.memref_slice %arg2[%multiple_of3A] : memref<327680xi32, #tpu.memory_space<hbm>> -> memref<128xi32, #tpu.memory_space<hbm>>
        tpu.wait_dma2 semaphore(%run_scoped3A : memref<!tpu.dma_semaphore, #tpu.memory_space<semaphore_mem>>) src(%dma_wait3A_85 : memref<128xi32, #tpu.memory_space<hbm>>) dst(%arg10 : memref<128xi32, #tpu.memory_space<vmem>>)
        tpu.yield
      }) : () -> ()
      %mul3A_74 = arith.constant 80 : i32
      %mul3A_75 = arith.muli %add3A, %mul3A_74 : i32
      %mul3A_76 = arith.constant 2 : i32
      %mul3A_77 = arith.muli %scan3A_64, %mul3A_76 : i32
      %add3A_78 = arith.addi %mul3A_75, %mul3A_77 : i32
      %add3A_79 = arith.constant 1 : i32
      %add3A_80 = arith.addi %add3A_78, %add3A_79 : i32
      %mul3A_81 = arith.constant 128 : i32
      %mul3A_82 = arith.muli %add3A_80, %mul3A_81 : i32
      %multiple_of3A_83 = tpu.assume_multiple %mul3A_82, 128 : i32
      "tpu.region"() ({
        %run_scoped3A = tpu.sem_alloc : memref<!tpu.dma_semaphore, #tpu.memory_space<semaphore_mem>>
        %dma_start3A = tpu.memref_slice %arg2[%multiple_of3A_83] : memref<327680xi32, #tpu.memory_space<hbm>> -> memref<128xi32, #tpu.memory_space<hbm>>
        %dma_start3A_84 = tpu.memref_slice %arg2[%multiple_of3A_83] : memref<327680xi32, #tpu.memory_space<hbm>> -> memref<128xi32, #tpu.memory_space<hbm>>
        tpu.enqueue_dma source(%dma_start3A_84 : memref<128xi32, #tpu.memory_space<hbm>>) target(%arg11 : memref<128xi32, #tpu.memory_space<vmem>>) target_semaphore(%run_scoped3A : memref<!tpu.dma_semaphore, #tpu.memory_space<semaphore_mem>>)
        %dma_wait3A = tpu.memref_slice %arg2[%multiple_of3A_83] : memref<327680xi32, #tpu.memory_space<hbm>> -> memref<128xi32, #tpu.memory_space<hbm>>
        %dma_wait3A_85 = tpu.memref_slice %arg2[%multiple_of3A_83] : memref<327680xi32, #tpu.memory_space<hbm>> -> memref<128xi32, #tpu.memory_space<hbm>>
        tpu.wait_dma2 semaphore(%run_scoped3A : memref<!tpu.dma_semaphore, #tpu.memory_space<semaphore_mem>>) src(%dma_wait3A_85 : memref<128xi32, #tpu.memory_space<hbm>>) dst(%arg11 : memref<128xi32, #tpu.memory_space<vmem>>)
        tpu.yield
      }) : () -> ()
      "tpu.region"() ({
        %run_scoped3A = tpu.sem_alloc : memref<!tpu.dma_semaphore, #tpu.memory_space<semaphore_mem>>
        %dma_start3A = arith.constant 0 : i32
        %dma_start3A_84 = arith.constant 0 : i32
        %dma_start3A_85 = tpu.memref_slice %arg8[%dma_start3A, %dma_start3A_84] : memref<10240x128xf32, #tpu.memory_space<vmem_shared>> -> memref<10240x128xf32, #tpu.memory_space<vmem_shared>>
        tpu.enqueue_indirect_dma source(%arg9 : memref<128x128xf32, #tpu.memory_space<vmem>>) target(%dma_start3A_85 : memref<10240x128xf32, #tpu.memory_space<vmem_shared>>) offsets(%arg10 : memref<128xi32, #tpu.memory_space<vmem>>) semaphore(%run_scoped3A : memref<!tpu.dma_semaphore, #tpu.memory_space<semaphore_mem>>) {add = true}
        %dma_wait3A = arith.constant 0 : i32
        %dma_wait3A_86 = arith.constant 0 : i32
        %dma_wait3A_87 = tpu.memref_slice %arg8[%dma_wait3A, %dma_wait3A_86] : memref<10240x128xf32, #tpu.memory_space<vmem_shared>> -> memref<10240x128xf32, #tpu.memory_space<vmem_shared>>
        tpu.wait_indirect_dma semaphore(%run_scoped3A : memref<!tpu.dma_semaphore, #tpu.memory_space<semaphore_mem>>) src(%arg9 : memref<128x128xf32, #tpu.memory_space<vmem>>) dst(%dma_wait3A_87 : memref<10240x128xf32, #tpu.memory_space<vmem_shared>>)
        tpu.yield
      }) : () -> ()
      "tpu.region"() ({
        %run_scoped3A = tpu.sem_alloc : memref<!tpu.dma_semaphore, #tpu.memory_space<semaphore_mem>>
        %dma_start3A = arith.constant 0 : i32
        %dma_start3A_84 = arith.constant 0 : i32
        %dma_start3A_85 = tpu.memref_slice %arg8[%dma_start3A, %dma_start3A_84] : memref<10240x128xf32, #tpu.memory_space<vmem_shared>> -> memref<10240x128xf32, #tpu.memory_space<vmem_shared>>
        tpu.enqueue_indirect_dma source(%arg9 : memref<128x128xf32, #tpu.memory_space<vmem>>) target(%dma_start3A_85 : memref<10240x128xf32, #tpu.memory_space<vmem_shared>>) offsets(%arg11 : memref<128xi32, #tpu.memory_space<vmem>>) semaphore(%run_scoped3A : memref<!tpu.dma_semaphore, #tpu.memory_space<semaphore_mem>>) {add = true}
        %dma_wait3A = arith.constant 0 : i32
        %dma_wait3A_86 = arith.constant 0 : i32
        %dma_wait3A_87 = tpu.memref_slice %arg8[%dma_wait3A, %dma_wait3A_86] : memref<10240x128xf32, #tpu.memory_space<vmem_shared>> -> memref<10240x128xf32, #tpu.memory_space<vmem_shared>>
        tpu.wait_indirect_dma semaphore(%run_scoped3A : memref<!tpu.dma_semaphore, #tpu.memory_space<semaphore_mem>>) src(%arg9 : memref<128x128xf32, #tpu.memory_space<vmem>>) dst(%dma_wait3A_87 : memref<10240x128xf32, #tpu.memory_space<vmem_shared>>)
        tpu.yield
      }) : () -> ()
    }
    %scan3A_7 = arith.constant 40 : i32
    %barrier3A_8 = arith.constant 0 : index
    tpu.barrier barrier_id(%barrier3A_8)
    %mul3A_9 = arith.constant 3 : i32
    %mul3A_10 = arith.muli %arg0, %mul3A_9 : i32
    %add3A_11 = arith.constant 0 : i32
    %add3A_12 = arith.addi %mul3A_10, %add3A_11 : i32
    %mul3A_13 = arith.constant 10240 : i32
    %mul3A_14 = arith.muli %add3A_12, %mul3A_13 : i32
    %mul3A_15 = arith.constant 640 : i32
    %mul3A_16 = arith.muli %arg1, %mul3A_15 : i32
    %add3A_17 = arith.addi %mul3A_14, %mul3A_16 : i32
    %mul3A_18 = arith.constant 640 : i32
    %mul3A_19 = arith.muli %arg1, %mul3A_18 : i32
    "tpu.region"() ({
      %run_scoped3A = tpu.sem_alloc : memref<!tpu.dma_semaphore, #tpu.memory_space<semaphore_mem>>
      %dma_start3A = arith.constant 0 : i32
      %dma_start3A_64 = tpu.memref_slice %arg7[%add3A_17, %dma_start3A] : memref<61440x128xf32, #tpu.memory_space<hbm>> -> memref<640x128xf32, #tpu.memory_space<hbm>>
      %dma_start3A_65 = arith.constant 0 : i32
      %dma_start3A_66 = tpu.memref_slice %arg8[%mul3A_19, %dma_start3A_65] : memref<10240x128xf32, #tpu.memory_space<vmem_shared>> -> memref<640x128xf32, #tpu.memory_space<vmem_shared>>
      tpu.enqueue_dma source(%dma_start3A_66 : memref<640x128xf32, #tpu.memory_space<vmem_shared>>) target(%dma_start3A_64 : memref<640x128xf32, #tpu.memory_space<hbm>>) target_semaphore(%run_scoped3A : memref<!tpu.dma_semaphore, #tpu.memory_space<semaphore_mem>>)
      %dma_wait3A = arith.constant 0 : i32
      %dma_wait3A_67 = tpu.memref_slice %arg7[%add3A_17, %dma_wait3A] : memref<61440x128xf32, #tpu.memory_space<hbm>> -> memref<640x128xf32, #tpu.memory_space<hbm>>
      %dma_wait3A_68 = arith.constant 0 : i32
      %dma_wait3A_69 = tpu.memref_slice %arg8[%mul3A_19, %dma_wait3A_68] : memref<10240x128xf32, #tpu.memory_space<vmem_shared>> -> memref<640x128xf32, #tpu.memory_space<vmem_shared>>
      tpu.wait_dma2 semaphore(%run_scoped3A : memref<!tpu.dma_semaphore, #tpu.memory_space<semaphore_mem>>) src(%dma_wait3A_69 : memref<640x128xf32, #tpu.memory_space<vmem_shared>>) dst(%dma_wait3A_67 : memref<640x128xf32, #tpu.memory_space<hbm>>)
      tpu.yield
    }) : () -> ()
    %barrier3A_20 = arith.constant 0 : index
    tpu.barrier barrier_id(%barrier3A_20)
    %mul3A_21 = arith.constant 640 : i32
    %mul3A_22 = arith.muli %arg1, %mul3A_21 : i32
    "tpu.region"() ({
      %run_scoped3A = tpu.sem_alloc : memref<!tpu.dma_semaphore, #tpu.memory_space<semaphore_mem>>
      %dma_start3A = arith.constant 0 : i32
      %dma_start3A_64 = tpu.memref_slice %arg8[%mul3A_22, %dma_start3A] : memref<10240x128xf32, #tpu.memory_space<vmem_shared>> -> memref<640x128xf32, #tpu.memory_space<vmem_shared>>
      tpu.enqueue_dma source(%arg6 : memref<640x128xf32, #tpu.memory_space<hbm>>) target(%dma_start3A_64 : memref<640x128xf32, #tpu.memory_space<vmem_shared>>) target_semaphore(%run_scoped3A : memref<!tpu.dma_semaphore, #tpu.memory_space<semaphore_mem>>)
      %dma_wait3A = arith.constant 0 : i32
      %dma_wait3A_65 = tpu.memref_slice %arg8[%mul3A_22, %dma_wait3A] : memref<10240x128xf32, #tpu.memory_space<vmem_shared>> -> memref<640x128xf32, #tpu.memory_space<vmem_shared>>
      tpu.wait_dma2 semaphore(%run_scoped3A : memref<!tpu.dma_semaphore, #tpu.memory_space<semaphore_mem>>) src(%arg6 : memref<640x128xf32, #tpu.memory_space<hbm>>) dst(%dma_wait3A_65 : memref<640x128xf32, #tpu.memory_space<vmem_shared>>)
      tpu.yield
    }) : () -> ()
    %barrier3A_23 = arith.constant 0 : index
    tpu.barrier barrier_id(%barrier3A_23)
    %scan3A_24 = arith.constant 0 : i32
    %scan3A_25 = arith.constant 0 : i32
    %scan3A_26 = arith.constant 40 : i32
    %scan3A_27 = arith.addi %scan3A_25, %scan3A_26 : i32
    %scan3A_28 = arith.constant 1 : i32
    scf.for %scan3A_64 = %scan3A_25 to %scan3A_27 step %scan3A_28  : i32 {
      %mul3A_65 = arith.constant 80 : i32
      %mul3A_66 = arith.muli %add3A, %mul3A_65 : i32
      %mul3A_67 = arith.constant 2 : i32
      %mul3A_68 = arith.muli %scan3A_64, %mul3A_67 : i32
      %add3A_69 = arith.addi %mul3A_66, %mul3A_68 : i32
      %add3A_70 = arith.constant 0 : i32
      %add3A_71 = arith.addi %add3A_69, %add3A_70 : i32
      %mul3A_72 = arith.constant 128 : i32
      %mul3A_73 = arith.muli %add3A_71, %mul3A_72 : i32
      %multiple_of3A = tpu.assume_multiple %mul3A_73, 128 : i32
      "tpu.region"() ({
        %run_scoped3A = tpu.sem_alloc : memref<!tpu.dma_semaphore, #tpu.memory_space<semaphore_mem>>
        %dma_start3A = tpu.memref_slice %arg3[%multiple_of3A] : memref<327680xi32, #tpu.memory_space<hbm>> -> memref<128xi32, #tpu.memory_space<hbm>>
        %dma_start3A_84 = tpu.memref_slice %arg3[%multiple_of3A] : memref<327680xi32, #tpu.memory_space<hbm>> -> memref<128xi32, #tpu.memory_space<hbm>>
        tpu.enqueue_dma source(%dma_start3A_84 : memref<128xi32, #tpu.memory_space<hbm>>) target(%arg10 : memref<128xi32, #tpu.memory_space<vmem>>) target_semaphore(%run_scoped3A : memref<!tpu.dma_semaphore, #tpu.memory_space<semaphore_mem>>)
        %dma_wait3A = tpu.memref_slice %arg3[%multiple_of3A] : memref<327680xi32, #tpu.memory_space<hbm>> -> memref<128xi32, #tpu.memory_space<hbm>>
        %dma_wait3A_85 = tpu.memref_slice %arg3[%multiple_of3A] : memref<327680xi32, #tpu.memory_space<hbm>> -> memref<128xi32, #tpu.memory_space<hbm>>
        tpu.wait_dma2 semaphore(%run_scoped3A : memref<!tpu.dma_semaphore, #tpu.memory_space<semaphore_mem>>) src(%dma_wait3A_85 : memref<128xi32, #tpu.memory_space<hbm>>) dst(%arg10 : memref<128xi32, #tpu.memory_space<vmem>>)
        tpu.yield
      }) : () -> ()
      %mul3A_74 = arith.constant 80 : i32
      %mul3A_75 = arith.muli %add3A, %mul3A_74 : i32
      %mul3A_76 = arith.constant 2 : i32
      %mul3A_77 = arith.muli %scan3A_64, %mul3A_76 : i32
      %add3A_78 = arith.addi %mul3A_75, %mul3A_77 : i32
      %add3A_79 = arith.constant 1 : i32
      %add3A_80 = arith.addi %add3A_78, %add3A_79 : i32
      %mul3A_81 = arith.constant 128 : i32
      %mul3A_82 = arith.muli %add3A_80, %mul3A_81 : i32
      %multiple_of3A_83 = tpu.assume_multiple %mul3A_82, 128 : i32
      "tpu.region"() ({
        %run_scoped3A = tpu.sem_alloc : memref<!tpu.dma_semaphore, #tpu.memory_space<semaphore_mem>>
        %dma_start3A = tpu.memref_slice %arg3[%multiple_of3A_83] : memref<327680xi32, #tpu.memory_space<hbm>> -> memref<128xi32, #tpu.memory_space<hbm>>
        %dma_start3A_84 = tpu.memref_slice %arg3[%multiple_of3A_83] : memref<327680xi32, #tpu.memory_space<hbm>> -> memref<128xi32, #tpu.memory_space<hbm>>
        tpu.enqueue_dma source(%dma_start3A_84 : memref<128xi32, #tpu.memory_space<hbm>>) target(%arg11 : memref<128xi32, #tpu.memory_space<vmem>>) target_semaphore(%run_scoped3A : memref<!tpu.dma_semaphore, #tpu.memory_space<semaphore_mem>>)
        %dma_wait3A = tpu.memref_slice %arg3[%multiple_of3A_83] : memref<327680xi32, #tpu.memory_space<hbm>> -> memref<128xi32, #tpu.memory_space<hbm>>
        %dma_wait3A_85 = tpu.memref_slice %arg3[%multiple_of3A_83] : memref<327680xi32, #tpu.memory_space<hbm>> -> memref<128xi32, #tpu.memory_space<hbm>>
        tpu.wait_dma2 semaphore(%run_scoped3A : memref<!tpu.dma_semaphore, #tpu.memory_space<semaphore_mem>>) src(%dma_wait3A_85 : memref<128xi32, #tpu.memory_space<hbm>>) dst(%arg11 : memref<128xi32, #tpu.memory_space<vmem>>)
        tpu.yield
      }) : () -> ()
      "tpu.region"() ({
        %run_scoped3A = tpu.sem_alloc : memref<!tpu.dma_semaphore, #tpu.memory_space<semaphore_mem>>
        %dma_start3A = arith.constant 0 : i32
        %dma_start3A_84 = arith.constant 0 : i32
        %dma_start3A_85 = tpu.memref_slice %arg8[%dma_start3A, %dma_start3A_84] : memref<10240x128xf32, #tpu.memory_space<vmem_shared>> -> memref<10240x128xf32, #tpu.memory_space<vmem_shared>>
        tpu.enqueue_indirect_dma source(%arg9 : memref<128x128xf32, #tpu.memory_space<vmem>>) target(%dma_start3A_85 : memref<10240x128xf32, #tpu.memory_space<vmem_shared>>) offsets(%arg10 : memref<128xi32, #tpu.memory_space<vmem>>) semaphore(%run_scoped3A : memref<!tpu.dma_semaphore, #tpu.memory_space<semaphore_mem>>) {add = true}
        %dma_wait3A = arith.constant 0 : i32
        %dma_wait3A_86 = arith.constant 0 : i32
        %dma_wait3A_87 = tpu.memref_slice %arg8[%dma_wait3A, %dma_wait3A_86] : memref<10240x128xf32, #tpu.memory_space<vmem_shared>> -> memref<10240x128xf32, #tpu.memory_space<vmem_shared>>
        tpu.wait_indirect_dma semaphore(%run_scoped3A : memref<!tpu.dma_semaphore, #tpu.memory_space<semaphore_mem>>) src(%arg9 : memref<128x128xf32, #tpu.memory_space<vmem>>) dst(%dma_wait3A_87 : memref<10240x128xf32, #tpu.memory_space<vmem_shared>>)
        tpu.yield
      }) : () -> ()
      "tpu.region"() ({
        %run_scoped3A = tpu.sem_alloc : memref<!tpu.dma_semaphore, #tpu.memory_space<semaphore_mem>>
        %dma_start3A = arith.constant 0 : i32
        %dma_start3A_84 = arith.constant 0 : i32
        %dma_start3A_85 = tpu.memref_slice %arg8[%dma_start3A, %dma_start3A_84] : memref<10240x128xf32, #tpu.memory_space<vmem_shared>> -> memref<10240x128xf32, #tpu.memory_space<vmem_shared>>
        tpu.enqueue_indirect_dma source(%arg9 : memref<128x128xf32, #tpu.memory_space<vmem>>) target(%dma_start3A_85 : memref<10240x128xf32, #tpu.memory_space<vmem_shared>>) offsets(%arg11 : memref<128xi32, #tpu.memory_space<vmem>>) semaphore(%run_scoped3A : memref<!tpu.dma_semaphore, #tpu.memory_space<semaphore_mem>>) {add = true}
        %dma_wait3A = arith.constant 0 : i32
        %dma_wait3A_86 = arith.constant 0 : i32
        %dma_wait3A_87 = tpu.memref_slice %arg8[%dma_wait3A, %dma_wait3A_86] : memref<10240x128xf32, #tpu.memory_space<vmem_shared>> -> memref<10240x128xf32, #tpu.memory_space<vmem_shared>>
        tpu.wait_indirect_dma semaphore(%run_scoped3A : memref<!tpu.dma_semaphore, #tpu.memory_space<semaphore_mem>>) src(%arg9 : memref<128x128xf32, #tpu.memory_space<vmem>>) dst(%dma_wait3A_87 : memref<10240x128xf32, #tpu.memory_space<vmem_shared>>)
        tpu.yield
      }) : () -> ()
    }
    %scan3A_29 = arith.constant 40 : i32
    %barrier3A_30 = arith.constant 0 : index
    tpu.barrier barrier_id(%barrier3A_30)
    %mul3A_31 = arith.constant 3 : i32
    %mul3A_32 = arith.muli %arg0, %mul3A_31 : i32
    %add3A_33 = arith.constant 1 : i32
    %add3A_34 = arith.addi %mul3A_32, %add3A_33 : i32
    %mul3A_35 = arith.constant 10240 : i32
    %mul3A_36 = arith.muli %add3A_34, %mul3A_35 : i32
    %mul3A_37 = arith.constant 640 : i32
    %mul3A_38 = arith.muli %arg1, %mul3A_37 : i32
    %add3A_39 = arith.addi %mul3A_36, %mul3A_38 : i32
    %mul3A_40 = arith.constant 640 : i32
    %mul3A_41 = arith.muli %arg1, %mul3A_40 : i32
    "tpu.region"() ({
      %run_scoped3A = tpu.sem_alloc : memref<!tpu.dma_semaphore, #tpu.memory_space<semaphore_mem>>
      %dma_start3A = arith.constant 0 : i32
      %dma_start3A_64 = tpu.memref_slice %arg7[%add3A_39, %dma_start3A] : memref<61440x128xf32, #tpu.memory_space<hbm>> -> memref<640x128xf32, #tpu.memory_space<hbm>>
      %dma_start3A_65 = arith.constant 0 : i32
      %dma_start3A_66 = tpu.memref_slice %arg8[%mul3A_41, %dma_start3A_65] : memref<10240x128xf32, #tpu.memory_space<vmem_shared>> -> memref<640x128xf32, #tpu.memory_space<vmem_shared>>
      tpu.enqueue_dma source(%dma_start3A_66 : memref<640x128xf32, #tpu.memory_space<vmem_shared>>) target(%dma_start3A_64 : memref<640x128xf32, #tpu.memory_space<hbm>>) target_semaphore(%run_scoped3A : memref<!tpu.dma_semaphore, #tpu.memory_space<semaphore_mem>>)
      %dma_wait3A = arith.constant 0 : i32
      %dma_wait3A_67 = tpu.memref_slice %arg7[%add3A_39, %dma_wait3A] : memref<61440x128xf32, #tpu.memory_space<hbm>> -> memref<640x128xf32, #tpu.memory_space<hbm>>
      %dma_wait3A_68 = arith.constant 0 : i32
      %dma_wait3A_69 = tpu.memref_slice %arg8[%mul3A_41, %dma_wait3A_68] : memref<10240x128xf32, #tpu.memory_space<vmem_shared>> -> memref<640x128xf32, #tpu.memory_space<vmem_shared>>
      tpu.wait_dma2 semaphore(%run_scoped3A : memref<!tpu.dma_semaphore, #tpu.memory_space<semaphore_mem>>) src(%dma_wait3A_69 : memref<640x128xf32, #tpu.memory_space<vmem_shared>>) dst(%dma_wait3A_67 : memref<640x128xf32, #tpu.memory_space<hbm>>)
      tpu.yield
    }) : () -> ()
    %barrier3A_42 = arith.constant 0 : index
    tpu.barrier barrier_id(%barrier3A_42)
    %mul3A_43 = arith.constant 640 : i32
    %mul3A_44 = arith.muli %arg1, %mul3A_43 : i32
    "tpu.region"() ({
      %run_scoped3A = tpu.sem_alloc : memref<!tpu.dma_semaphore, #tpu.memory_space<semaphore_mem>>
      %dma_start3A = arith.constant 0 : i32
      %dma_start3A_64 = tpu.memref_slice %arg8[%mul3A_44, %dma_start3A] : memref<10240x128xf32, #tpu.memory_space<vmem_shared>> -> memref<640x128xf32, #tpu.memory_space<vmem_shared>>
      tpu.enqueue_dma source(%arg6 : memref<640x128xf32, #tpu.memory_space<hbm>>) target(%dma_start3A_64 : memref<640x128xf32, #tpu.memory_space<vmem_shared>>) target_semaphore(%run_scoped3A : memref<!tpu.dma_semaphore, #tpu.memory_space<semaphore_mem>>)
      %dma_wait3A = arith.constant 0 : i32
      %dma_wait3A_65 = tpu.memref_slice %arg8[%mul3A_44, %dma_wait3A] : memref<10240x128xf32, #tpu.memory_space<vmem_shared>> -> memref<640x128xf32, #tpu.memory_space<vmem_shared>>
      tpu.wait_dma2 semaphore(%run_scoped3A : memref<!tpu.dma_semaphore, #tpu.memory_space<semaphore_mem>>) src(%arg6 : memref<640x128xf32, #tpu.memory_space<hbm>>) dst(%dma_wait3A_65 : memref<640x128xf32, #tpu.memory_space<vmem_shared>>)
      tpu.yield
    }) : () -> ()
    %barrier3A_45 = arith.constant 0 : index
    tpu.barrier barrier_id(%barrier3A_45)
    %scan3A_46 = arith.constant 0 : i32
    %scan3A_47 = arith.constant 0 : i32
    %scan3A_48 = arith.constant 40 : i32
    %scan3A_49 = arith.addi %scan3A_47, %scan3A_48 : i32
    %scan3A_50 = arith.constant 1 : i32
    scf.for %scan3A_64 = %scan3A_47 to %scan3A_49 step %scan3A_50  : i32 {
      %mul3A_65 = arith.constant 80 : i32
      %mul3A_66 = arith.muli %add3A, %mul3A_65 : i32
      %mul3A_67 = arith.constant 2 : i32
      %mul3A_68 = arith.muli %scan3A_64, %mul3A_67 : i32
      %add3A_69 = arith.addi %mul3A_66, %mul3A_68 : i32
      %add3A_70 = arith.constant 0 : i32
      %add3A_71 = arith.addi %add3A_69, %add3A_70 : i32
      %mul3A_72 = arith.constant 128 : i32
      %mul3A_73 = arith.muli %add3A_71, %mul3A_72 : i32
      %multiple_of3A = tpu.assume_multiple %mul3A_73, 128 : i32
      "tpu.region"() ({
        %run_scoped3A = tpu.sem_alloc : memref<!tpu.dma_semaphore, #tpu.memory_space<semaphore_mem>>
        %dma_start3A = tpu.memref_slice %arg4[%multiple_of3A] : memref<327680xi32, #tpu.memory_space<hbm>> -> memref<128xi32, #tpu.memory_space<hbm>>
        %dma_start3A_84 = tpu.memref_slice %arg4[%multiple_of3A] : memref<327680xi32, #tpu.memory_space<hbm>> -> memref<128xi32, #tpu.memory_space<hbm>>
        tpu.enqueue_dma source(%dma_start3A_84 : memref<128xi32, #tpu.memory_space<hbm>>) target(%arg10 : memref<128xi32, #tpu.memory_space<vmem>>) target_semaphore(%run_scoped3A : memref<!tpu.dma_semaphore, #tpu.memory_space<semaphore_mem>>)
        %dma_wait3A = tpu.memref_slice %arg4[%multiple_of3A] : memref<327680xi32, #tpu.memory_space<hbm>> -> memref<128xi32, #tpu.memory_space<hbm>>
        %dma_wait3A_85 = tpu.memref_slice %arg4[%multiple_of3A] : memref<327680xi32, #tpu.memory_space<hbm>> -> memref<128xi32, #tpu.memory_space<hbm>>
        tpu.wait_dma2 semaphore(%run_scoped3A : memref<!tpu.dma_semaphore, #tpu.memory_space<semaphore_mem>>) src(%dma_wait3A_85 : memref<128xi32, #tpu.memory_space<hbm>>) dst(%arg10 : memref<128xi32, #tpu.memory_space<vmem>>)
        tpu.yield
      }) : () -> ()
      %mul3A_74 = arith.constant 80 : i32
      %mul3A_75 = arith.muli %add3A, %mul3A_74 : i32
      %mul3A_76 = arith.constant 2 : i32
      %mul3A_77 = arith.muli %scan3A_64, %mul3A_76 : i32
      %add3A_78 = arith.addi %mul3A_75, %mul3A_77 : i32
      %add3A_79 = arith.constant 1 : i32
      %add3A_80 = arith.addi %add3A_78, %add3A_79 : i32
      %mul3A_81 = arith.constant 128 : i32
      %mul3A_82 = arith.muli %add3A_80, %mul3A_81 : i32
      %multiple_of3A_83 = tpu.assume_multiple %mul3A_82, 128 : i32
      "tpu.region"() ({
        %run_scoped3A = tpu.sem_alloc : memref<!tpu.dma_semaphore, #tpu.memory_space<semaphore_mem>>
        %dma_start3A = tpu.memref_slice %arg4[%multiple_of3A_83] : memref<327680xi32, #tpu.memory_space<hbm>> -> memref<128xi32, #tpu.memory_space<hbm>>
        %dma_start3A_84 = tpu.memref_slice %arg4[%multiple_of3A_83] : memref<327680xi32, #tpu.memory_space<hbm>> -> memref<128xi32, #tpu.memory_space<hbm>>
        tpu.enqueue_dma source(%dma_start3A_84 : memref<128xi32, #tpu.memory_space<hbm>>) target(%arg11 : memref<128xi32, #tpu.memory_space<vmem>>) target_semaphore(%run_scoped3A : memref<!tpu.dma_semaphore, #tpu.memory_space<semaphore_mem>>)
        %dma_wait3A = tpu.memref_slice %arg4[%multiple_of3A_83] : memref<327680xi32, #tpu.memory_space<hbm>> -> memref<128xi32, #tpu.memory_space<hbm>>
        %dma_wait3A_85 = tpu.memref_slice %arg4[%multiple_of3A_83] : memref<327680xi32, #tpu.memory_space<hbm>> -> memref<128xi32, #tpu.memory_space<hbm>>
        tpu.wait_dma2 semaphore(%run_scoped3A : memref<!tpu.dma_semaphore, #tpu.memory_space<semaphore_mem>>) src(%dma_wait3A_85 : memref<128xi32, #tpu.memory_space<hbm>>) dst(%arg11 : memref<128xi32, #tpu.memory_space<vmem>>)
        tpu.yield
      }) : () -> ()
      "tpu.region"() ({
        %run_scoped3A = tpu.sem_alloc : memref<!tpu.dma_semaphore, #tpu.memory_space<semaphore_mem>>
        %dma_start3A = arith.constant 0 : i32
        %dma_start3A_84 = arith.constant 0 : i32
        %dma_start3A_85 = tpu.memref_slice %arg8[%dma_start3A, %dma_start3A_84] : memref<10240x128xf32, #tpu.memory_space<vmem_shared>> -> memref<10240x128xf32, #tpu.memory_space<vmem_shared>>
        tpu.enqueue_indirect_dma source(%arg9 : memref<128x128xf32, #tpu.memory_space<vmem>>) target(%dma_start3A_85 : memref<10240x128xf32, #tpu.memory_space<vmem_shared>>) offsets(%arg10 : memref<128xi32, #tpu.memory_space<vmem>>) semaphore(%run_scoped3A : memref<!tpu.dma_semaphore, #tpu.memory_space<semaphore_mem>>) {add = true}
        %dma_wait3A = arith.constant 0 : i32
        %dma_wait3A_86 = arith.constant 0 : i32
        %dma_wait3A_87 = tpu.memref_slice %arg8[%dma_wait3A, %dma_wait3A_86] : memref<10240x128xf32, #tpu.memory_space<vmem_shared>> -> memref<10240x128xf32, #tpu.memory_space<vmem_shared>>
        tpu.wait_indirect_dma semaphore(%run_scoped3A : memref<!tpu.dma_semaphore, #tpu.memory_space<semaphore_mem>>) src(%arg9 : memref<128x128xf32, #tpu.memory_space<vmem>>) dst(%dma_wait3A_87 : memref<10240x128xf32, #tpu.memory_space<vmem_shared>>)
        tpu.yield
      }) : () -> ()
      "tpu.region"() ({
        %run_scoped3A = tpu.sem_alloc : memref<!tpu.dma_semaphore, #tpu.memory_space<semaphore_mem>>
        %dma_start3A = arith.constant 0 : i32
        %dma_start3A_84 = arith.constant 0 : i32
        %dma_start3A_85 = tpu.memref_slice %arg8[%dma_start3A, %dma_start3A_84] : memref<10240x128xf32, #tpu.memory_space<vmem_shared>> -> memref<10240x128xf32, #tpu.memory_space<vmem_shared>>
        tpu.enqueue_indirect_dma source(%arg9 : memref<128x128xf32, #tpu.memory_space<vmem>>) target(%dma_start3A_85 : memref<10240x128xf32, #tpu.memory_space<vmem_shared>>) offsets(%arg11 : memref<128xi32, #tpu.memory_space<vmem>>) semaphore(%run_scoped3A : memref<!tpu.dma_semaphore, #tpu.memory_space<semaphore_mem>>) {add = true}
        %dma_wait3A = arith.constant 0 : i32
        %dma_wait3A_86 = arith.constant 0 : i32
        %dma_wait3A_87 = tpu.memref_slice %arg8[%dma_wait3A, %dma_wait3A_86] : memref<10240x128xf32, #tpu.memory_space<vmem_shared>> -> memref<10240x128xf32, #tpu.memory_space<vmem_shared>>
        tpu.wait_indirect_dma semaphore(%run_scoped3A : memref<!tpu.dma_semaphore, #tpu.memory_space<semaphore_mem>>) src(%arg9 : memref<128x128xf32, #tpu.memory_space<vmem>>) dst(%dma_wait3A_87 : memref<10240x128xf32, #tpu.memory_space<vmem_shared>>)
        tpu.yield
      }) : () -> ()
    }
    %scan3A_51 = arith.constant 40 : i32
    %barrier3A_52 = arith.constant 0 : index
    tpu.barrier barrier_id(%barrier3A_52)
    %mul3A_53 = arith.constant 3 : i32
    %mul3A_54 = arith.muli %arg0, %mul3A_53 : i32
    %add3A_55 = arith.constant 2 : i32
    %add3A_56 = arith.addi %mul3A_54, %add3A_55 : i32
    %mul3A_57 = arith.constant 10240 : i32
    %mul3A_58 = arith.muli %add3A_56, %mul3A_57 : i32
    %mul3A_59 = arith.constant 640 : i32
    %mul3A_60 = arith.muli %arg1, %mul3A_59 : i32
    %add3A_61 = arith.addi %mul3A_58, %mul3A_60 : i32
    %mul3A_62 = arith.constant 640 : i32
    %mul3A_63 = arith.muli %arg1, %mul3A_62 : i32
    "tpu.region"() ({
      %run_scoped3A = tpu.sem_alloc : memref<!tpu.dma_semaphore, #tpu.memory_space<semaphore_mem>>
      %dma_start3A = arith.constant 0 : i32
      %dma_start3A_64 = tpu.memref_slice %arg7[%add3A_61, %dma_start3A] : memref<61440x128xf32, #tpu.memory_space<hbm>> -> memref<640x128xf32, #tpu.memory_space<hbm>>
      %dma_start3A_65 = arith.constant 0 : i32
      %dma_start3A_66 = tpu.memref_slice %arg8[%mul3A_63, %dma_start3A_65] : memref<10240x128xf32, #tpu.memory_space<vmem_shared>> -> memref<640x128xf32, #tpu.memory_space<vmem_shared>>
      tpu.enqueue_dma source(%dma_start3A_66 : memref<640x128xf32, #tpu.memory_space<vmem_shared>>) target(%dma_start3A_64 : memref<640x128xf32, #tpu.memory_space<hbm>>) target_semaphore(%run_scoped3A : memref<!tpu.dma_semaphore, #tpu.memory_space<semaphore_mem>>)
      %dma_wait3A = arith.constant 0 : i32
      %dma_wait3A_67 = tpu.memref_slice %arg7[%add3A_61, %dma_wait3A] : memref<61440x128xf32, #tpu.memory_space<hbm>> -> memref<640x128xf32, #tpu.memory_space<hbm>>
      %dma_wait3A_68 = arith.constant 0 : i32
      %dma_wait3A_69 = tpu.memref_slice %arg8[%mul3A_63, %dma_wait3A_68] : memref<10240x128xf32, #tpu.memory_space<vmem_shared>> -> memref<640x128xf32, #tpu.memory_space<vmem_shared>>
      tpu.wait_dma2 semaphore(%run_scoped3A : memref<!tpu.dma_semaphore, #tpu.memory_space<semaphore_mem>>) src(%dma_wait3A_69 : memref<640x128xf32, #tpu.memory_space<vmem_shared>>) dst(%dma_wait3A_67 : memref<640x128xf32, #tpu.memory_space<hbm>>)
      tpu.yield
    }) : () -> ()
    return
  }
}

module attributes {stable_mosaic.version = 14 : i64} {
  func.func @_tck_a_body(%arg0: i32, %arg1: memref<1000x128xf32, #tpu.memory_space<vmem>>, %arg2: memref<1000x128xf32, #tpu.memory_space<vmem>>, %arg3: memref<2x3x1000x128xf32, #tpu.memory_space<vmem>>, %arg4: memref<128x128xf32, #tpu.memory_space<vmem>>, %arg5: memref<128x128xf32, #tpu.memory_space<vmem>>, %arg6: memref<128x128xf32, #tpu.memory_space<vmem>>, %arg7: memref<128x128xf32, #tpu.memory_space<vmem>>, %arg8: memref<1000x128xf32, #tpu.memory_space<vmem>>, %arg9: memref<1000x128xf32, #tpu.memory_space<vmem>>, %arg10: memref<1000x128xf32, #tpu.memory_space<vmem>>, %arg11: memref<1000x128xf32, #tpu.memory_space<vmem>>) attributes {dimension_semantics = [#tpu.dimension_semantics<arbitrary>], iteration_bounds = array<i64: 10>, scalar_prefetch = 0 : i64, scratch_operands = 0 : i64, tpu.core_type = #tpu.core_type<tc>, window_params = [{transform_indices = @transform_0, window_bounds = array<i64: 1000, 128>}, {transform_indices = @transform_1, window_bounds = array<i64: 1000, 128>}, {transform_indices = @transform_2, window_bounds = array<i64: 2, 3, 1000, 128>}, {pipeline_mode = #tpu.pipeline_mode<synchronous>, transform_indices = @transform_3, window_bounds = array<i64: 128, 128>}, {pipeline_mode = #tpu.pipeline_mode<synchronous>, transform_indices = @transform_4, window_bounds = array<i64: 128, 128>}, {pipeline_mode = #tpu.pipeline_mode<synchronous>, transform_indices = @transform_5, window_bounds = array<i64: 128, 128>}, {pipeline_mode = #tpu.pipeline_mode<synchronous>, transform_indices = @transform_6, window_bounds = array<i64: 128, 128>}, {transform_indices = @transform_7, window_bounds = array<i64: 1000, 128>}, {transform_indices = @transform_8, window_bounds = array<i64: 1000, 128>}, {transform_indices = @transform_9, window_bounds = array<i64: 1000, 128>}, {transform_indices = @transform_10, window_bounds = array<i64: 1000, 128>}]} {
    %get3A = arith.constant 0 : index
    %get3A_0 = arith.constant 0 : index
    %get3A_1 = arith.constant 0 : index
    %get3A_2 = arith.constant 0 : index
    %get3A_3 = vector.load %arg3[%get3A, %get3A_0, %get3A_1, %get3A_2] : memref<2x3x1000x128xf32, #tpu.memory_space<vmem>>, vector<1x1x1000x1xf32>
    %get3A_4 = vector.shape_cast %get3A_3 : vector<1x1x1000x1xf32> to vector<1000x1xf32>
    %get3A_5 = arith.constant 1 : index
    %get3A_6 = arith.constant 0 : index
    %get3A_7 = arith.constant 0 : index
    %get3A_8 = arith.constant 0 : index
    %get3A_9 = vector.load %arg3[%get3A_5, %get3A_6, %get3A_7, %get3A_8] : memref<2x3x1000x128xf32, #tpu.memory_space<vmem>>, vector<1x1x1000x1xf32>
    %get3A_10 = vector.shape_cast %get3A_9 : vector<1x1x1000x1xf32> to vector<1000x1xf32>
    %add3A = arith.addf %get3A_4, %get3A_10 : vector<1000x1xf32>
    %get3A_11 = arith.constant 0 : index
    %get3A_12 = arith.constant 2 : index
    %get3A_13 = arith.constant 0 : index
    %get3A_14 = arith.constant 0 : index
    %get3A_15 = vector.load %arg3[%get3A_11, %get3A_12, %get3A_13, %get3A_14] : memref<2x3x1000x128xf32, #tpu.memory_space<vmem>>, vector<1x1x1000x1xf32>
    %get3A_16 = vector.shape_cast %get3A_15 : vector<1x1x1000x1xf32> to vector<1000x1xf32>
    %get3A_17 = arith.constant 1 : index
    %get3A_18 = arith.constant 2 : index
    %get3A_19 = arith.constant 0 : index
    %get3A_20 = arith.constant 0 : index
    %get3A_21 = vector.load %arg3[%get3A_17, %get3A_18, %get3A_19, %get3A_20] : memref<2x3x1000x128xf32, #tpu.memory_space<vmem>>, vector<1x1x1000x1xf32>
    %get3A_22 = vector.shape_cast %get3A_21 : vector<1x1x1000x1xf32> to vector<1000x1xf32>
    %add3A_23 = arith.addf %get3A_16, %get3A_22 : vector<1000x1xf32>
    %gt3A = arith.constant 0.000000e+00 : f32
    %gt3A_24 = vector.broadcast %gt3A : f32 to vector<1000x1xf32>
    %gt3A_25 = arith.cmpf ogt, %add3A, %gt3A_24 : vector<1000x1xf32>
    %max3A = arith.constant 9.99999996E-13 : f32
    %max3A_26 = vector.broadcast %max3A : f32 to vector<1000x1xf32>
    %max3A_27 = arith.maximumf %add3A, %max3A_26 : vector<1000x1xf32>
    %rsqrt3A = math.rsqrt %max3A_27 : vector<1000x1xf32>
    %jit3A = arith.constant 0.000000e+00 : f32
    %broadcast_in_dim3A = vector.broadcast %jit3A : f32 to vector<1000x1xf32>
    %select_n3A = arith.select %gt3A_25, %rsqrt3A, %broadcast_in_dim3A : vector<1000x1xi1>, vector<1000x1xf32>
    %gt3A_28 = arith.constant 0.000000e+00 : f32
    %gt3A_29 = vector.broadcast %gt3A_28 : f32 to vector<1000x1xf32>
    %gt3A_30 = arith.cmpf ogt, %add3A_23, %gt3A_29 : vector<1000x1xf32>
    %max3A_31 = arith.constant 9.99999996E-13 : f32
    %max3A_32 = vector.broadcast %max3A_31 : f32 to vector<1000x1xf32>
    %max3A_33 = arith.maximumf %add3A_23, %max3A_32 : vector<1000x1xf32>
    %rsqrt3A_34 = math.rsqrt %max3A_33 : vector<1000x1xf32>
    %jit3A_35 = arith.constant 0.000000e+00 : f32
    %broadcast_in_dim3A_36 = vector.broadcast %jit3A_35 : f32 to vector<1000x1xf32>
    %select_n3A_37 = arith.select %gt3A_30, %rsqrt3A_34, %broadcast_in_dim3A_36 : vector<1000x1xi1>, vector<1000x1xf32>
    %get3A_38 = arith.constant 0 : index
    %get3A_39 = arith.constant 0 : index
    %get3A_40 = vector.load %arg1[%get3A_38, %get3A_39] : memref<1000x128xf32, #tpu.memory_space<vmem>>, vector<1000x128xf32>
    %mul3A = vector.broadcast %select_n3A : vector<1000x1xf32> to vector<1000x128xf32>
    %mul3A_41 = arith.mulf %get3A_40, %mul3A : vector<1000x128xf32>
    %get3A_42 = arith.constant 0 : index
    %get3A_43 = arith.constant 0 : index
    %get3A_44 = vector.load %arg4[%get3A_42, %get3A_43] : memref<128x128xf32, #tpu.memory_space<vmem>>, vector<128x128xf32>
    %dot_general3A = arith.constant dense<0.000000e+00> : vector<1000x128xf32>
    %dot_general3A_45 = tpu.matmul %mul3A_41, %get3A_44, %dot_general3A {dimension_numbers = #tpu.dot_dimension_numbers<[1], [0], [0], [1], [0, 0, 1, 1], [], []>, transpose_lhs_hint = false} : vector<1000x128xf32>, vector<128x128xf32>, vector<1000x128xf32> -> vector<1000x128xf32>
    %swap3A = arith.constant 0 : index
    %swap3A_46 = arith.constant 0 : index
    %swap3A_47 = vector.load %arg8[%swap3A, %swap3A_46] : memref<1000x128xf32, #tpu.memory_space<vmem>>, vector<1000x128xf32>
    tpu.vector_store %arg8[%swap3A, %swap3A_46], %dot_general3A_45 {strides = array<i32>} : memref<1000x128xf32, #tpu.memory_space<vmem>>, vector<1000x128xf32>,
    %get3A_48 = arith.constant 0 : index
    %get3A_49 = arith.constant 0 : index
    %get3A_50 = vector.load %arg2[%get3A_48, %get3A_49] : memref<1000x128xf32, #tpu.memory_space<vmem>>, vector<1000x128xf32>
    %get3A_51 = arith.constant 0 : index
    %get3A_52 = arith.constant 0 : index
    %get3A_53 = vector.load %arg5[%get3A_51, %get3A_52] : memref<128x128xf32, #tpu.memory_space<vmem>>, vector<128x128xf32>
    %dot_general3A_54 = arith.constant dense<0.000000e+00> : vector<1000x128xf32>
    %dot_general3A_55 = tpu.matmul %get3A_50, %get3A_53, %dot_general3A_54 {dimension_numbers = #tpu.dot_dimension_numbers<[1], [0], [0], [1], [0, 0, 1, 1], [], []>, transpose_lhs_hint = false} : vector<1000x128xf32>, vector<128x128xf32>, vector<1000x128xf32> -> vector<1000x128xf32>
    %swap3A_56 = arith.constant 0 : index
    %swap3A_57 = arith.constant 0 : index
    %swap3A_58 = vector.load %arg9[%swap3A_56, %swap3A_57] : memref<1000x128xf32, #tpu.memory_space<vmem>>, vector<1000x128xf32>
    tpu.vector_store %arg9[%swap3A_56, %swap3A_57], %dot_general3A_55 {strides = array<i32>} : memref<1000x128xf32, #tpu.memory_space<vmem>>, vector<1000x128xf32>,
    %get3A_59 = arith.constant 0 : index
    %get3A_60 = arith.constant 0 : index
    %get3A_61 = vector.load %arg2[%get3A_59, %get3A_60] : memref<1000x128xf32, #tpu.memory_space<vmem>>, vector<1000x128xf32>
    %mul3A_62 = vector.broadcast %select_n3A_37 : vector<1000x1xf32> to vector<1000x128xf32>
    %mul3A_63 = arith.mulf %get3A_61, %mul3A_62 : vector<1000x128xf32>
    %get3A_64 = arith.constant 0 : index
    %get3A_65 = arith.constant 0 : index
    %get3A_66 = vector.load %arg6[%get3A_64, %get3A_65] : memref<128x128xf32, #tpu.memory_space<vmem>>, vector<128x128xf32>
    %dot_general3A_67 = arith.constant dense<0.000000e+00> : vector<1000x128xf32>
    %dot_general3A_68 = tpu.matmul %mul3A_63, %get3A_66, %dot_general3A_67 {dimension_numbers = #tpu.dot_dimension_numbers<[1], [0], [0], [1], [0, 0, 1, 1], [], []>, transpose_lhs_hint = false} : vector<1000x128xf32>, vector<128x128xf32>, vector<1000x128xf32> -> vector<1000x128xf32>
    %swap3A_69 = arith.constant 0 : index
    %swap3A_70 = arith.constant 0 : index
    %swap3A_71 = vector.load %arg10[%swap3A_69, %swap3A_70] : memref<1000x128xf32, #tpu.memory_space<vmem>>, vector<1000x128xf32>
    tpu.vector_store %arg10[%swap3A_69, %swap3A_70], %dot_general3A_68 {strides = array<i32>} : memref<1000x128xf32, #tpu.memory_space<vmem>>, vector<1000x128xf32>,
    %get3A_72 = arith.constant 0 : index
    %get3A_73 = arith.constant 0 : index
    %get3A_74 = vector.load %arg1[%get3A_72, %get3A_73] : memref<1000x128xf32, #tpu.memory_space<vmem>>, vector<1000x128xf32>
    %get3A_75 = arith.constant 0 : index
    %get3A_76 = arith.constant 0 : index
    %get3A_77 = vector.load %arg7[%get3A_75, %get3A_76] : memref<128x128xf32, #tpu.memory_space<vmem>>, vector<128x128xf32>
    %dot_general3A_78 = arith.constant dense<0.000000e+00> : vector<1000x128xf32>
    %dot_general3A_79 = tpu.matmul %get3A_74, %get3A_77, %dot_general3A_78 {dimension_numbers = #tpu.dot_dimension_numbers<[1], [0], [0], [1], [0, 0, 1, 1], [], []>, transpose_lhs_hint = false} : vector<1000x128xf32>, vector<128x128xf32>, vector<1000x128xf32> -> vector<1000x128xf32>
    %swap3A_80 = arith.constant 0 : index
    %swap3A_81 = arith.constant 0 : index
    %swap3A_82 = vector.load %arg11[%swap3A_80, %swap3A_81] : memref<1000x128xf32, #tpu.memory_space<vmem>>, vector<1000x128xf32>
    tpu.vector_store %arg11[%swap3A_80, %swap3A_81], %dot_general3A_79 {strides = array<i32>} : memref<1000x128xf32, #tpu.memory_space<vmem>>, vector<1000x128xf32>,
    return
  }
  func.func @transform_0(%arg0: i32) -> (i32, i32) {
    %c0_i32 = arith.constant 0 : i32
    %c0_i32_0 = arith.constant 0 : i32
    return %arg0, %c0_i32 : i32, i32
  }
  func.func @transform_1(%arg0: i32) -> (i32, i32) {
    %c0_i32 = arith.constant 0 : i32
    %c0_i32_0 = arith.constant 0 : i32
    return %arg0, %c0_i32 : i32, i32
  }
  func.func @transform_2(%arg0: i32) -> (i32, i32, i32, i32) {
    %c0_i32 = arith.constant 0 : i32
    %c0_i32_0 = arith.constant 0 : i32
    %c0_i32_1 = arith.constant 0 : i32
    %c0_i32_2 = arith.constant 0 : i32
    return %c0_i32, %c0_i32_0, %arg0, %c0_i32_1 : i32, i32, i32, i32
  }
  func.func @transform_3(%arg0: i32) -> (i32, i32) {
    %c0_i32 = arith.constant 0 : i32
    %c0_i32_0 = arith.constant 0 : i32
    %c0_i32_1 = arith.constant 0 : i32
    return %c0_i32, %c0_i32_0 : i32, i32
  }
  func.func @transform_4(%arg0: i32) -> (i32, i32) {
    %c0_i32 = arith.constant 0 : i32
    %c0_i32_0 = arith.constant 0 : i32
    %c0_i32_1 = arith.constant 0 : i32
    return %c0_i32, %c0_i32_0 : i32, i32
  }
  func.func @transform_5(%arg0: i32) -> (i32, i32) {
    %c0_i32 = arith.constant 0 : i32
    %c0_i32_0 = arith.constant 0 : i32
    %c0_i32_1 = arith.constant 0 : i32
    return %c0_i32, %c0_i32_0 : i32, i32
  }
  func.func @transform_6(%arg0: i32) -> (i32, i32) {
    %c0_i32 = arith.constant 0 : i32
    %c0_i32_0 = arith.constant 0 : i32
    %c0_i32_1 = arith.constant 0 : i32
    return %c0_i32, %c0_i32_0 : i32, i32
  }
  func.func @transform_7(%arg0: i32) -> (i32, i32) {
    %c0_i32 = arith.constant 0 : i32
    %c0_i32_0 = arith.constant 0 : i32
    return %arg0, %c0_i32 : i32, i32
  }
  func.func @transform_8(%arg0: i32) -> (i32, i32) {
    %c0_i32 = arith.constant 0 : i32
    %c0_i32_0 = arith.constant 0 : i32
    return %arg0, %c0_i32 : i32, i32
  }
  func.func @transform_9(%arg0: i32) -> (i32, i32) {
    %c0_i32 = arith.constant 0 : i32
    %c0_i32_0 = arith.constant 0 : i32
    return %arg0, %c0_i32 : i32, i32
  }
  func.func @transform_10(%arg0: i32) -> (i32, i32) {
    %c0_i32 = arith.constant 0 : i32
    %c0_i32_0 = arith.constant 0 : i32
    return %arg0, %c0_i32 : i32, i32
  }
}

module attributes {stable_mosaic.version = 14 : i64} {
  func.func @_tck_b_body(%arg0: i32, %arg1: memref<2x3x1000x128xf32, #tpu.memory_space<vmem>>, %arg2: memref<2x3x1000x128xf32, #tpu.memory_space<vmem>>, %arg3: memref<1000x128xf32, #tpu.memory_space<vmem>>, %arg4: memref<1x128xf32, #tpu.memory_space<vmem>>, %arg5: memref<1x128xf32, #tpu.memory_space<vmem>>, %arg6: memref<1x128xf32, #tpu.memory_space<vmem>>, %arg7: memref<128x128xf32, #tpu.memory_space<vmem>>, %arg8: memref<128x128xf32, #tpu.memory_space<vmem>>, %arg9: memref<128x128xf32, #tpu.memory_space<vmem>>, %arg10: memref<1000x128xf32, #tpu.memory_space<vmem>>, %arg11: memref<1000x128xf32, #tpu.memory_space<vmem>>, %arg12: memref<1000x128xf32, #tpu.memory_space<vmem>>) attributes {dimension_semantics = [#tpu.dimension_semantics<arbitrary>], iteration_bounds = array<i64: 10>, scalar_prefetch = 0 : i64, scratch_operands = 0 : i64, tpu.core_type = #tpu.core_type<tc>, window_params = [{transform_indices = @transform_0, window_bounds = array<i64: 2, 3, 1000, 128>}, {transform_indices = @transform_1, window_bounds = array<i64: 2, 3, 1000, 128>}, {transform_indices = @transform_2, window_bounds = array<i64: 1000, 128>}, {pipeline_mode = #tpu.pipeline_mode<synchronous>, transform_indices = @transform_3, window_bounds = array<i64: 1, 128>}, {pipeline_mode = #tpu.pipeline_mode<synchronous>, transform_indices = @transform_4, window_bounds = array<i64: 1, 128>}, {pipeline_mode = #tpu.pipeline_mode<synchronous>, transform_indices = @transform_5, window_bounds = array<i64: 1, 128>}, {pipeline_mode = #tpu.pipeline_mode<synchronous>, transform_indices = @transform_6, window_bounds = array<i64: 128, 128>}, {pipeline_mode = #tpu.pipeline_mode<synchronous>, transform_indices = @transform_7, window_bounds = array<i64: 128, 128>}, {pipeline_mode = #tpu.pipeline_mode<synchronous>, transform_indices = @transform_8, window_bounds = array<i64: 128, 128>}, {transform_indices = @transform_9, window_bounds = array<i64: 1000, 128>}, {transform_indices = @transform_10, window_bounds = array<i64: 1000, 128>}, {transform_indices = @transform_11, window_bounds = array<i64: 1000, 128>}]} {
    %get3A = arith.constant 0 : index
    %get3A_0 = arith.constant 0 : index
    %get3A_1 = arith.constant 0 : index
    %get3A_2 = arith.constant 0 : index
    %get3A_3 = vector.load %arg2[%get3A, %get3A_0, %get3A_1, %get3A_2] : memref<2x3x1000x128xf32, #tpu.memory_space<vmem>>, vector<1x1x1000x1xf32>
    %get3A_4 = vector.shape_cast %get3A_3 : vector<1x1x1000x1xf32> to vector<1000x1xf32>
    %get3A_5 = arith.constant 1 : index
    %get3A_6 = arith.constant 0 : index
    %get3A_7 = arith.constant 0 : index
    %get3A_8 = arith.constant 0 : index
    %get3A_9 = vector.load %arg2[%get3A_5, %get3A_6, %get3A_7, %get3A_8] : memref<2x3x1000x128xf32, #tpu.memory_space<vmem>>, vector<1x1x1000x1xf32>
    %get3A_10 = vector.shape_cast %get3A_9 : vector<1x1x1000x1xf32> to vector<1000x1xf32>
    %add3A = arith.addf %get3A_4, %get3A_10 : vector<1000x1xf32>
    %get3A_11 = arith.constant 0 : index
    %get3A_12 = arith.constant 1 : index
    %get3A_13 = arith.constant 0 : index
    %get3A_14 = arith.constant 0 : index
    %get3A_15 = vector.load %arg2[%get3A_11, %get3A_12, %get3A_13, %get3A_14] : memref<2x3x1000x128xf32, #tpu.memory_space<vmem>>, vector<1x1x1000x1xf32>
    %get3A_16 = vector.shape_cast %get3A_15 : vector<1x1x1000x1xf32> to vector<1000x1xf32>
    %get3A_17 = arith.constant 1 : index
    %get3A_18 = arith.constant 1 : index
    %get3A_19 = arith.constant 0 : index
    %get3A_20 = arith.constant 0 : index
    %get3A_21 = vector.load %arg2[%get3A_17, %get3A_18, %get3A_19, %get3A_20] : memref<2x3x1000x128xf32, #tpu.memory_space<vmem>>, vector<1x1x1000x1xf32>
    %get3A_22 = vector.shape_cast %get3A_21 : vector<1x1x1000x1xf32> to vector<1000x1xf32>
    %add3A_23 = arith.addf %get3A_16, %get3A_22 : vector<1000x1xf32>
    %get3A_24 = arith.constant 0 : index
    %get3A_25 = arith.constant 2 : index
    %get3A_26 = arith.constant 0 : index
    %get3A_27 = arith.constant 0 : index
    %get3A_28 = vector.load %arg2[%get3A_24, %get3A_25, %get3A_26, %get3A_27] : memref<2x3x1000x128xf32, #tpu.memory_space<vmem>>, vector<1x1x1000x1xf32>
    %get3A_29 = vector.shape_cast %get3A_28 : vector<1x1x1000x1xf32> to vector<1000x1xf32>
    %get3A_30 = arith.constant 1 : index
    %get3A_31 = arith.constant 2 : index
    %get3A_32 = arith.constant 0 : index
    %get3A_33 = arith.constant 0 : index
    %get3A_34 = vector.load %arg2[%get3A_30, %get3A_31, %get3A_32, %get3A_33] : memref<2x3x1000x128xf32, #tpu.memory_space<vmem>>, vector<1x1x1000x1xf32>
    %get3A_35 = vector.shape_cast %get3A_34 : vector<1x1x1000x1xf32> to vector<1000x1xf32>
    %add3A_36 = arith.addf %get3A_29, %get3A_35 : vector<1000x1xf32>
    %gt3A = arith.constant 0.000000e+00 : f32
    %gt3A_37 = vector.broadcast %gt3A : f32 to vector<1000x1xf32>
    %gt3A_38 = arith.cmpf ogt, %add3A, %gt3A_37 : vector<1000x1xf32>
    %max3A = arith.constant 9.99999996E-13 : f32
    %max3A_39 = vector.broadcast %max3A : f32 to vector<1000x1xf32>
    %max3A_40 = arith.maximumf %add3A, %max3A_39 : vector<1000x1xf32>
    %rsqrt3A = math.rsqrt %max3A_40 : vector<1000x1xf32>
    %jit3A = arith.constant 0.000000e+00 : f32
    %broadcast_in_dim3A = vector.broadcast %jit3A : f32 to vector<1000x1xf32>
    %select_n3A = arith.select %gt3A_38, %rsqrt3A, %broadcast_in_dim3A : vector<1000x1xi1>, vector<1000x1xf32>
    %gt3A_41 = arith.constant 0.000000e+00 : f32
    %gt3A_42 = vector.broadcast %gt3A_41 : f32 to vector<1000x1xf32>
    %gt3A_43 = arith.cmpf ogt, %add3A_36, %gt3A_42 : vector<1000x1xf32>
    %max3A_44 = arith.constant 9.99999996E-13 : f32
    %max3A_45 = vector.broadcast %max3A_44 : f32 to vector<1000x1xf32>
    %max3A_46 = arith.maximumf %add3A_36, %max3A_45 : vector<1000x1xf32>
    %rsqrt3A_47 = math.rsqrt %max3A_46 : vector<1000x1xf32>
    %jit3A_48 = arith.constant 0.000000e+00 : f32
    %broadcast_in_dim3A_49 = vector.broadcast %jit3A_48 : f32 to vector<1000x1xf32>
    %select_n3A_50 = arith.select %gt3A_43, %rsqrt3A_47, %broadcast_in_dim3A_49 : vector<1000x1xi1>, vector<1000x1xf32>
    %max3A_51 = arith.constant 1.000000e+00 : f32
    %max3A_52 = vector.broadcast %max3A_51 : f32 to vector<1000x1xf32>
    %max3A_53 = arith.maximumf %add3A_23, %max3A_52 : vector<1000x1xf32>
    %div3A = arith.constant 1.000000e+00 : f32
    %div3A_54 = vector.broadcast %div3A : f32 to vector<1000x1xf32>
    %div3A_55 = arith.divf %div3A_54, %max3A_53 : vector<1000x1xf32>
    %get3A_56 = arith.constant 0 : index
    %get3A_57 = arith.constant 0 : index
    %get3A_58 = arith.constant 0 : index
    %get3A_59 = arith.constant 0 : index
    %get3A_60 = vector.load %arg1[%get3A_56, %get3A_57, %get3A_58, %get3A_59] : memref<2x3x1000x128xf32, #tpu.memory_space<vmem>>, vector<1x1x1000x128xf32>
    %get3A_61 = vector.shape_cast %get3A_60 : vector<1x1x1000x128xf32> to vector<1000x128xf32>
    %get3A_62 = arith.constant 1 : index
    %get3A_63 = arith.constant 0 : index
    %get3A_64 = arith.constant 0 : index
    %get3A_65 = arith.constant 0 : index
    %get3A_66 = vector.load %arg1[%get3A_62, %get3A_63, %get3A_64, %get3A_65] : memref<2x3x1000x128xf32, #tpu.memory_space<vmem>>, vector<1x1x1000x128xf32>
    %get3A_67 = vector.shape_cast %get3A_66 : vector<1x1x1000x128xf32> to vector<1000x128xf32>
    %add3A_68 = arith.addf %get3A_61, %get3A_67 : vector<1000x128xf32>
    %get3A_69 = arith.constant 0 : index
    %get3A_70 = arith.constant 1 : index
    %get3A_71 = arith.constant 0 : index
    %get3A_72 = arith.constant 0 : index
    %get3A_73 = vector.load %arg1[%get3A_69, %get3A_70, %get3A_71, %get3A_72] : memref<2x3x1000x128xf32, #tpu.memory_space<vmem>>, vector<1x1x1000x128xf32>
    %get3A_74 = vector.shape_cast %get3A_73 : vector<1x1x1000x128xf32> to vector<1000x128xf32>
    %get3A_75 = arith.constant 1 : index
    %get3A_76 = arith.constant 1 : index
    %get3A_77 = arith.constant 0 : index
    %get3A_78 = arith.constant 0 : index
    %get3A_79 = vector.load %arg1[%get3A_75, %get3A_76, %get3A_77, %get3A_78] : memref<2x3x1000x128xf32, #tpu.memory_space<vmem>>, vector<1x1x1000x128xf32>
    %get3A_80 = vector.shape_cast %get3A_79 : vector<1x1x1000x128xf32> to vector<1000x128xf32>
    %add3A_81 = arith.addf %get3A_74, %get3A_80 : vector<1000x128xf32>
    %get3A_82 = arith.constant 0 : index
    %get3A_83 = arith.constant 2 : index
    %get3A_84 = arith.constant 0 : index
    %get3A_85 = arith.constant 0 : index
    %get3A_86 = vector.load %arg1[%get3A_82, %get3A_83, %get3A_84, %get3A_85] : memref<2x3x1000x128xf32, #tpu.memory_space<vmem>>, vector<1x1x1000x128xf32>
    %get3A_87 = vector.shape_cast %get3A_86 : vector<1x1x1000x128xf32> to vector<1000x128xf32>
    %get3A_88 = arith.constant 1 : index
    %get3A_89 = arith.constant 2 : index
    %get3A_90 = arith.constant 0 : index
    %get3A_91 = arith.constant 0 : index
    %get3A_92 = vector.load %arg1[%get3A_88, %get3A_89, %get3A_90, %get3A_91] : memref<2x3x1000x128xf32, #tpu.memory_space<vmem>>, vector<1x1x1000x128xf32>
    %get3A_93 = vector.shape_cast %get3A_92 : vector<1x1x1000x128xf32> to vector<1000x128xf32>
    %add3A_94 = arith.addf %get3A_87, %get3A_93 : vector<1000x128xf32>
    %mul3A = vector.broadcast %select_n3A : vector<1000x1xf32> to vector<1000x128xf32>
    %mul3A_95 = arith.mulf %mul3A, %add3A_68 : vector<1000x128xf32>
    %get3A_96 = arith.constant 0 : index
    %get3A_97 = arith.constant 0 : index
    %get3A_98 = vector.load %arg4[%get3A_96, %get3A_97] : memref<1x128xf32, #tpu.memory_space<vmem>>, vector<1x128xf32>
    %add3A_99 = vector.broadcast %get3A_98 : vector<1x128xf32> to vector<1000x128xf32>
    %add3A_100 = arith.addf %mul3A_95, %add3A_99 : vector<1000x128xf32>
    %mul3A_101 = vector.broadcast %div3A_55 : vector<1000x1xf32> to vector<1000x128xf32>
    %mul3A_102 = arith.mulf %mul3A_101, %add3A_81 : vector<1000x128xf32>
    %add3A_103 = arith.addf %add3A_100, %mul3A_102 : vector<1000x128xf32>
    %get3A_104 = arith.constant 0 : index
    %get3A_105 = arith.constant 0 : index
    %get3A_106 = vector.load %arg5[%get3A_104, %get3A_105] : memref<1x128xf32, #tpu.memory_space<vmem>>, vector<1x128xf32>
    %add3A_107 = vector.broadcast %get3A_106 : vector<1x128xf32> to vector<1000x128xf32>
    %add3A_108 = arith.addf %add3A_103, %add3A_107 : vector<1000x128xf32>
    %get3A_109 = arith.constant 0 : index
    %get3A_110 = arith.constant 0 : index
    %get3A_111 = vector.load %arg3[%get3A_109, %get3A_110] : memref<1000x128xf32, #tpu.memory_space<vmem>>, vector<1000x128xf32>
    %add3A_112 = arith.addf %add3A_108, %get3A_111 : vector<1000x128xf32>
    %ge3A = arith.constant 0.000000e+00 : f32
    %ge3A_113 = vector.broadcast %ge3A : f32 to vector<1000x128xf32>
    %ge3A_114 = arith.cmpf oge, %add3A_112, %ge3A_113 : vector<1000x128xf32>
    %mul3A_115 = arith.constant 0.00999999977 : f32
    %mul3A_116 = vector.broadcast %mul3A_115 : f32 to vector<1000x128xf32>
    %mul3A_117 = arith.mulf %mul3A_116, %add3A_112 : vector<1000x128xf32>
    %select_n3A_118 = arith.select %ge3A_114, %add3A_112, %mul3A_117 : vector<1000x128xi1>, vector<1000x128xf32>
    %mul3A_119 = vector.broadcast %select_n3A_50 : vector<1000x1xf32> to vector<1000x128xf32>
    %mul3A_120 = arith.mulf %mul3A_119, %add3A_94 : vector<1000x128xf32>
    %get3A_121 = arith.constant 0 : index
    %get3A_122 = arith.constant 0 : index
    %get3A_123 = vector.load %arg6[%get3A_121, %get3A_122] : memref<1x128xf32, #tpu.memory_space<vmem>>, vector<1x128xf32>
    %add3A_124 = vector.broadcast %get3A_123 : vector<1x128xf32> to vector<1000x128xf32>
    %add3A_125 = arith.addf %mul3A_120, %add3A_124 : vector<1000x128xf32>
    %ge3A_126 = arith.constant 0.000000e+00 : f32
    %ge3A_127 = vector.broadcast %ge3A_126 : f32 to vector<1000x128xf32>
    %ge3A_128 = arith.cmpf oge, %add3A_125, %ge3A_127 : vector<1000x128xf32>
    %mul3A_129 = arith.constant 0.00999999977 : f32
    %mul3A_130 = vector.broadcast %mul3A_129 : f32 to vector<1000x128xf32>
    %mul3A_131 = arith.mulf %mul3A_130, %add3A_125 : vector<1000x128xf32>
    %select_n3A_132 = arith.select %ge3A_128, %add3A_125, %mul3A_131 : vector<1000x128xi1>, vector<1000x128xf32>
    %mul3A_133 = vector.broadcast %select_n3A : vector<1000x1xf32> to vector<1000x128xf32>
    %mul3A_134 = arith.mulf %select_n3A_118, %mul3A_133 : vector<1000x128xf32>
    %get3A_135 = arith.constant 0 : index
    %get3A_136 = arith.constant 0 : index
    %get3A_137 = vector.load %arg7[%get3A_135, %get3A_136] : memref<128x128xf32, #tpu.memory_space<vmem>>, vector<128x128xf32>
    %dot_general3A = arith.constant dense<0.000000e+00> : vector<1000x128xf32>
    %dot_general3A_138 = tpu.matmul %mul3A_134, %get3A_137, %dot_general3A {dimension_numbers = #tpu.dot_dimension_numbers<[1], [0], [0], [1], [0, 0, 1, 1], [], []>, transpose_lhs_hint = false} : vector<1000x128xf32>, vector<128x128xf32>, vector<1000x128xf32> -> vector<1000x128xf32>
    %swap3A = arith.constant 0 : index
    %swap3A_139 = arith.constant 0 : index
    %swap3A_140 = vector.load %arg10[%swap3A, %swap3A_139] : memref<1000x128xf32, #tpu.memory_space<vmem>>, vector<1000x128xf32>
    tpu.vector_store %arg10[%swap3A, %swap3A_139], %dot_general3A_138 {strides = array<i32>} : memref<1000x128xf32, #tpu.memory_space<vmem>>, vector<1000x128xf32>,
    %get3A_141 = arith.constant 0 : index
    %get3A_142 = arith.constant 0 : index
    %get3A_143 = vector.load %arg8[%get3A_141, %get3A_142] : memref<128x128xf32, #tpu.memory_space<vmem>>, vector<128x128xf32>
    %dot_general3A_144 = arith.constant dense<0.000000e+00> : vector<1000x128xf32>
    %dot_general3A_145 = tpu.matmul %select_n3A_132, %get3A_143, %dot_general3A_144 {dimension_numbers = #tpu.dot_dimension_numbers<[1], [0], [0], [1], [0, 0, 1, 1], [], []>, transpose_lhs_hint = false} : vector<1000x128xf32>, vector<128x128xf32>, vector<1000x128xf32> -> vector<1000x128xf32>
    %swap3A_146 = arith.constant 0 : index
    %swap3A_147 = arith.constant 0 : index
    %swap3A_148 = vector.load %arg11[%swap3A_146, %swap3A_147] : memref<1000x128xf32, #tpu.memory_space<vmem>>, vector<1000x128xf32>
    tpu.vector_store %arg11[%swap3A_146, %swap3A_147], %dot_general3A_145 {strides = array<i32>} : memref<1000x128xf32, #tpu.memory_space<vmem>>, vector<1000x128xf32>,
    %get3A_149 = arith.constant 0 : index
    %get3A_150 = arith.constant 0 : index
    %get3A_151 = vector.load %arg9[%get3A_149, %get3A_150] : memref<128x128xf32, #tpu.memory_space<vmem>>, vector<128x128xf32>
    %dot_general3A_152 = arith.constant dense<0.000000e+00> : vector<1000x128xf32>
    %dot_general3A_153 = tpu.matmul %select_n3A_118, %get3A_151, %dot_general3A_152 {dimension_numbers = #tpu.dot_dimension_numbers<[1], [0], [0], [1], [0, 0, 1, 1], [], []>, transpose_lhs_hint = false} : vector<1000x128xf32>, vector<128x128xf32>, vector<1000x128xf32> -> vector<1000x128xf32>
    %swap3A_154 = arith.constant 0 : index
    %swap3A_155 = arith.constant 0 : index
    %swap3A_156 = vector.load %arg12[%swap3A_154, %swap3A_155] : memref<1000x128xf32, #tpu.memory_space<vmem>>, vector<1000x128xf32>
    tpu.vector_store %arg12[%swap3A_154, %swap3A_155], %dot_general3A_153 {strides = array<i32>} : memref<1000x128xf32, #tpu.memory_space<vmem>>, vector<1000x128xf32>,
    return
  }
  func.func @transform_0(%arg0: i32) -> (i32, i32, i32, i32) {
    %c0_i32 = arith.constant 0 : i32
    %c0_i32_0 = arith.constant 0 : i32
    %c0_i32_1 = arith.constant 0 : i32
    %c0_i32_2 = arith.constant 0 : i32
    return %c0_i32, %c0_i32_0, %arg0, %c0_i32_1 : i32, i32, i32, i32
  }
  func.func @transform_1(%arg0: i32) -> (i32, i32, i32, i32) {
    %c0_i32 = arith.constant 0 : i32
    %c0_i32_0 = arith.constant 0 : i32
    %c0_i32_1 = arith.constant 0 : i32
    %c0_i32_2 = arith.constant 0 : i32
    return %c0_i32, %c0_i32_0, %arg0, %c0_i32_1 : i32, i32, i32, i32
  }
  func.func @transform_2(%arg0: i32) -> (i32, i32) {
    %c0_i32 = arith.constant 0 : i32
    %c0_i32_0 = arith.constant 0 : i32
    return %arg0, %c0_i32 : i32, i32
  }
  func.func @transform_3(%arg0: i32) -> (i32, i32) {
    %c0_i32 = arith.constant 0 : i32
    %c0_i32_0 = arith.constant 0 : i32
    %c0_i32_1 = arith.constant 0 : i32
    return %c0_i32, %c0_i32_0 : i32, i32
  }
  func.func @transform_4(%arg0: i32) -> (i32, i32) {
    %c0_i32 = arith.constant 0 : i32
    %c0_i32_0 = arith.constant 0 : i32
    %c0_i32_1 = arith.constant 0 : i32
    return %c0_i32, %c0_i32_0 : i32, i32
  }
  func.func @transform_5(%arg0: i32) -> (i32, i32) {
    %c0_i32 = arith.constant 0 : i32
    %c0_i32_0 = arith.constant 0 : i32
    %c0_i32_1 = arith.constant 0 : i32
    return %c0_i32, %c0_i32_0 : i32, i32
  }
  func.func @transform_6(%arg0: i32) -> (i32, i32) {
    %c0_i32 = arith.constant 0 : i32
    %c0_i32_0 = arith.constant 0 : i32
    %c0_i32_1 = arith.constant 0 : i32
    return %c0_i32, %c0_i32_0 : i32, i32
  }
  func.func @transform_7(%arg0: i32) -> (i32, i32) {
    %c0_i32 = arith.constant 0 : i32
    %c0_i32_0 = arith.constant 0 : i32
    %c0_i32_1 = arith.constant 0 : i32
    return %c0_i32, %c0_i32_0 : i32, i32
  }
  func.func @transform_8(%arg0: i32) -> (i32, i32) {
    %c0_i32 = arith.constant 0 : i32
    %c0_i32_0 = arith.constant 0 : i32
    %c0_i32_1 = arith.constant 0 : i32
    return %c0_i32, %c0_i32_0 : i32, i32
  }
  func.func @transform_9(%arg0: i32) -> (i32, i32) {
    %c0_i32 = arith.constant 0 : i32
    %c0_i32_0 = arith.constant 0 : i32
    return %arg0, %c0_i32 : i32, i32
  }
  func.func @transform_10(%arg0: i32) -> (i32, i32) {
    %c0_i32 = arith.constant 0 : i32
    %c0_i32_0 = arith.constant 0 : i32
    return %arg0, %c0_i32 : i32, i32
  }
  func.func @transform_11(%arg0: i32) -> (i32, i32) {
    %c0_i32 = arith.constant 0 : i32
    %c0_i32_0 = arith.constant 0 : i32
    return %arg0, %c0_i32 : i32, i32
  }
}

module attributes {stable_mosaic.version = 14 : i64} {
  func.func @_tck_c_body(%arg0: i32, %arg1: memref<2x2x1000x128xf32, #tpu.memory_space<vmem>>, %arg2: memref<2x3x1000x128xf32, #tpu.memory_space<vmem>>, %arg3: memref<1000x128xf32, #tpu.memory_space<vmem>>, %arg4: memref<1x128xf32, #tpu.memory_space<vmem>>, %arg5: memref<1x128xf32, #tpu.memory_space<vmem>>, %arg6: memref<128x5xf32, #tpu.memory_space<vmem>>, %arg7: memref<1x5xf32, #tpu.memory_space<vmem>>, %arg8: memref<1000x5xf32, #tpu.memory_space<vmem>>) attributes {dimension_semantics = [#tpu.dimension_semantics<arbitrary>], iteration_bounds = array<i64: 10>, scalar_prefetch = 0 : i64, scratch_operands = 0 : i64, tpu.core_type = #tpu.core_type<tc>, window_params = [{transform_indices = @transform_0, window_bounds = array<i64: 2, 2, 1000, 128>}, {transform_indices = @transform_1, window_bounds = array<i64: 2, 3, 1000, 128>}, {transform_indices = @transform_2, window_bounds = array<i64: 1000, 128>}, {pipeline_mode = #tpu.pipeline_mode<synchronous>, transform_indices = @transform_3, window_bounds = array<i64: 1, 128>}, {pipeline_mode = #tpu.pipeline_mode<synchronous>, transform_indices = @transform_4, window_bounds = array<i64: 1, 128>}, {pipeline_mode = #tpu.pipeline_mode<synchronous>, transform_indices = @transform_5, window_bounds = array<i64: 128, 5>}, {pipeline_mode = #tpu.pipeline_mode<synchronous>, transform_indices = @transform_6, window_bounds = array<i64: 1, 5>}, {transform_indices = @transform_7, window_bounds = array<i64: 1000, 5>}]} {
    %get3A = arith.constant 0 : index
    %get3A_0 = arith.constant 0 : index
    %get3A_1 = arith.constant 0 : index
    %get3A_2 = arith.constant 0 : index
    %get3A_3 = vector.load %arg2[%get3A, %get3A_0, %get3A_1, %get3A_2] : memref<2x3x1000x128xf32, #tpu.memory_space<vmem>>, vector<1x1x1000x1xf32>
    %get3A_4 = vector.shape_cast %get3A_3 : vector<1x1x1000x1xf32> to vector<1000x1xf32>
    %get3A_5 = arith.constant 1 : index
    %get3A_6 = arith.constant 0 : index
    %get3A_7 = arith.constant 0 : index
    %get3A_8 = arith.constant 0 : index
    %get3A_9 = vector.load %arg2[%get3A_5, %get3A_6, %get3A_7, %get3A_8] : memref<2x3x1000x128xf32, #tpu.memory_space<vmem>>, vector<1x1x1000x1xf32>
    %get3A_10 = vector.shape_cast %get3A_9 : vector<1x1x1000x1xf32> to vector<1000x1xf32>
    %add3A = arith.addf %get3A_4, %get3A_10 : vector<1000x1xf32>
    %get3A_11 = arith.constant 0 : index
    %get3A_12 = arith.constant 1 : index
    %get3A_13 = arith.constant 0 : index
    %get3A_14 = arith.constant 0 : index
    %get3A_15 = vector.load %arg2[%get3A_11, %get3A_12, %get3A_13, %get3A_14] : memref<2x3x1000x128xf32, #tpu.memory_space<vmem>>, vector<1x1x1000x1xf32>
    %get3A_16 = vector.shape_cast %get3A_15 : vector<1x1x1000x1xf32> to vector<1000x1xf32>
    %get3A_17 = arith.constant 1 : index
    %get3A_18 = arith.constant 1 : index
    %get3A_19 = arith.constant 0 : index
    %get3A_20 = arith.constant 0 : index
    %get3A_21 = vector.load %arg2[%get3A_17, %get3A_18, %get3A_19, %get3A_20] : memref<2x3x1000x128xf32, #tpu.memory_space<vmem>>, vector<1x1x1000x1xf32>
    %get3A_22 = vector.shape_cast %get3A_21 : vector<1x1x1000x1xf32> to vector<1000x1xf32>
    %add3A_23 = arith.addf %get3A_16, %get3A_22 : vector<1000x1xf32>
    %gt3A = arith.constant 0.000000e+00 : f32
    %gt3A_24 = vector.broadcast %gt3A : f32 to vector<1000x1xf32>
    %gt3A_25 = arith.cmpf ogt, %add3A, %gt3A_24 : vector<1000x1xf32>
    %max3A = arith.constant 9.99999996E-13 : f32
    %max3A_26 = vector.broadcast %max3A : f32 to vector<1000x1xf32>
    %max3A_27 = arith.maximumf %add3A, %max3A_26 : vector<1000x1xf32>
    %rsqrt3A = math.rsqrt %max3A_27 : vector<1000x1xf32>
    %jit3A = arith.constant 0.000000e+00 : f32
    %broadcast_in_dim3A = vector.broadcast %jit3A : f32 to vector<1000x1xf32>
    %select_n3A = arith.select %gt3A_25, %rsqrt3A, %broadcast_in_dim3A : vector<1000x1xi1>, vector<1000x1xf32>
    %max3A_28 = arith.constant 1.000000e+00 : f32
    %max3A_29 = vector.broadcast %max3A_28 : f32 to vector<1000x1xf32>
    %max3A_30 = arith.maximumf %add3A_23, %max3A_29 : vector<1000x1xf32>
    %div3A = arith.constant 1.000000e+00 : f32
    %div3A_31 = vector.broadcast %div3A : f32 to vector<1000x1xf32>
    %div3A_32 = arith.divf %div3A_31, %max3A_30 : vector<1000x1xf32>
    %get3A_33 = arith.constant 0 : index
    %get3A_34 = arith.constant 0 : index
    %get3A_35 = arith.constant 0 : index
    %get3A_36 = arith.constant 0 : index
    %get3A_37 = vector.load %arg1[%get3A_33, %get3A_34, %get3A_35, %get3A_36] : memref<2x2x1000x128xf32, #tpu.memory_space<vmem>>, vector<1x1x1000x128xf32>
    %get3A_38 = vector.shape_cast %get3A_37 : vector<1x1x1000x128xf32> to vector<1000x128xf32>
    %get3A_39 = arith.constant 1 : index
    %get3A_40 = arith.constant 0 : index
    %get3A_41 = arith.constant 0 : index
    %get3A_42 = arith.constant 0 : index
    %get3A_43 = vector.load %arg1[%get3A_39, %get3A_40, %get3A_41, %get3A_42] : memref<2x2x1000x128xf32, #tpu.memory_space<vmem>>, vector<1x1x1000x128xf32>
    %get3A_44 = vector.shape_cast %get3A_43 : vector<1x1x1000x128xf32> to vector<1000x128xf32>
    %add3A_45 = arith.addf %get3A_38, %get3A_44 : vector<1000x128xf32>
    %get3A_46 = arith.constant 0 : index
    %get3A_47 = arith.constant 1 : index
    %get3A_48 = arith.constant 0 : index
    %get3A_49 = arith.constant 0 : index
    %get3A_50 = vector.load %arg1[%get3A_46, %get3A_47, %get3A_48, %get3A_49] : memref<2x2x1000x128xf32, #tpu.memory_space<vmem>>, vector<1x1x1000x128xf32>
    %get3A_51 = vector.shape_cast %get3A_50 : vector<1x1x1000x128xf32> to vector<1000x128xf32>
    %get3A_52 = arith.constant 1 : index
    %get3A_53 = arith.constant 1 : index
    %get3A_54 = arith.constant 0 : index
    %get3A_55 = arith.constant 0 : index
    %get3A_56 = vector.load %arg1[%get3A_52, %get3A_53, %get3A_54, %get3A_55] : memref<2x2x1000x128xf32, #tpu.memory_space<vmem>>, vector<1x1x1000x128xf32>
    %get3A_57 = vector.shape_cast %get3A_56 : vector<1x1x1000x128xf32> to vector<1000x128xf32>
    %add3A_58 = arith.addf %get3A_51, %get3A_57 : vector<1000x128xf32>
    %mul3A = vector.broadcast %select_n3A : vector<1000x1xf32> to vector<1000x128xf32>
    %mul3A_59 = arith.mulf %mul3A, %add3A_45 : vector<1000x128xf32>
    %get3A_60 = arith.constant 0 : index
    %get3A_61 = arith.constant 0 : index
    %get3A_62 = vector.load %arg4[%get3A_60, %get3A_61] : memref<1x128xf32, #tpu.memory_space<vmem>>, vector<1x128xf32>
    %add3A_63 = vector.broadcast %get3A_62 : vector<1x128xf32> to vector<1000x128xf32>
    %add3A_64 = arith.addf %mul3A_59, %add3A_63 : vector<1000x128xf32>
    %mul3A_65 = vector.broadcast %div3A_32 : vector<1000x1xf32> to vector<1000x128xf32>
    %mul3A_66 = arith.mulf %mul3A_65, %add3A_58 : vector<1000x128xf32>
    %add3A_67 = arith.addf %add3A_64, %mul3A_66 : vector<1000x128xf32>
    %get3A_68 = arith.constant 0 : index
    %get3A_69 = arith.constant 0 : index
    %get3A_70 = vector.load %arg5[%get3A_68, %get3A_69] : memref<1x128xf32, #tpu.memory_space<vmem>>, vector<1x128xf32>
    %add3A_71 = vector.broadcast %get3A_70 : vector<1x128xf32> to vector<1000x128xf32>
    %add3A_72 = arith.addf %add3A_67, %add3A_71 : vector<1000x128xf32>
    %get3A_73 = arith.constant 0 : index
    %get3A_74 = arith.constant 0 : index
    %get3A_75 = vector.load %arg3[%get3A_73, %get3A_74] : memref<1000x128xf32, #tpu.memory_space<vmem>>, vector<1000x128xf32>
    %add3A_76 = arith.addf %add3A_72, %get3A_75 : vector<1000x128xf32>
    %ge3A = arith.constant 0.000000e+00 : f32
    %ge3A_77 = vector.broadcast %ge3A : f32 to vector<1000x128xf32>
    %ge3A_78 = arith.cmpf oge, %add3A_76, %ge3A_77 : vector<1000x128xf32>
    %mul3A_79 = arith.constant 0.00999999977 : f32
    %mul3A_80 = vector.broadcast %mul3A_79 : f32 to vector<1000x128xf32>
    %mul3A_81 = arith.mulf %mul3A_80, %add3A_76 : vector<1000x128xf32>
    %select_n3A_82 = arith.select %ge3A_78, %add3A_76, %mul3A_81 : vector<1000x128xi1>, vector<1000x128xf32>
    %get3A_83 = arith.constant 0 : index
    %get3A_84 = arith.constant 0 : index
    %get3A_85 = vector.load %arg6[%get3A_83, %get3A_84] : memref<128x5xf32, #tpu.memory_space<vmem>>, vector<128x5xf32>
    %dot_general3A = arith.constant dense<0.000000e+00> : vector<1000x5xf32>
    %dot_general3A_86 = tpu.matmul %select_n3A_82, %get3A_85, %dot_general3A {dimension_numbers = #tpu.dot_dimension_numbers<[1], [0], [0], [1], [0, 0, 1, 1], [], []>, transpose_lhs_hint = false} : vector<1000x128xf32>, vector<128x5xf32>, vector<1000x5xf32> -> vector<1000x5xf32>
    %get3A_87 = arith.constant 0 : index
    %get3A_88 = arith.constant 0 : index
    %get3A_89 = vector.load %arg7[%get3A_87, %get3A_88] : memref<1x5xf32, #tpu.memory_space<vmem>>, vector<1x5xf32>
    %add3A_90 = vector.broadcast %get3A_89 : vector<1x5xf32> to vector<1000x5xf32>
    %add3A_91 = arith.addf %dot_general3A_86, %add3A_90 : vector<1000x5xf32>
    %reduce_max3A = arith.constant dense<0xFF800000> : vector<1000xf32>
    %reduce_max3A_92 = vector.multi_reduction <maximumf>, %add3A_91, %reduce_max3A [1] : vector<1000x5xf32> to vector<1000xf32>
    %broadcast_in_dim3A_93 = vector.shape_cast %reduce_max3A_92 : vector<1000xf32> to vector<1000x1xf32>
    %sub3A = vector.broadcast %broadcast_in_dim3A_93 : vector<1000x1xf32> to vector<1000x5xf32>
    %sub3A_94 = arith.subf %add3A_91, %sub3A : vector<1000x5xf32>
    %exp3A = math.exp %sub3A_94 : vector<1000x5xf32>
    %reduce_sum3A = arith.constant dense<0.000000e+00> : vector<1000xf32>
    %reduce_sum3A_95 = vector.multi_reduction <add>, %exp3A, %reduce_sum3A [1] : vector<1000x5xf32> to vector<1000xf32>
    %broadcast_in_dim3A_96 = vector.shape_cast %reduce_sum3A_95 : vector<1000xf32> to vector<1000x1xf32>
    %log3A = math.log %broadcast_in_dim3A_96 : vector<1000x1xf32>
    %sub3A_97 = vector.broadcast %log3A : vector<1000x1xf32> to vector<1000x5xf32>
    %sub3A_98 = arith.subf %sub3A_94, %sub3A_97 : vector<1000x5xf32>
    %swap3A = arith.constant 0 : index
    %swap3A_99 = arith.constant 0 : index
    %swap3A_100 = vector.load %arg8[%swap3A, %swap3A_99] : memref<1000x5xf32, #tpu.memory_space<vmem>>, vector<1000x5xf32>
    tpu.vector_store %arg8[%swap3A, %swap3A_99], %sub3A_98 {strides = array<i32>} : memref<1000x5xf32, #tpu.memory_space<vmem>>, vector<1000x5xf32>,
    return
  }
  func.func @transform_0(%arg0: i32) -> (i32, i32, i32, i32) {
    %c0_i32 = arith.constant 0 : i32
    %c0_i32_0 = arith.constant 0 : i32
    %c0_i32_1 = arith.constant 0 : i32
    %c0_i32_2 = arith.constant 0 : i32
    return %c0_i32, %c0_i32_0, %arg0, %c0_i32_1 : i32, i32, i32, i32
  }
  func.func @transform_1(%arg0: i32) -> (i32, i32, i32, i32) {
    %c0_i32 = arith.constant 0 : i32
    %c0_i32_0 = arith.constant 0 : i32
    %c0_i32_1 = arith.constant 0 : i32
    %c0_i32_2 = arith.constant 0 : i32
    return %c0_i32, %c0_i32_0, %arg0, %c0_i32_1 : i32, i32, i32, i32
  }
  func.func @transform_2(%arg0: i32) -> (i32, i32) {
    %c0_i32 = arith.constant 0 : i32
    %c0_i32_0 = arith.constant 0 : i32
    return %arg0, %c0_i32 : i32, i32
  }
  func.func @transform_3(%arg0: i32) -> (i32, i32) {
    %c0_i32 = arith.constant 0 : i32
    %c0_i32_0 = arith.constant 0 : i32
    %c0_i32_1 = arith.constant 0 : i32
    return %c0_i32, %c0_i32_0 : i32, i32
  }
  func.func @transform_4(%arg0: i32) -> (i32, i32) {
    %c0_i32 = arith.constant 0 : i32
    %c0_i32_0 = arith.constant 0 : i32
    %c0_i32_1 = arith.constant 0 : i32
    return %c0_i32, %c0_i32_0 : i32, i32
  }
  func.func @transform_5(%arg0: i32) -> (i32, i32) {
    %c0_i32 = arith.constant 0 : i32
    %c0_i32_0 = arith.constant 0 : i32
    %c0_i32_1 = arith.constant 0 : i32
    return %c0_i32, %c0_i32_0 : i32, i32
  }
  func.func @transform_6(%arg0: i32) -> (i32, i32) {
    %c0_i32 = arith.constant 0 : i32
    %c0_i32_0 = arith.constant 0 : i32
    %c0_i32_1 = arith.constant 0 : i32
    return %c0_i32, %c0_i32_0 : i32, i32
  }
  func.func @transform_7(%arg0: i32) -> (i32, i32) {
    %c0_i32 = arith.constant 0 : i32
    %c0_i32_0 = arith.constant 0 : i32
    return %arg0, %c0_i32 : i32, i32
  }
}

</mosaic_0001>

<sc_bundles>
// kernel: kernel.11.cloned.1.call-start
scs
__scs_entry_jumppad:
0x0: {  	(pc) =	sbr.rel $0x88, $3  }
0x1: {  	(tag) =	ssettag $0x0;
	lr =	simm.s32 $0x1  }
0x2: {  	[smem:$0x3F93] =	sst lr;
	_ =	strace $0xD0000000  }
0x3: {  	_ = 	snop  }
0x4: {  	_ = 	snop  }
0x5: {  	_ = 	snop  }
0x6: {  	_ = 	snop  }
0x7: {  	_ = 	snop  }
__scs_overlays_trampoline_lowered:
0x8: {  	[smem:$0x3FA2] =	sst s0  }
0x9: {  	[smem:$0x3FA3] =	sst s1  }
0xa: {  	[smem:$0x3FA4] =	sst s2  }
0xb: {  	[smem:$0x3FA5] =	sst s3  }
0xc: {  	[smem:$0x3FA6] =	sst s4  }
0xd: {  	[smem:$0x3FA7] =	sst s5  }
0xe: {  	[smem:$0x3FA8] =	sst s6  }
0xf: {  	[smem:$0x3FA9] =	sst s7  }
0x10: {  	[smem:$0x3FAA] =	sst s8  }
0x11: {  	[smem:$0x3FAB] =	sst s9;
	s0 =	simm.s32 @!p0 $0x0  }
0x12: {  	s1 =	sld [smem:$0x3F91];
	s0 =	simm.s32 @p0 $0x1  }
0x13: {  	[smem:$0x3FAC] =	sst s0;
	s0 =	simm.s32 @!p1 $0x0  }
0x14: {  	s2 =	sld [smem:$0x3F90];
	s0 =	simm.s32 @p1 $0x1  }
0x15: {  	[smem:$0x3FAD] =	sst s0;
	s0 =	simm.s32 @!p2 $0x0  }
0x16: {  	s3 =	sld [smem:$0x3FDB];
	s0 =	simm.s32 @p2 $0x1  }
0x17: {  	s4 =	simm.s32 $0x1BF5;
	[smem:$0x3FAF] =	sst s0  }
0x18: {  	s0 =	sld [smem:$0x3F92];
	_ =	swait.ge [sflag:s4], $0x0  }
0x19: {  	s7 =	sld [smem:$0x3F93]  }
0x1a: {  	s8 =	sadd.s32 $0xFFFFE003, lr  }
0x1b: {  	s9 =	sadd.s32 $0xFFFFFEF7, lr;
	s5 =	simm.s32 $0xFFFFFFFF;
	p2 =	slt.u32 s8, $0xFFFFF086  }
0x1c: {  	p1 =	slt.u32 s9, $0xF7A;
	s5 =	simm.s32 @!p2 $0x0  }
0x1d: {  	s5 =	simm.s32 @p1 $0x1;
	p0 =	seq.s32 s7, s2  }
0x1e: {  	s7 =	smul.u32 @!p0 $0xF7A, s2;
	p2 =	seq.s32 @!p0 s5, $0x0  }
0x1f: {  	s9 =	smul.u32 $0xF7A, s1;
	s8 =	simm.s32 @!p0 $0x1BF5;
	p2 =	por !p2, p0  }
0x20: {  	[sflag:s8] =	ssyncset.s32 @!p0 $0xFFFFF086;
	s6 =	sadd.s32 @!p0 s3, s7;
	s7 =	simm.s32 @!p0 $0x108  }
0x21: {  	s3 =	sadd.s32 s3, s9;
	s6 =	sadd.s32 @!p0 $0x88, s6;
	s7 =	simm.s32 @p2 $0x1082  }
0x22: {  	[simem:s7], [sflag:s8] =	dma.local @!p0 [hbm:s6], $0xF7A  }
0x23: {  	s9 =	sor.u32 $0xD0000000, s2;
	s6 =	simm.s32 $0x108;
	_ =	swait.ge @!p0 [sflag:s8], $0x0  }
0x24: {  	s3 =	sadd.s32 $0x88, s3;
	s6 =	simm.s32 @!p1 $0x1082;
	[sflag:s4] =	ssyncset.s32 $0xFFFFF086  }
0x25: {  	[simem:s6], [sflag:s4] =	dma.local [hbm:s3], $0xF7A  }
0x26: {  	[smem:$0x3F93] =	sst s1;
	(tag) =	ssettag s2;
	_ =	strace s9  }
0x27: {  	s1 =	sld [smem:$0x3FA3]  }
0x28: {  	s2 =	sld [smem:$0x3FA4]  }
0x29: {  	s4 =	sld [smem:$0x3FA6]  }
0x2a: {  	p0 =	seq.s32 s5, $0x0;
	s5 =	sld [smem:$0x3FA7]  }
0x2b: {  	s6 =	sld [smem:$0x3FA8]  }
0x2c: {  	s7 =	sld [smem:$0x3FA9]  }
0x2d: {  	s3 =	simm.s32 $0x108;
	s8 =	sld [smem:$0x3FAA]  }
0x2e: {  	s3 =	simm.s32 @!p0 $0x1082;
	s9 =	sld [smem:$0x3FAB]  }
0x2f: {  	lr =	sadd.s32 s0, s3;
	s0 =	sld [smem:$0x3FA2]  }
0x30: {  	s3 =	sld [smem:$0x3FA5]  }
0x31: {  	[smem:$0x3FAE] =	sst s10  }
0x32: {  	s10 =	sld [smem:$0x3FAC];
	_ =	sdelay $0x3  }
0x33: {  	p0 =	seq.s32 s10, $0x1;
	s10 =	sld [smem:$0x3FAE];
	_ =	sdelay $0x3  }
0x34: {  	[smem:$0x3FAE] =	sst s10  }
0x35: {  	s10 =	sld [smem:$0x3FAD];
	_ =	sdelay $0x3  }
0x36: {  	p1 =	seq.s32 s10, $0x1;
	s10 =	sld [smem:$0x3FAE];
	_ =	sdelay $0x3  }
0x37: {  	[smem:$0x3FAE] =	sst s10  }
0x38: {  	s10 =	sld [smem:$0x3FAF]  }
0x39: {  	_ = 	snop;
	(pc) =	sbr.ind lr, $3  }
0x3a: {  	_ = 	snop  }
0x3b: {  	_ = 	snop  }
0x3c: {  	p2 =	seq.s32 s10, $0x1;
	s10 =	sld [smem:$0x3FAE]  }
0x3d: {  	_ =	shalt  }
0x3e: {  	_ =	shalt  }
0x3f: {  	_ =	shalt  }
0x40: {  	_ =	shalt  }
0x41: {  	_ =	shalt  }
0x42: {  	_ =	shalt  }
0x43: {  	_ =	shalt  }
0x44: {  	_ =	shalt  }
0x45: {  	_ =	shalt  }
0x46: {  	_ =	shalt  }
0x47: {  	_ =	shalt  }
0x48: {  	_ =	shalt  }
0x49: {  	_ =	shalt  }
0x4a: {  	_ =	shalt  }
0x4b: {  	_ =	shalt  }
0x4c: {  	_ =	shalt  }
0x4d: {  	_ =	shalt  }
0x4e: {  	_ =	shalt  }
0x4f: {  	_ =	shalt  }
0x50: {  	_ =	shalt  }
0x51: {  	_ =	shalt  }
0x52: {  	_ =	shalt  }
0x53: {  	_ =	shalt  }
0x54: {  	_ =	shalt  }
0x55: {  	_ =	shalt  }
0x56: {  	_ =	shalt  }
0x57: {  	_ =	shalt  }
0x58: {  	_ =	shalt  }
0x59: {  	_ =	shalt  }
0x5a: {  	_ =	shalt  }
0x5b: {  	_ =	shalt  }
0x5c: {  	_ =	shalt  }
0x5d: {  	_ =	shalt  }
0x5e: {  	_ =	shalt  }
0x5f: {  	_ =	shalt  }
0x60: {  	_ =	shalt  }
0x61: {  	_ =	shalt  }
0x62: {  	_ =	shalt  }
0x63: {  	_ =	shalt  }
0x64: {  	_ =	shalt  }
0x65: {  	_ =	shalt  }
0x66: {  	_ =	shalt  }
0x67: {  	_ =	shalt  }
0x68: {  	_ =	shalt  }
0x69: {  	_ =	shalt  }
0x6a: {  	_ =	shalt  }
0x6b: {  	_ =	shalt  }
0x6c: {  	_ =	shalt  }
0x6d: {  	_ =	shalt  }
0x6e: {  	_ =	shalt  }
0x6f: {  	_ =	shalt  }
0x70: {  	_ =	shalt  }
0x71: {  	_ =	shalt  }
0x72: {  	_ =	shalt  }
0x73: {  	_ =	shalt  }
0x74: {  	_ =	shalt  }
0x75: {  	_ =	shalt  }
0x76: {  	_ =	shalt  }
0x77: {  	_ =	shalt  }
0x78: {  	_ =	shalt  }
0x79: {  	_ =	shalt  }
0x7a: {  	_ =	shalt  }
0x7b: {  	_ =	shalt  }
0x7c: {  	_ =	shalt  }
0x7d: {  	_ =	shalt  }
0x7e: {  	_ =	shalt  }
0x7f: {  	_ =	shalt  }
0x80: {  	_ =	shalt  }
0x81: {  	_ =	shalt  }
0x82: {  	_ =	shalt  }
0x83: {  	_ =	shalt  }
0x84: {  	_ =	shalt  }
0x85: {  	_ =	shalt  }
0x86: {  	_ =	shalt  }
0x87: {  	_ =	shalt  }
.Lfunc_end0:
.L_simem_size_0:
called_computation.1_lowered:
.L_overlay_start_0:
0x88: {  	s2 =	sld [smem:$0x3FD9]  }
0x89: {  	s3 =	sld [smem:$0x3FFE];
	_ =	sdelay $0x1  }
0x8a: {  	s1 =	srdreg.scid  }
0x8b: {  	s0 =	sand.u32 $0x1, s1  }
0x8c: {  	s16 =	sshll.u32 s0, $0xA;
	s2 =	sadd.s32 s3, s2  }
0x8d: {  	s2 =	sadd.s32 s2, s16  }
0x8e: {  	[smem:$0x3FBA] =	sst s2  }
0x8f: {  	_ = 	snop  }
0x90: {  	(tm) =	ssettm $0x1  }
0x91: {  	s17 =	sld [smem:$0x3FFB];
	_ =	sdelay $0x3  }
0x92: {  	_ =	strace s17  }
0x93: {  	s2 =	sld [smem:$0x3FFC];
	_ =	sdelay $0x3  }
0x94: {  	_ =	strace s2  }
0x95: {  	s2 =	sld [smem:$0x3FFD];
	_ =	sdelay $0x3  }
0x96: {  	_ =	strace s2  }
0x97: {  	_ =	strace $0x8FFFFFFF  }
0x98: {  	s18 =	sld [smem:$0x3FDB];
	_ =	sdelay $0x1  }
0x99: {  	s19 =	simm.s32 $_scs_section_size  }
0x9a: {  	s4 =	simm.s32 $_size__tile_overlayer_lowered;
	s5 =	simm.s32 $_tile_overlayer_lowered  }
0x9b: {  	s22 =	simm.s32 $0x1BFF;
	s21 =	sshll.u32 s5, $0x1;
	s2 =	sadd.s32 s19, s18  }
0x9c: {  	s6 =	simm.s32 $0x0;
	s20 =	sshll.u32 s4, $0x1;
	s4 =	sadd.s32 s21, s2  }
0x9d: {  	[timem:s6], [sflag:s22] =	dma.local [hbm:s4], s20  }
0x9e: {  	_ =	swait.ge [sflag:s22], s20  }
0x9f: {  	s3 =	ssub.s32 $0x0, s20;
	[sflag:s22] =	ssyncset.done $0x0  }
0xa0: {  	[sflag:s22] =	ssyncadd.s32 s3;
	_ =	sdelay $0x1  }
0xa1: {  	s23 =	simm.s32 $0x1B8B  }
0xa2: {  	_ =	swait.ge [sflag:s23], $0x1  }
0xa3: {  	[sflag:s23] =	ssyncset.done $0x0  }
0xa4: {  	s25 =	simm.s32 $0x1B8E;
	s24 =	sld [smem:$0x3FFE];
	[sflag:s23] =	ssyncadd.s32 $0xFFFFFFFF  }
0xa5: {  	s26 =	simm.s32 $execute0_lowered;
	[smem:$0x3FD2] =	sst s25  }
0xa6: {  	s4 =	sshll.u32 s26, $0x1;
	_ =	strace $0x80000049;
	[dreg:$0x1] =	wrdreg $0xFFFFFFFF  }
0xa7: {  	s28 =	simm.s32 $_size_execute0_lowered;
	s2 =	sadd.s32 s2, s4;
	[dreg:$0x0] =	wrdreg $0x0  }
0xa8: {  	s4 =	sshll.u32 s28, $0x1;
	[dreg:$0x2] =	wrdreg s2  }
0xa9: {  	[dreg:$0x3] =	wrdreg s4  }
0xaa: {  	[dreg:$0x4] =	wrdreg $0xC0  }
0xab: {  	_ =	task [dreg:s6], $0x5FFFF  }
0xac: {  	[dreg:$0x1] =	wrdreg $0xFFFFFFFF  }
0xad: {  	[dreg:$0x0] =	wrdreg $0x60  }
0xae: {  	[dreg:$0x2] =	wrdreg s24  }
0xaf: {  	[dreg:$0x3] =	wrdreg $0x0  }
0xb0: {  	[dreg:$0x4] =	wrdreg $0x9  }
0xb1: {  	_ =	task.clear_ibuf [dreg:s6], $0x5FFFF;
	_ =	strace $0x90000049  }
0xb2: {  	s29 =	simm.s32 $0x9;
	_ =	strace $0x8000004B  }
0xb3: {  	_ =	swait.ge [sflag:s29], $0x1  }
0xb4: {  	[sflag:s29] =	ssyncadd.s32 $0xFFFFFFFF  }
0xb5: {  	_ =	strace $0x9000004B  }
0xb6: {  	_ =	sfence  }
0xb7: {  	s30 =	sld [smem:$0x0];
	_ =	sdelay $0x2  }
0xb8: {  	s31 =	sshll.u32 s1, $0xD;
	s1 =	sshrl.u32 s1, $0x2  }
0xb9: {  	s3 =	sand.u32 $0x4000, s31;
	s1 =	sadd.s32 s1, s30  }
0xba: {  	s0 =	sor.u32 s3, s0;
	s1 =	sshll.u32 s1, $0x11  }
0xbb: {  	s0 =	sor.u32 s1, s0  }
0xbc: {  	s0 =	sadd.s32 $0x8F2B, s0  }
0xbd: {  	[sflag:s0] =	ssyncadd.remote.s32 $0x1  }
0xbe: {  	_ =	sfence.sel $0xFFFF  }
0xbf: {  	[dreg:$0x0] =	wrdreg $0xFFFFFFFF;
	(pc) =	sbr.abs _section_cstart, $3  }
0xc0: {  	[dreg:$0x1] =	wrdreg $0xFFFFFFFF  }
0xc1: {  	_ =	task.clear_ibuf [dreg:s6], $0x2FFFF;
	_ =	strace $0x9FFFFFFF  }
0xc2: {  	(tm) =	ssettm $0x7FFFFFFF  }
0xc3: {  	_ =	shalt  }
tec
execute0_lowered:
.L_overlay_start_1:
0x0: {  	(tag) =	ssettag $0x1  }
0x1: {  	s1 =	rddreg [dreg:$0x0];
	s0 =	simm.s32 $0x0;
	s6 =	srdreg.scid  }
0x2: {  	s16 =	stileid.u32;
	s29 =	simm.s32 $0x3;
	s30 =	simm.s32 $0x18000  }
0x3: {  	s31 =	simm.s32 $0x1;
	s28 =	simm.s32 $0x0;
	[smem:$0x7FF] =	sst s0  }
0x4: {  	s2 =	sadd.s32 $0x29C00, s1;
	s6 =	sand.u32 $0x1, s6;
	s8 =	sshll.u32 s16, $0x1  }
0x5: {  	s3 =	sadd.s32 $0x33C00, s1;
	s7 =	smul.u32 $0x280, s16;
	s8 =	sor.u32 s6, s8  }
0x6: {  	s4 =	sadd.s32 $0xBC00, s1;
	s5 =	sadd.s32 $0x1FC00, s1;
	s8 =	smul.u32 $0x500, s8  }
0x7: {  	s11 =	sadd.s32 $0x15C00, s1;
	s13 =	sadd.s32 $0x1C00, s1;
	s25 =	smul.u32 $0xA0, s16  }
0x8: {  	s9 =	smul.u32 $0x7800, s6;
	s10 =	ssub.s32 $0x2, s6;
	s23 =	sadd.s32 s2, s8  }
0x9: {  	s6 =	smul.u32 $0x50, s6;
	s14 =	sadd.s32 s5, s8;
	[dreg:$0x3] =	wrdreg s23  }
0xa: {  	s12 =	sshrl.u32 s10, $0x1;
	s17 =	sadd.s32 s3, s8;
	[dreg:$0x4] =	wrdreg s14  }
0xb: {  	s7 =	sadd.s32 s7, s9;
	s18 =	sadd.s32 s11, s8;
	[dreg:$0x7] =	wrdreg s17  }
0xc: {  	s9 =	ssub.s32 s10, s12;
	s21 =	sadd.s32 s4, s8;
	[dreg:$0x8] =	wrdreg s18  }
0xd: {  	s24 =	sor.u32 $0x10, s8;
	s8 =	sadd.s32 s13, s8;
	[dreg:$0xb] =	wrdreg s21  }
0xe: {  	s6 =	sadd.s32 s6, s25;
	s26 =	sadd.s32 s2, s24;
	[dreg:$0xc] =	wrdreg s8  }
0xf: {  	s6 =	sshll.u32 s6, $0x4;
	s15 =	sadd.s32 s5, s24;
	[dreg:$0x5] =	wrdreg s26  }
0x10: {  	s25 =	sshll.u32 s7, $0x4;
	s19 =	sadd.s32 s3, s24;
	[dreg:$0x6] =	wrdreg s15  }
0x11: {  	s7 =	sshll.u32 s16, $0x6;
	s20 =	sadd.s32 s11, s24;
	[dreg:$0x9] =	wrdreg s19  }
0x12: {  	s22 =	sadd.s32 s4, s24;
	s23 =	sadd.s32 s13, s24;
	[dreg:$0xa] =	wrdreg s20  }
0x13: {  	s24 =	sor.u32 $0x20, s6;
	s10 =	sadd.s32 s6, s2;
	[dreg:$0xd] =	wrdreg s22  }
0x14: {  	s12 =	sadd.s32 s6, s11;
	[dreg:$0xe] =	wrdreg s23;
	s14 =	sadd.s32 s24, s2  }
0x15: {  	s2 =	sadd.s32 s6, s5;
	s15 =	sadd.s32 s24, s5;
	s5 =	sadd.s32 s6, s3  }
0x16: {  	s17 =	sadd.s32 s24, s3;
	s18 =	sadd.s32 s24, s11;
	s19 =	rddreg [dreg:$0x1]  }
0x17: {  	s11 =	sadd.s32 s6, s4;
	s6 =	sadd.s32 s6, s13;
	s20 =	sadd.s32 s24, s4  }
0x18: {  	s21 =	sadd.s32 s24, s13;
	s22 =	sadd.s32 $0x130400, s1;
	s26 =	smul.u32 $0x50000, s16  }
0x19: {  	s3 =	sadd.s32 s25, s1;
	s23 =	sadd.s32 $0x157600, s1;
	s24 =	sadd.s32 $0x17E800, s1  }
0x1a: {  	s1 =	sadd.s32 $0x3DC00, s1;
	s25 =	sor.u32 $0x1C04, s7;
	s7 =	simm.s32 $0x4  }
0x1b: {  	_ =	strace $0x8000004A;
	[dreg:$0xf] =	wrdreg s1;
	s8 =	sadd.s32 $0x1A5A00, s3  }
0x1c: {  	s13 =	sadd.s32 $0x1CDA00, s3;
	s16 =	sadd.s32 $0x1F5A00, s3;
	[dreg:$0x11] =	wrdreg s25  }
0x1d: {  	s2 =	sadd.s32 $0x30, s2;
	s3 =	sadd.s32 $0x30, s5;
	[dreg:$0x12] =	wrdreg s8  }
0x1e: {  	s5 =	sadd.s32 $0x30, s11;
	s6 =	sadd.s32 $0x30, s6;
	[dreg:$0x13] =	wrdreg s13  }
0x1f: {  	s11 =	simm.s32 $0x1C180;
	s4 =	sshrl.u32 s26, $0x2;
	[dreg:$0x14] =	wrdreg s16  }
0x20: {  	s26 =	smax.u32 s9, $0x1;
	s8 =	simm.s32 $0x1C000;
	s9 =	simm.s32 $0x1C100  }
0x21: {  	s13 =	simm.s32 $0x80;
	s1 =	sadd.s32 s4, s19;
	[dreg:$0x15] =	wrdreg s26  }
0x22: {  	s4 =	sadd.s32 $0x30, s12;
	s12 =	simm.s32 $0x2;
	s26 =	simm.s32 $0x14000  }
0x23: {  	[dreg:$0x10] =	wrdreg s1;
	s1 =	sadd.s32 $0x30, s10;
	s10 =	simm.s32 $0x1C080  }
.LBB2_1:
0x24: {  	[dreg:$0x16] =	wrdreg s28  }
0x25: {  	s16 =	rddreg [dreg:$0x10]  }
0x26: {  	s28 =	sshrl.u32 s16, $0x3;
	s16 =	rddreg [dreg:$0xf]  }
0x27: {  	[dreg:$0x17] =	wrdreg s28  }
0x28: {  	[spmem:s28], [sflag:s25] =	dma.local [hbm:s16], $0x2800  }
0x29: {  	_ =	swait.ge [sflag:s7], $0x2800  }
0x2a: {  	[sflag:s7] =	ssyncset.done $0x0  }
0x2b: {  	[sflag:s7] =	ssyncadd.s32 $0xFFFFD800  }
0x2c: {  	[bflag:$0x0] =	sbarrier.arrive $0xFFFF  }
0x2d: {  	s25 =	rddreg [dreg:$0x3]  }
0x2e: {  	[tilespmem:s8], [sflag:$0x2] =	stream.linear.gather [hbm4b:s25+s0], $0x80, $0x38;
	[tilespmem:$0x1C200] =	vst v63  }
0x2f: {  	s25 =	rddreg [dreg:$0x4]  }
0x30: {  	[tilespmem:s9], [sflag:$0x2] =	stream.linear.gather [hbm4b:s25+s0], $0x80, $0x38;
	[tilespmem:$0x1C200] =	vst v63  }
0x31: {  	s25 =	rddreg [dreg:$0x5]  }
0x32: {  	[tilespmem:s10], [sflag:$0x3] =	stream.linear.gather [hbm4b:s25+s0], $0x80, $0x38;
	[tilespmem:$0x1C200] =	vst v63  }
0x33: {  	s25 =	rddreg [dreg:$0x6]  }
0x34: {  	[tilespmem:s11], [sflag:$0x3] =	stream.linear.gather [hbm4b:s25+s0], $0x80, $0x38;
	[tilespmem:$0x1C200] =	vst v63  }
0x35: {  	_ =	swait.ge [sflag:s12], $0x80  }
0x36: {  	[sflag:s12] =	ssyncset.done $0x0  }
0x37: {  	[sflag:s12] =	ssyncadd.s32 $0xFFFFFF80  }
0x38: {  	_ =	swait.ge [sflag:s12], $0x80  }
0x39: {  	[sflag:s12] =	ssyncset.done $0x0  }
0x3a: {  	[sflag:s12] =	ssyncadd.s32 $0xFFFFFF80  }
0x3b: {  	[tilespmem:s26], [sflag:$0x1] =	stream.indirect.gather [hbm4b:s22+s13], $0x80, s8, s13, $0xb8;
	[tilespmem:$0x1C200] =	vst v63  }
0x3c: {  	_ =	swait.ge [sflag:s29], $0x80  }
0x3d: {  	[sflag:s29] =	ssyncset.done $0x0  }
0x3e: {  	[sflag:s29] =	ssyncadd.s32 $0xFFFFFF80  }
0x3f: {  	_ =	swait.ge [sflag:s29], $0x80  }
0x40: {  	[sflag:s29] =	ssyncset.done $0x0  }
0x41: {  	[sflag:s29] =	ssyncadd.s32 $0xFFFFFF80  }
0x42: {  	[tilespmem:s30], [sflag:$0x1] =	stream.indirect.gather [hbm4b:s22+s13], $0x80, s10, s13, $0xb8;
	[tilespmem:$0x1C200] =	vst v63  }
0x43: {  	_ =	swait.ge [sflag:s31], $0x4000  }
0x44: {  	[sflag:s31] =	ssyncset.done $0x0  }
0x45: {  	[sflag:s31] =	ssyncadd.s32 $0xFFFFC000  }
0x46: {  	[spmem:s19] =	stream.indirect.scatter.add.f32 [tilespmem:s26], [sflag:$0x4], $0x80, s9, s13, $0xb8;
	[tilespmem:$0x1C200] =	vst v63  }
0x47: {  	_ =	swait.ge [sflag:s7], $0x4000  }
0x48: {  	[sflag:s7] =	ssyncset.done $0x0  }
0x49: {  	s25 =	sadd.s32 $0x0, s14;
	[sflag:s7] =	ssyncadd.s32 $0xFFFFC000  }
0x4a: {  	[tilespmem:s8], [sflag:$0x2] =	stream.linear.gather [hbm4b:s25+s0], $0x80, $0x38;
	[tilespmem:$0x1C200] =	vst v63  }
0x4b: {  	s25 =	sadd.s32 $0x0, s15  }
0x4c: {  	[tilespmem:s9], [sflag:$0x2] =	stream.linear.gather [hbm4b:s25+s0], $0x80, $0x38;
	[tilespmem:$0x1C200] =	vst v63  }
0x4d: {  	_ =	swait.ge [sflag:s12], $0x80  }
0x4e: {  	[sflag:s12] =	ssyncset.done $0x0  }
0x4f: {  	[sflag:s12] =	ssyncadd.s32 $0xFFFFFF80  }
0x50: {  	_ =	swait.ge [sflag:s12], $0x80  }
0x51: {  	[sflag:s12] =	ssyncset.done $0x0  }
0x52: {  	[sflag:s12] =	ssyncadd.s32 $0xFFFFFF80  }
0x53: {  	[tilespmem:s26], [sflag:$0x1] =	stream.indirect.gather [hbm4b:s22+s13], $0x80, s8, s13, $0xb8;
	[tilespmem:$0x1C200] =	vst v63  }
0x54: {  	_ =	swait.ge [sflag:s31], $0x4000  }
0x55: {  	[sflag:s31] =	ssyncset.done $0x0  }
0x56: {  	[sflag:s31] =	ssyncadd.s32 $0xFFFFC000  }
0x57: {  	[spmem:s19] =	stream.indirect.scatter.add.f32 [tilespmem:s30], [sflag:$0x4], $0x80, s11, s13, $0xb8;
	[tilespmem:$0x1C200] =	vst v63  }
0x58: {  	_ =	swait.ge [sflag:s7], $0x4000  }
0x59: {  	s28 =	simm.s32 $0x20;
	[sflag:s7] =	ssyncset.done $0x0  }
0x5a: {  	s16 =	sadd.s32 $0x0, s2;
	s25 =	sadd.s32 $0x0, s1;
	[sflag:s7] =	ssyncadd.s32 $0xFFFFC000  }
0x5b: {  	[tilespmem:s10], [sflag:$0x3] =	stream.linear.gather [hbm4b:s25+s0], $0x80, $0x38;
	[tilespmem:$0x1C200] =	vst v63  }
.LBB2_2:
0x5c: {  	[tilespmem:s11], [sflag:$0x3] =	stream.linear.gather [hbm4b:s16+s0], $0x80, $0x38;
	[tilespmem:$0x1C200] =	vst v63  }
0x5d: {  	s16 =	smov.u32 s28  }
0x5e: {  	p0 =	sne.s32 s28, $0x4C0;
	s28 =	sadd.s32 $0x20, s28;
	_ =	swait.ge [sflag:s29], $0x80  }
0x5f: {  	[sflag:s29] =	ssyncset.done $0x0  }
0x60: {  	[sflag:s29] =	ssyncadd.s32 $0xFFFFFF80  }
0x61: {  	_ =	swait.ge [sflag:s29], $0x80  }
0x62: {  	[sflag:s29] =	ssyncset.done $0x0  }
0x63: {  	[sflag:s29] =	ssyncadd.s32 $0xFFFFFF80  }
0x64: {  	[tilespmem:s30], [sflag:$0x1] =	stream.indirect.gather [hbm4b:s22+s13], $0x80, s10, s13, $0xb8;
	[tilespmem:$0x1C200] =	vst v63  }
0x65: {  	_ =	swait.ge [sflag:s31], $0x4000  }
0x66: {  	[sflag:s31] =	ssyncset.done $0x0  }
0x67: {  	[sflag:s31] =	ssyncadd.s32 $0xFFFFC000  }
0x68: {  	[spmem:s19] =	stream.indirect.scatter.add.f32 [tilespmem:s26], [sflag:$0x4], $0x80, s9, s13, $0xb8;
	[tilespmem:$0x1C200] =	vst v63  }
0x69: {  	_ =	swait.ge [sflag:s7], $0x4000  }
0x6a: {  	[sflag:s7] =	ssyncset.done $0x0  }
0x6b: {  	s25 =	sadd.s32 s16, s14;
	[sflag:s7] =	ssyncadd.s32 $0xFFFFC000  }
0x6c: {  	[tilespmem:s8], [sflag:$0x2] =	stream.linear.gather [hbm4b:s25+s0], $0x80, $0x38;
	[tilespmem:$0x1C200] =	vst v63  }
0x6d: {  	s25 =	sadd.s32 s16, s15  }
0x6e: {  	[tilespmem:s9], [sflag:$0x2] =	stream.linear.gather [hbm4b:s25+s0], $0x80, $0x38;
	[tilespmem:$0x1C200] =	vst v63  }
0x6f: {  	_ =	swait.ge [sflag:s12], $0x80  }
0x70: {  	[sflag:s12] =	ssyncset.done $0x0  }
0x71: {  	[sflag:s12] =	ssyncadd.s32 $0xFFFFFF80  }
0x72: {  	_ =	swait.ge [sflag:s12], $0x80  }
0x73: {  	[sflag:s12] =	ssyncset.done $0x0  }
0x74: {  	[sflag:s12] =	ssyncadd.s32 $0xFFFFFF80  }
0x75: {  	[tilespmem:s26], [sflag:$0x1] =	stream.indirect.gather [hbm4b:s22+s13], $0x80, s8, s13, $0xb8;
	[tilespmem:$0x1C200] =	vst v63  }
0x76: {  	_ =	swait.ge [sflag:s31], $0x4000  }
0x77: {  	[sflag:s31] =	ssyncset.done $0x0  }
0x78: {  	[sflag:s31] =	ssyncadd.s32 $0xFFFFC000  }
0x79: {  	[spmem:s19] =	stream.indirect.scatter.add.f32 [tilespmem:s30], [sflag:$0x4], $0x80, s11, s13, $0xb8;
	[tilespmem:$0x1C200] =	vst v63  }
.Ltmp0:
0x7a: {  	_ =	swait.ge [sflag:s7], $0x4000;
	(pc) =	sbr.rel @p0 .LBB2_2-.Ltmp0, $4  }
0x7b: {  	[sflag:s7] =	ssyncset.done $0x0  }
0x7c: {  	s25 =	sadd.s32 s16, s1;
	[sflag:s7] =	ssyncadd.s32 $0xFFFFC000  }
0x7d: {  	[tilespmem:s10], [sflag:$0x3] =	stream.linear.gather [hbm4b:s25+s0], $0x80, $0x38;
	[tilespmem:$0x1C200] =	vst v63  }
0x7e: {  	s16 =	sadd.s32 s16, s2  }
0x7f: {  	[tilespmem:s11], [sflag:$0x3] =	stream.linear.gather [hbm4b:s16+s0], $0x80, $0x38;
	[tilespmem:$0x1C200] =	vst v63  }
0x80: {  	_ =	swait.ge [sflag:s29], $0x80  }
0x81: {  	[sflag:s29] =	ssyncset.done $0x0  }
0x82: {  	[sflag:s29] =	ssyncadd.s32 $0xFFFFFF80  }
0x83: {  	_ =	swait.ge [sflag:s29], $0x80  }
0x84: {  	[sflag:s29] =	ssyncset.done $0x0  }
0x85: {  	[sflag:s29] =	ssyncadd.s32 $0xFFFFFF80  }
0x86: {  	[tilespmem:s30], [sflag:$0x1] =	stream.indirect.gather [hbm4b:s22+s13], $0x80, s10, s13, $0xb8;
	[tilespmem:$0x1C200] =	vst v63  }
0x87: {  	_ =	swait.ge [sflag:s31], $0x4000  }
0x88: {  	[sflag:s31] =	ssyncset.done $0x0  }
0x89: {  	[sflag:s31] =	ssyncadd.s32 $0xFFFFC000  }
0x8a: {  	[spmem:s19] =	stream.indirect.scatter.add.f32 [tilespmem:s26], [sflag:$0x4], $0x80, s9, s13, $0xb8;
	[tilespmem:$0x1C200] =	vst v63  }
0x8b: {  	_ =	swait.ge [sflag:s7], $0x4000  }
0x8c: {  	[sflag:s7] =	ssyncset.done $0x0  }
0x8d: {  	[sflag:s7] =	ssyncadd.s32 $0xFFFFC000  }
0x8e: {  	_ =	swait.ge [sflag:s31], $0x4000  }
0x8f: {  	[sflag:s31] =	ssyncset.done $0x0  }
0x90: {  	[sflag:s31] =	ssyncadd.s32 $0xFFFFC000  }
0x91: {  	[spmem:s19] =	stream.indirect.scatter.add.f32 [tilespmem:s30], [sflag:$0x4], $0x80, s11, s13, $0xb8;
	[tilespmem:$0x1C200] =	vst v63  }
0x92: {  	_ =	swait.ge [sflag:s7], $0x4000  }
0x93: {  	[sflag:s7] =	ssyncset.done $0x0  }
0x94: {  	[sflag:s7] =	ssyncadd.s32 $0xFFFFC000  }
0x95: {  	[bflag:$0x0] =	sbarrier.arrive $0xFFFF  }
0x96: {  	s25 =	rddreg [dreg:$0x11]  }
0x97: {  	s16 =	rddreg [dreg:$0x12]  }
0x98: {  	s28 =	rddreg [dreg:$0x17]  }
0x99: {  	[hbm:s16], [sflag:s25] =	dma.local [spmem:s28], $0x2800  }
0x9a: {  	_ =	swait.ge [sflag:s7], $0x2800  }
0x9b: {  	[sflag:s7] =	ssyncset.done $0x0  }
0x9c: {  	[sflag:s7] =	ssyncadd.s32 $0xFFFFD800  }
0x9d: {  	[bflag:$0x0] =	sbarrier.arrive $0xFFFF  }
0x9e: {  	s16 =	rddreg [dreg:$0xf]  }
0x9f: {  	[spmem:s28], [sflag:s25] =	dma.local [hbm:s16], $0x2800  }
0xa0: {  	_ =	swait.ge [sflag:s7], $0x2800  }
0xa1: {  	[sflag:s7] =	ssyncset.done $0x0  }
0xa2: {  	[sflag:s7] =	ssyncadd.s32 $0xFFFFD800  }
0xa3: {  	[bflag:$0x0] =	sbarrier.arrive $0xFFFF  }
0xa4: {  	s16 =	simm.s32 $0x0;
	s25 =	rddreg [dreg:$0x7]  }
0xa5: {  	[tilespmem:s8], [sflag:$0x2] =	stream.linear.gather [hbm4b:s25+s16], $0x80, $0x38;
	[tilespmem:$0x1C200] =	vst v63  }
0xa6: {  	s25 =	rddreg [dreg:$0x8]  }
0xa7: {  	[tilespmem:s9], [sflag:$0x2] =	stream.linear.gather [hbm4b:s25+s16], $0x80, $0x38;
	[tilespmem:$0x1C200] =	vst v63  }
0xa8: {  	s25 =	rddreg [dreg:$0x9]  }
0xa9: {  	[tilespmem:s10], [sflag:$0x3] =	stream.linear.gather [hbm4b:s25+s16], $0x80, $0x38;
	[tilespmem:$0x1C200] =	vst v63  }
0xaa: {  	s25 =	rddreg [dreg:$0xa]  }
0xab: {  	[tilespmem:s11], [sflag:$0x3] =	stream.linear.gather [hbm4b:s25+s16], $0x80, $0x38;
	[tilespmem:$0x1C200] =	vst v63  }
0xac: {  	_ =	swait.ge [sflag:s12], $0x80  }
0xad: {  	[sflag:s12] =	ssyncset.done $0x0  }
0xae: {  	[sflag:s12] =	ssyncadd.s32 $0xFFFFFF80  }
0xaf: {  	_ =	swait.ge [sflag:s12], $0x80  }
0xb0: {  	[sflag:s12] =	ssyncset.done $0x0  }
0xb1: {  	[sflag:s12] =	ssyncadd.s32 $0xFFFFFF80  }
0xb2: {  	[tilespmem:s26], [sflag:$0x1] =	stream.indirect.gather [hbm4b:s23+s13], $0x80, s8, s13, $0xb8;
	[tilespmem:$0x1C200] =	vst v63  }
0xb3: {  	_ =	swait.ge [sflag:s29], $0x80  }
0xb4: {  	[sflag:s29] =	ssyncset.done $0x0  }
0xb5: {  	[sflag:s29] =	ssyncadd.s32 $0xFFFFFF80  }
0xb6: {  	_ =	swait.ge [sflag:s29], $0x80  }
0xb7: {  	[sflag:s29] =	ssyncset.done $0x0  }
0xb8: {  	[sflag:s29] =	ssyncadd.s32 $0xFFFFFF80  }
0xb9: {  	[tilespmem:s30], [sflag:$0x1] =	stream.indirect.gather [hbm4b:s23+s13], $0x80, s10, s13, $0xb8;
	[tilespmem:$0x1C200] =	vst v63  }
0xba: {  	_ =	swait.ge [sflag:s31], $0x4000  }
0xbb: {  	[sflag:s31] =	ssyncset.done $0x0  }
0xbc: {  	[sflag:s31] =	ssyncadd.s32 $0xFFFFC000  }
0xbd: {  	[spmem:s19] =	stream.indirect.scatter.add.f32 [tilespmem:s26], [sflag:$0x4], $0x80, s9, s13, $0xb8;
	[tilespmem:$0x1C200] =	vst v63  }
0xbe: {  	_ =	swait.ge [sflag:s7], $0x4000  }
0xbf: {  	[sflag:s7] =	ssyncset.done $0x0  }
0xc0: {  	s25 =	sadd.s32 $0x0, s17;
	[sflag:s7] =	ssyncadd.s32 $0xFFFFC000  }
0xc1: {  	[tilespmem:s8], [sflag:$0x2] =	stream.linear.gather [hbm4b:s25+s0], $0x80, $0x38;
	[tilespmem:$0x1C200] =	vst v63  }
0xc2: {  	s25 =	sadd.s32 $0x0, s18  }
0xc3: {  	[tilespmem:s9], [sflag:$0x2] =	stream.linear.gather [hbm4b:s25+s0], $0x80, $0x38;
	[tilespmem:$0x1C200] =	vst v63  }
0xc4: {  	_ =	swait.ge [sflag:s12], $0x80  }
0xc5: {  	[sflag:s12] =	ssyncset.done $0x0  }
0xc6: {  	[sflag:s12] =	ssyncadd.s32 $0xFFFFFF80  }
0xc7: {  	_ =	swait.ge [sflag:s12], $0x80  }
0xc8: {  	[sflag:s12] =	ssyncset.done $0x0  }
0xc9: {  	[sflag:s12] =	ssyncadd.s32 $0xFFFFFF80  }
0xca: {  	[tilespmem:s26], [sflag:$0x1] =	stream.indirect.gather [hbm4b:s23+s13], $0x80, s8, s13, $0xb8;
	[tilespmem:$0x1C200] =	vst v63  }
0xcb: {  	_ =	swait.ge [sflag:s31], $0x4000  }
0xcc: {  	[sflag:s31] =	ssyncset.done $0x0  }
0xcd: {  	[sflag:s31] =	ssyncadd.s32 $0xFFFFC000  }
0xce: {  	[spmem:s19] =	stream.indirect.scatter.add.f32 [tilespmem:s30], [sflag:$0x4], $0x80, s11, s13, $0xb8;
	[tilespmem:$0x1C200] =	vst v63  }
0xcf: {  	_ =	swait.ge [sflag:s7], $0x4000  }
0xd0: {  	s28 =	simm.s32 $0x20;
	[sflag:s7] =	ssyncset.done $0x0  }
0xd1: {  	s16 =	sadd.s32 $0x0, s4;
	s25 =	sadd.s32 $0x0, s3;
	[sflag:s7] =	ssyncadd.s32 $0xFFFFC000  }
0xd2: {  	[tilespmem:s10], [sflag:$0x3] =	stream.linear.gather [hbm4b:s25+s0], $0x80, $0x38;
	[tilespmem:$0x1C200] =	vst v63  }
.LBB2_4:
0xd3: {  	[tilespmem:s11], [sflag:$0x3] =	stream.linear.gather [hbm4b:s16+s0], $0x80, $0x38;
	[tilespmem:$0x1C200] =	vst v63  }
0xd4: {  	s16 =	smov.u32 s28  }
0xd5: {  	p0 =	sne.s32 s28, $0x4C0;
	s28 =	sadd.s32 $0x20, s28;
	_ =	swait.ge [sflag:s29], $0x80  }
0xd6: {  	[sflag:s29] =	ssyncset.done $0x0  }
0xd7: {  	[sflag:s29] =	ssyncadd.s32 $0xFFFFFF80  }
0xd8: {  	_ =	swait.ge [sflag:s29], $0x80  }
0xd9: {  	[sflag:s29] =	ssyncset.done $0x0  }
0xda: {  	[sflag:s29] =	ssyncadd.s32 $0xFFFFFF80  }
0xdb: {  	[tilespmem:s30], [sflag:$0x1] =	stream.indirect.gather [hbm4b:s23+s13], $0x80, s10, s13, $0xb8;
	[tilespmem:$0x1C200] =	vst v63  }
0xdc: {  	_ =	swait.ge [sflag:s31], $0x4000  }
0xdd: {  	[sflag:s31] =	ssyncset.done $0x0  }
0xde: {  	[sflag:s31] =	ssyncadd.s32 $0xFFFFC000  }
0xdf: {  	[spmem:s19] =	stream.indirect.scatter.add.f32 [tilespmem:s26], [sflag:$0x4], $0x80, s9, s13, $0xb8;
	[tilespmem:$0x1C200] =	vst v63  }
0xe0: {  	_ =	swait.ge [sflag:s7], $0x4000  }
0xe1: {  	[sflag:s7] =	ssyncset.done $0x0  }
0xe2: {  	s25 =	sadd.s32 s16, s17;
	[sflag:s7] =	ssyncadd.s32 $0xFFFFC000  }
0xe3: {  	[tilespmem:s8], [sflag:$0x2] =	stream.linear.gather [hbm4b:s25+s0], $0x80, $0x38;
	[tilespmem:$0x1C200] =	vst v63  }
0xe4: {  	s25 =	sadd.s32 s16, s18  }
0xe5: {  	[tilespmem:s9], [sflag:$0x2] =	stream.linear.gather [hbm4b:s25+s0], $0x80, $0x38;
	[tilespmem:$0x1C200] =	vst v63  }
0xe6: {  	_ =	swait.ge [sflag:s12], $0x80  }
0xe7: {  	[sflag:s12] =	ssyncset.done $0x0  }
0xe8: {  	[sflag:s12] =	ssyncadd.s32 $0xFFFFFF80  }
0xe9: {  	_ =	swait.ge [sflag:s12], $0x80  }
0xea: {  	[sflag:s12] =	ssyncset.done $0x0  }
0xeb: {  	[sflag:s12] =	ssyncadd.s32 $0xFFFFFF80  }
0xec: {  	[tilespmem:s26], [sflag:$0x1] =	stream.indirect.gather [hbm4b:s23+s13], $0x80, s8, s13, $0xb8;
	[tilespmem:$0x1C200] =	vst v63  }
0xed: {  	_ =	swait.ge [sflag:s31], $0x4000  }
0xee: {  	[sflag:s31] =	ssyncset.done $0x0  }
0xef: {  	[sflag:s31] =	ssyncadd.s32 $0xFFFFC000  }
0xf0: {  	[spmem:s19] =	stream.indirect.scatter.add.f32 [tilespmem:s30], [sflag:$0x4], $0x80, s11, s13, $0xb8;
	[tilespmem:$0x1C200] =	vst v63  }
.Ltmp1:
0xf1: {  	_ =	swait.ge [sflag:s7], $0x4000;
	(pc) =	sbr.rel @p0 .LBB2_4-.Ltmp1, $4  }
0xf2: {  	[sflag:s7] =	ssyncset.done $0x0  }
0xf3: {  	s25 =	sadd.s32 s16, s3;
	[sflag:s7] =	ssyncadd.s32 $0xFFFFC000  }
0xf4: {  	[tilespmem:s10], [sflag:$0x3] =	stream.linear.gather [hbm4b:s25+s0], $0x80, $0x38;
	[tilespmem:$0x1C200] =	vst v63  }
0xf5: {  	s16 =	sadd.s32 s16, s4  }
0xf6: {  	[tilespmem:s11], [sflag:$0x3] =	stream.linear.gather [hbm4b:s16+s0], $0x80, $0x38;
	[tilespmem:$0x1C200] =	vst v63  }
0xf7: {  	_ =	swait.ge [sflag:s29], $0x80  }
0xf8: {  	[sflag:s29] =	ssyncset.done $0x0  }
0xf9: {  	[sflag:s29] =	ssyncadd.s32 $0xFFFFFF80  }
0xfa: {  	_ =	swait.ge [sflag:s29], $0x80  }
0xfb: {  	[sflag:s29] =	ssyncset.done $0x0  }
0xfc: {  	[sflag:s29] =	ssyncadd.s32 $0xFFFFFF80  }
0xfd: {  	[tilespmem:s30], [sflag:$0x1] =	stream.indirect.gather [hbm4b:s23+s13], $0x80, s10, s13, $0xb8;
	[tilespmem:$0x1C200] =	vst v63  }
0xfe: {  	_ =	swait.ge [sflag:s31], $0x4000  }
0xff: {  	[sflag:s31] =	ssyncset.done $0x0  }
0x100: {  	[sflag:s31] =	ssyncadd.s32 $0xFFFFC000  }
0x101: {  	[spmem:s19] =	stream.indirect.scatter.add.f32 [tilespmem:s26], [sflag:$0x4], $0x80, s9, s13, $0xb8;
	[tilespmem:$0x1C200] =	vst v63  }
0x102: {  	_ =	swait.ge [sflag:s7], $0x4000  }
0x103: {  	[sflag:s7] =	ssyncset.done $0x0  }
0x104: {  	[sflag:s7] =	ssyncadd.s32 $0xFFFFC000  }
0x105: {  	_ =	swait.ge [sflag:s31], $0x4000  }
0x106: {  	[sflag:s31] =	ssyncset.done $0x0  }
0x107: {  	[sflag:s31] =	ssyncadd.s32 $0xFFFFC000  }
0x108: {  	[spmem:s19] =	stream.indirect.scatter.add.f32 [tilespmem:s30], [sflag:$0x4], $0x80, s11, s13, $0xb8;
	[tilespmem:$0x1C200] =	vst v63  }
0x109: {  	_ =	swait.ge [sflag:s7], $0x4000  }
0x10a: {  	[sflag:s7] =	ssyncset.done $0x0  }
0x10b: {  	[sflag:s7] =	ssyncadd.s32 $0xFFFFC000  }
0x10c: {  	[bflag:$0x0] =	sbarrier.arrive $0xFFFF  }
0x10d: {  	s25 =	rddreg [dreg:$0x11]  }
0x10e: {  	s16 =	rddreg [dreg:$0x13]  }
0x10f: {  	s28 =	rddreg [dreg:$0x17]  }
0x110: {  	[hbm:s16], [sflag:s25] =	dma.local [spmem:s28], $0x2800  }
0x111: {  	_ =	swait.ge [sflag:s7], $0x2800  }
0x112: {  	[sflag:s7] =	ssyncset.done $0x0  }
0x113: {  	[sflag:s7] =	ssyncadd.s32 $0xFFFFD800  }
0x114: {  	[bflag:$0x0] =	sbarrier.arrive $0xFFFF  }
0x115: {  	s16 =	rddreg [dreg:$0xf]  }
0x116: {  	[spmem:s28], [sflag:s25] =	dma.local [hbm:s16], $0x2800  }
0x117: {  	_ =	swait.ge [sflag:s7], $0x2800  }
0x118: {  	[sflag:s7] =	ssyncset.done $0x0  }
0x119: {  	[sflag:s7] =	ssyncadd.s32 $0xFFFFD800  }
0x11a: {  	[bflag:$0x0] =	sbarrier.arrive $0xFFFF  }
0x11b: {  	s16 =	simm.s32 $0x0;
	s25 =	rddreg [dreg:$0xb]  }
0x11c: {  	[tilespmem:s8], [sflag:$0x2] =	stream.linear.gather [hbm4b:s25+s16], $0x80, $0x38;
	[tilespmem:$0x1C200] =	vst v63  }
0x11d: {  	s25 =	rddreg [dreg:$0xc]  }
0x11e: {  	[tilespmem:s9], [sflag:$0x2] =	stream.linear.gather [hbm4b:s25+s16], $0x80, $0x38;
	[tilespmem:$0x1C200] =	vst v63  }
0x11f: {  	s25 =	rddreg [dreg:$0xd]  }
0x120: {  	[tilespmem:s10], [sflag:$0x3] =	stream.linear.gather [hbm4b:s25+s16], $0x80, $0x38;
	[tilespmem:$0x1C200] =	vst v63  }
0x121: {  	s25 =	rddreg [dreg:$0xe]  }
0x122: {  	[tilespmem:s11], [sflag:$0x3] =	stream.linear.gather [hbm4b:s25+s16], $0x80, $0x38;
	[tilespmem:$0x1C200] =	vst v63  }
0x123: {  	_ =	swait.ge [sflag:s12], $0x80  }
0x124: {  	[sflag:s12] =	ssyncset.done $0x0  }
0x125: {  	[sflag:s12] =	ssyncadd.s32 $0xFFFFFF80  }
0x126: {  	_ =	swait.ge [sflag:s12], $0x80  }
0x127: {  	[sflag:s12] =	ssyncset.done $0x0  }
0x128: {  	[sflag:s12] =	ssyncadd.s32 $0xFFFFFF80  }
0x129: {  	[tilespmem:s26], [sflag:$0x1] =	stream.indirect.gather [hbm4b:s24+s13], $0x80, s8, s13, $0xb8;
	[tilespmem:$0x1C200] =	vst v63  }
0x12a: {  	_ =	swait.ge [sflag:s29], $0x80  }
0x12b: {  	[sflag:s29] =	ssyncset.done $0x0  }
0x12c: {  	[sflag:s29] =	ssyncadd.s32 $0xFFFFFF80  }
0x12d: {  	_ =	swait.ge [sflag:s29], $0x80  }
0x12e: {  	[sflag:s29] =	ssyncset.done $0x0  }
0x12f: {  	[sflag:s29] =	ssyncadd.s32 $0xFFFFFF80  }
0x130: {  	[tilespmem:s30], [sflag:$0x1] =	stream.indirect.gather [hbm4b:s24+s13], $0x80, s10, s13, $0xb8;
	[tilespmem:$0x1C200] =	vst v63  }
0x131: {  	_ =	swait.ge [sflag:s31], $0x4000  }
0x132: {  	[sflag:s31] =	ssyncset.done $0x0  }
0x133: {  	[sflag:s31] =	ssyncadd.s32 $0xFFFFC000  }
0x134: {  	[spmem:s19] =	stream.indirect.scatter.add.f32 [tilespmem:s26], [sflag:$0x4], $0x80, s9, s13, $0xb8;
	[tilespmem:$0x1C200] =	vst v63  }
0x135: {  	_ =	swait.ge [sflag:s7], $0x4000  }
0x136: {  	[sflag:s7] =	ssyncset.done $0x0  }
0x137: {  	s25 =	sadd.s32 $0x0, s20;
	[sflag:s7] =	ssyncadd.s32 $0xFFFFC000  }
0x138: {  	[tilespmem:s8], [sflag:$0x2] =	stream.linear.gather [hbm4b:s25+s0], $0x80, $0x38;
	[tilespmem:$0x1C200] =	vst v63  }
0x139: {  	s25 =	sadd.s32 $0x0, s21  }
0x13a: {  	[tilespmem:s9], [sflag:$0x2] =	stream.linear.gather [hbm4b:s25+s0], $0x80, $0x38;
	[tilespmem:$0x1C200] =	vst v63  }
0x13b: {  	_ =	swait.ge [sflag:s12], $0x80  }
0x13c: {  	[sflag:s12] =	ssyncset.done $0x0  }
0x13d: {  	[sflag:s12] =	ssyncadd.s32 $0xFFFFFF80  }
0x13e: {  	_ =	swait.ge [sflag:s12], $0x80  }
0x13f: {  	[sflag:s12] =	ssyncset.done $0x0  }
0x140: {  	[sflag:s12] =	ssyncadd.s32 $0xFFFFFF80  }
0x141: {  	[tilespmem:s26], [sflag:$0x1] =	stream.indirect.gather [hbm4b:s24+s13], $0x80, s8, s13, $0xb8;
	[tilespmem:$0x1C200] =	vst v63  }
0x142: {  	_ =	swait.ge [sflag:s31], $0x4000  }
0x143: {  	[sflag:s31] =	ssyncset.done $0x0  }
0x144: {  	[sflag:s31] =	ssyncadd.s32 $0xFFFFC000  }
0x145: {  	[spmem:s19] =	stream.indirect.scatter.add.f32 [tilespmem:s30], [sflag:$0x4], $0x80, s11, s13, $0xb8;
	[tilespmem:$0x1C200] =	vst v63  }
0x146: {  	_ =	swait.ge [sflag:s7], $0x4000  }
0x147: {  	s28 =	simm.s32 $0x20;
	[sflag:s7] =	ssyncset.done $0x0  }
0x148: {  	s16 =	sadd.s32 $0x0, s6;
	s25 =	sadd.s32 $0x0, s5;
	[sflag:s7] =	ssyncadd.s32 $0xFFFFC000  }
0x149: {  	[tilespmem:s10], [sflag:$0x3] =	stream.linear.gather [hbm4b:s25+s0], $0x80, $0x38;
	[tilespmem:$0x1C200] =	vst v63  }
.LBB2_6:
0x14a: {  	[tilespmem:s11], [sflag:$0x3] =	stream.linear.gather [hbm4b:s16+s0], $0x80, $0x38;
	[tilespmem:$0x1C200] =	vst v63  }
0x14b: {  	s16 =	smov.u32 s28  }
0x14c: {  	p0 =	sne.s32 s28, $0x4C0;
	s28 =	sadd.s32 $0x20, s28;
	_ =	swait.ge [sflag:s29], $0x80  }
0x14d: {  	[sflag:s29] =	ssyncset.done $0x0  }
0x14e: {  	[sflag:s29] =	ssyncadd.s32 $0xFFFFFF80  }
0x14f: {  	_ =	swait.ge [sflag:s29], $0x80  }
0x150: {  	[sflag:s29] =	ssyncset.done $0x0  }
0x151: {  	[sflag:s29] =	ssyncadd.s32 $0xFFFFFF80  }
0x152: {  	[tilespmem:s30], [sflag:$0x1] =	stream.indirect.gather [hbm4b:s24+s13], $0x80, s10, s13, $0xb8;
	[tilespmem:$0x1C200] =	vst v63  }
0x153: {  	_ =	swait.ge [sflag:s31], $0x4000  }
0x154: {  	[sflag:s31] =	ssyncset.done $0x0  }
0x155: {  	[sflag:s31] =	ssyncadd.s32 $0xFFFFC000  }
0x156: {  	[spmem:s19] =	stream.indirect.scatter.add.f32 [tilespmem:s26], [sflag:$0x4], $0x80, s9, s13, $0xb8;
	[tilespmem:$0x1C200] =	vst v63  }
0x157: {  	_ =	swait.ge [sflag:s7], $0x4000  }
0x158: {  	[sflag:s7] =	ssyncset.done $0x0  }
0x159: {  	s25 =	sadd.s32 s16, s20;
	[sflag:s7] =	ssyncadd.s32 $0xFFFFC000  }
0x15a: {  	[tilespmem:s8], [sflag:$0x2] =	stream.linear.gather [hbm4b:s25+s0], $0x80, $0x38;
	[tilespmem:$0x1C200] =	vst v63  }
0x15b: {  	s25 =	sadd.s32 s16, s21  }
0x15c: {  	[tilespmem:s9], [sflag:$0x2] =	stream.linear.gather [hbm4b:s25+s0], $0x80, $0x38;
	[tilespmem:$0x1C200] =	vst v63  }
0x15d: {  	_ =	swait.ge [sflag:s12], $0x80  }
0x15e: {  	[sflag:s12] =	ssyncset.done $0x0  }
0x15f: {  	[sflag:s12] =	ssyncadd.s32 $0xFFFFFF80  }
0x160: {  	_ =	swait.ge [sflag:s12], $0x80  }
0x161: {  	[sflag:s12] =	ssyncset.done $0x0  }
0x162: {  	[sflag:s12] =	ssyncadd.s32 $0xFFFFFF80  }
0x163: {  	[tilespmem:s26], [sflag:$0x1] =	stream.indirect.gather [hbm4b:s24+s13], $0x80, s8, s13, $0xb8;
	[tilespmem:$0x1C200] =	vst v63  }
0x164: {  	_ =	swait.ge [sflag:s31], $0x4000  }
0x165: {  	[sflag:s31] =	ssyncset.done $0x0  }
0x166: {  	[sflag:s31] =	ssyncadd.s32 $0xFFFFC000  }
0x167: {  	[spmem:s19] =	stream.indirect.scatter.add.f32 [tilespmem:s30], [sflag:$0x4], $0x80, s11, s13, $0xb8;
	[tilespmem:$0x1C200] =	vst v63  }
.Ltmp2:
0x168: {  	_ =	swait.ge [sflag:s7], $0x4000;
	(pc) =	sbr.rel @p0 .LBB2_6-.Ltmp2, $4  }
0x169: {  	[sflag:s7] =	ssyncset.done $0x0  }
0x16a: {  	s25 =	sadd.s32 s16, s5;
	[sflag:s7] =	ssyncadd.s32 $0xFFFFC000  }
0x16b: {  	[tilespmem:s10], [sflag:$0x3] =	stream.linear.gather [hbm4b:s25+s0], $0x80, $0x38;
	[tilespmem:$0x1C200] =	vst v63  }
0x16c: {  	s16 =	sadd.s32 s16, s6  }
0x16d: {  	[tilespmem:s11], [sflag:$0x3] =	stream.linear.gather [hbm4b:s16+s0], $0x80, $0x38;
	[tilespmem:$0x1C200] =	vst v63  }
0x16e: {  	_ =	swait.ge [sflag:s29], $0x80  }
0x16f: {  	[sflag:s29] =	ssyncset.done $0x0  }
0x170: {  	[sflag:s29] =	ssyncadd.s32 $0xFFFFFF80  }
0x171: {  	_ =	swait.ge [sflag:s29], $0x80  }
0x172: {  	[sflag:s29] =	ssyncset.done $0x0  }
0x173: {  	[sflag:s29] =	ssyncadd.s32 $0xFFFFFF80  }
0x174: {  	[tilespmem:s30], [sflag:$0x1] =	stream.indirect.gather [hbm4b:s24+s13], $0x80, s10, s13, $0xb8;
	[tilespmem:$0x1C200] =	vst v63  }
0x175: {  	_ =	swait.ge [sflag:s31], $0x4000  }
0x176: {  	[sflag:s31] =	ssyncset.done $0x0  }
0x177: {  	[sflag:s31] =	ssyncadd.s32 $0xFFFFC000  }
0x178: {  	[spmem:s19] =	stream.indirect.scatter.add.f32 [tilespmem:s26], [sflag:$0x4], $0x80, s9, s13, $0xb8;
	[tilespmem:$0x1C200] =	vst v63  }
0x179: {  	_ =	swait.ge [sflag:s7], $0x4000  }
0x17a: {  	[sflag:s7] =	ssyncset.done $0x0  }
0x17b: {  	[sflag:s7] =	ssyncadd.s32 $0xFFFFC000  }
0x17c: {  	_ =	swait.ge [sflag:s31], $0x4000  }
0x17d: {  	[sflag:s31] =	ssyncset.done $0x0  }
0x17e: {  	[sflag:s31] =	ssyncadd.s32 $0xFFFFC000  }
0x17f: {  	[spmem:s19] =	stream.indirect.scatter.add.f32 [tilespmem:s30], [sflag:$0x4], $0x80, s11, s13, $0xb8;
	[tilespmem:$0x1C200] =	vst v63  }
0x180: {  	_ =	swait.ge [sflag:s7], $0x4000  }
0x181: {  	[sflag:s7] =	ssyncset.done $0x0  }
0x182: {  	[sflag:s7] =	ssyncadd.s32 $0xFFFFC000  }
0x183: {  	[bflag:$0x0] =	sbarrier.arrive $0xFFFF  }
0x184: {  	s25 =	rddreg [dreg:$0x11]  }
0x185: {  	s16 =	rddreg [dreg:$0x14]  }
0x186: {  	s28 =	rddreg [dreg:$0x17]  }
0x187: {  	[hbm:s16], [sflag:s25] =	dma.local [spmem:s28], $0x2800  }
0x188: {  	_ =	swait.ge [sflag:s7], $0x2800  }
0x189: {  	s28 =	rddreg [dreg:$0x16]  }
0x18a: {  	s16 =	rddreg [dreg:$0x15];
	s28 =	sadd.s32 $0x1, s28  }
0x18b: {  	p0 =	sne.s32 s28, s16  }
.Ltmp3:
0x18c: {  	_ = 	snop;
	(pc) =	sbr.rel @p0 .LBB2_1-.Ltmp3, $3  }
0x18d: {  	_ =	sdelay $0x1  }
0x18e: {  	[sflag:s7] =	ssyncset.done $0x0  }
0x18f: {  	[sflag:s7] =	ssyncadd.s32 $0xFFFFD800  }
0x190: {  	_ =	sfence.sel $0x180000  }
0x191: {  	[bflag:$0x0] =	sbarrier.arrive $0xFFFF  }
0x192: {  	_ =	strace $0x9000004A  }
0x193: {  	s0 =	stileid.u32;
	[bflag:$0x2] =	sbarrier.arrive $0xFFFF  }
0x194: {  	p0 =	sne.s32 s0, $0x0;
	s0 =	rddreg [dreg:$0x2]  }
0x195: {  	s0 =	sadd.s32 @!p0 $0x100000, s0  }
0x196: {  	[sflag:s0] =	ssyncadd.tile.s32 @!p0 $0x1;
	_ =	shalt  }
.Lfunc_end2:
_tile_overlayer_lowered:
.L_overlay_start_2:
0x197: {  	(tag) =	ssettag $0x2  }
0x198: {  	s0 =	rddreg [dreg:$0x0];
	s2 =	stileid.u32  }
0x199: {  	s1 =	rddreg [dreg:$0x1];
	p0 =	sne.s32 s2, $0x0  }
0x19a: {  	s3 =	rddreg [dreg:$0x2];
	[bflag:$0x3] =	sbarrier.arrive $0xFFFF;
	s2 =	simm.s32 @!p0 $0x1C04  }
0x19b: {  	[timem:s3], [sflag:s2] =	dma.local @!p0 [hbm:s0], s1  }
0x19c: {  	s0 =	simm.s32 @!p0 $0x4  }
0x19d: {  	_ =	swait.ge @!p0 [sflag:s0], s1  }
0x19e: {  	s1 =	ssub.s32 @!p0 $0x0, s1;
	[sflag:s0] =	ssyncset.done @!p0 $0x0  }
0x19f: {  	[sflag:s0] =	ssyncadd.s32 @!p0 s1  }
0x1a0: {  	[bflag:$0x3] =	sbarrier.arrive $0xFFFF  }
0x1a1: {  	_ =	shalt  }

// kernel: kernel.14.cloned.1.call-start
scs
__scs_entry_jumppad:
0x0: {  	(pc) =	sbr.rel $0x88, $3  }
0x1: {  	(tag) =	ssettag $0x0;
	lr =	simm.s32 $0x1  }
0x2: {  	[smem:$0x3F93] =	sst lr;
	_ =	strace $0xD0000000  }
0x3: {  	_ = 	snop  }
0x4: {  	_ = 	snop  }
0x5: {  	_ = 	snop  }
0x6: {  	_ = 	snop  }
0x7: {  	_ = 	snop  }
__scs_overlays_trampoline_lowered:
0x8: {  	[smem:$0x3FA2] =	sst s0  }
0x9: {  	[smem:$0x3FA3] =	sst s1  }
0xa: {  	[smem:$0x3FA4] =	sst s2  }
0xb: {  	[smem:$0x3FA5] =	sst s3  }
0xc: {  	[smem:$0x3FA6] =	sst s4  }
0xd: {  	[smem:$0x3FA7] =	sst s5  }
0xe: {  	[smem:$0x3FA8] =	sst s6  }
0xf: {  	[smem:$0x3FA9] =	sst s7  }
0x10: {  	[smem:$0x3FAA] =	sst s8  }
0x11: {  	[smem:$0x3FAB] =	sst s9;
	s0 =	simm.s32 @!p0 $0x0  }
0x12: {  	s1 =	sld [smem:$0x3F91];
	s0 =	simm.s32 @p0 $0x1  }
0x13: {  	[smem:$0x3FAC] =	sst s0;
	s0 =	simm.s32 @!p1 $0x0  }
0x14: {  	s2 =	sld [smem:$0x3F90];
	s0 =	simm.s32 @p1 $0x1  }
0x15: {  	[smem:$0x3FAD] =	sst s0;
	s0 =	simm.s32 @!p2 $0x0  }
0x16: {  	s3 =	sld [smem:$0x3FDB];
	s0 =	simm.s32 @p2 $0x1  }
0x17: {  	s4 =	simm.s32 $0x1BF5;
	[smem:$0x3FAF] =	sst s0  }
0x18: {  	s0 =	sld [smem:$0x3F92];
	_ =	swait.ge [sflag:s4], $0x0  }
0x19: {  	s7 =	sld [smem:$0x3F93]  }
0x1a: {  	s8 =	sadd.s32 $0xFFFFE003, lr  }
0x1b: {  	s9 =	sadd.s32 $0xFFFFFEF7, lr;
	s5 =	simm.s32 $0xFFFFFFFF;
	p2 =	slt.u32 s8, $0xFFFFF086  }
0x1c: {  	p1 =	slt.u32 s9, $0xF7A;
	s5 =	simm.s32 @!p2 $0x0  }
0x1d: {  	s5 =	simm.s32 @p1 $0x1;
	p0 =	seq.s32 s7, s2  }
0x1e: {  	s7 =	smul.u32 @!p0 $0xF7A, s2;
	p2 =	seq.s32 @!p0 s5, $0x0  }
0x1f: {  	s9 =	smul.u32 $0xF7A, s1;
	s8 =	simm.s32 @!p0 $0x1BF5;
	p2 =	por !p2, p0  }
0x20: {  	[sflag:s8] =	ssyncset.s32 @!p0 $0xFFFFF086;
	s6 =	sadd.s32 @!p0 s3, s7;
	s7 =	simm.s32 @!p0 $0x108  }
0x21: {  	s3 =	sadd.s32 s3, s9;
	s6 =	sadd.s32 @!p0 $0x88, s6;
	s7 =	simm.s32 @p2 $0x1082  }
0x22: {  	[simem:s7], [sflag:s8] =	dma.local @!p0 [hbm:s6], $0xF7A  }
0x23: {  	s9 =	sor.u32 $0xD0000000, s2;
	s6 =	simm.s32 $0x108;
	_ =	swait.ge @!p0 [sflag:s8], $0x0  }
0x24: {  	s3 =	sadd.s32 $0x88, s3;
	s6 =	simm.s32 @!p1 $0x1082;
	[sflag:s4] =	ssyncset.s32 $0xFFFFF086  }
0x25: {  	[simem:s6], [sflag:s4] =	dma.local [hbm:s3], $0xF7A  }
0x26: {  	[smem:$0x3F93] =	sst s1;
	(tag) =	ssettag s2;
	_ =	strace s9  }
0x27: {  	s1 =	sld [smem:$0x3FA3]  }
0x28: {  	s2 =	sld [smem:$0x3FA4]  }
0x29: {  	s4 =	sld [smem:$0x3FA6]  }
0x2a: {  	p0 =	seq.s32 s5, $0x0;
	s5 =	sld [smem:$0x3FA7]  }
0x2b: {  	s6 =	sld [smem:$0x3FA8]  }
0x2c: {  	s7 =	sld [smem:$0x3FA9]  }
0x2d: {  	s3 =	simm.s32 $0x108;
	s8 =	sld [smem:$0x3FAA]  }
0x2e: {  	s3 =	simm.s32 @!p0 $0x1082;
	s9 =	sld [smem:$0x3FAB]  }
0x2f: {  	lr =	sadd.s32 s0, s3;
	s0 =	sld [smem:$0x3FA2]  }
0x30: {  	s3 =	sld [smem:$0x3FA5]  }
0x31: {  	[smem:$0x3FAE] =	sst s10  }
0x32: {  	s10 =	sld [smem:$0x3FAC];
	_ =	sdelay $0x3  }
0x33: {  	p0 =	seq.s32 s10, $0x1;
	s10 =	sld [smem:$0x3FAE];
	_ =	sdelay $0x3  }
0x34: {  	[smem:$0x3FAE] =	sst s10  }
0x35: {  	s10 =	sld [smem:$0x3FAD];
	_ =	sdelay $0x3  }
0x36: {  	p1 =	seq.s32 s10, $0x1;
	s10 =	sld [smem:$0x3FAE];
	_ =	sdelay $0x3  }
0x37: {  	[smem:$0x3FAE] =	sst s10  }
0x38: {  	s10 =	sld [smem:$0x3FAF]  }
0x39: {  	_ = 	snop;
	(pc) =	sbr.ind lr, $3  }
0x3a: {  	_ = 	snop  }
0x3b: {  	_ = 	snop  }
0x3c: {  	p2 =	seq.s32 s10, $0x1;
	s10 =	sld [smem:$0x3FAE]  }
0x3d: {  	_ =	shalt  }
0x3e: {  	_ =	shalt  }
0x3f: {  	_ =	shalt  }
0x40: {  	_ =	shalt  }
0x41: {  	_ =	shalt  }
0x42: {  	_ =	shalt  }
0x43: {  	_ =	shalt  }
0x44: {  	_ =	shalt  }
0x45: {  	_ =	shalt  }
0x46: {  	_ =	shalt  }
0x47: {  	_ =	shalt  }
0x48: {  	_ =	shalt  }
0x49: {  	_ =	shalt  }
0x4a: {  	_ =	shalt  }
0x4b: {  	_ =	shalt  }
0x4c: {  	_ =	shalt  }
0x4d: {  	_ =	shalt  }
0x4e: {  	_ =	shalt  }
0x4f: {  	_ =	shalt  }
0x50: {  	_ =	shalt  }
0x51: {  	_ =	shalt  }
0x52: {  	_ =	shalt  }
0x53: {  	_ =	shalt  }
0x54: {  	_ =	shalt  }
0x55: {  	_ =	shalt  }
0x56: {  	_ =	shalt  }
0x57: {  	_ =	shalt  }
0x58: {  	_ =	shalt  }
0x59: {  	_ =	shalt  }
0x5a: {  	_ =	shalt  }
0x5b: {  	_ =	shalt  }
0x5c: {  	_ =	shalt  }
0x5d: {  	_ =	shalt  }
0x5e: {  	_ =	shalt  }
0x5f: {  	_ =	shalt  }
0x60: {  	_ =	shalt  }
0x61: {  	_ =	shalt  }
0x62: {  	_ =	shalt  }
0x63: {  	_ =	shalt  }
0x64: {  	_ =	shalt  }
0x65: {  	_ =	shalt  }
0x66: {  	_ =	shalt  }
0x67: {  	_ =	shalt  }
0x68: {  	_ =	shalt  }
0x69: {  	_ =	shalt  }
0x6a: {  	_ =	shalt  }
0x6b: {  	_ =	shalt  }
0x6c: {  	_ =	shalt  }
0x6d: {  	_ =	shalt  }
0x6e: {  	_ =	shalt  }
0x6f: {  	_ =	shalt  }
0x70: {  	_ =	shalt  }
0x71: {  	_ =	shalt  }
0x72: {  	_ =	shalt  }
0x73: {  	_ =	shalt  }
0x74: {  	_ =	shalt  }
0x75: {  	_ =	shalt  }
0x76: {  	_ =	shalt  }
0x77: {  	_ =	shalt  }
0x78: {  	_ =	shalt  }
0x79: {  	_ =	shalt  }
0x7a: {  	_ =	shalt  }
0x7b: {  	_ =	shalt  }
0x7c: {  	_ =	shalt  }
0x7d: {  	_ =	shalt  }
0x7e: {  	_ =	shalt  }
0x7f: {  	_ =	shalt  }
0x80: {  	_ =	shalt  }
0x81: {  	_ =	shalt  }
0x82: {  	_ =	shalt  }
0x83: {  	_ =	shalt  }
0x84: {  	_ =	shalt  }
0x85: {  	_ =	shalt  }
0x86: {  	_ =	shalt  }
0x87: {  	_ =	shalt  }
.Lfunc_end0:
.L_simem_size_0:
called_computation.2_lowered:
.L_overlay_start_0:
0x88: {  	s2 =	sld [smem:$0x3FD9]  }
0x89: {  	s3 =	sld [smem:$0x3FFE];
	_ =	sdelay $0x1  }
0x8a: {  	s1 =	srdreg.scid  }
0x8b: {  	s0 =	sand.u32 $0x1, s1  }
0x8c: {  	s16 =	sshll.u32 s0, $0xA;
	s2 =	sadd.s32 s3, s2  }
0x8d: {  	s2 =	sadd.s32 s2, s16  }
0x8e: {  	[smem:$0x3FBA] =	sst s2  }
0x8f: {  	_ = 	snop  }
0x90: {  	(tm) =	ssettm $0x1  }
0x91: {  	s17 =	sld [smem:$0x3FFB];
	_ =	sdelay $0x3  }
0x92: {  	_ =	strace s17  }
0x93: {  	s2 =	sld [smem:$0x3FFC];
	_ =	sdelay $0x3  }
0x94: {  	_ =	strace s2  }
0x95: {  	s2 =	sld [smem:$0x3FFD];
	_ =	sdelay $0x3  }
0x96: {  	_ =	strace s2  }
0x97: {  	_ =	strace $0x8FFFFFFF  }
0x98: {  	s18 =	sld [smem:$0x3FDB];
	_ =	sdelay $0x1  }
0x99: {  	s19 =	simm.s32 $_scs_section_size  }
0x9a: {  	s4 =	simm.s32 $_size__tile_overlayer_lowered;
	s5 =	simm.s32 $_tile_overlayer_lowered  }
0x9b: {  	s22 =	simm.s32 $0x1BFF;
	s21 =	sshll.u32 s5, $0x1;
	s2 =	sadd.s32 s19, s18  }
0x9c: {  	s6 =	simm.s32 $0x0;
	s20 =	sshll.u32 s4, $0x1;
	s4 =	sadd.s32 s21, s2  }
0x9d: {  	[timem:s6], [sflag:s22] =	dma.local [hbm:s4], s20  }
0x9e: {  	_ =	swait.ge [sflag:s22], s20  }
0x9f: {  	s3 =	ssub.s32 $0x0, s20;
	[sflag:s22] =	ssyncset.done $0x0  }
0xa0: {  	[sflag:s22] =	ssyncadd.s32 s3;
	_ =	sdelay $0x1  }
0xa1: {  	s23 =	simm.s32 $0x1B8B  }
0xa2: {  	_ =	swait.ge [sflag:s23], $0x1  }
0xa3: {  	[sflag:s23] =	ssyncset.done $0x0  }
0xa4: {  	s25 =	simm.s32 $0x1B8E;
	s24 =	sld [smem:$0x3FFE];
	[sflag:s23] =	ssyncadd.s32 $0xFFFFFFFF  }
0xa5: {  	s26 =	simm.s32 $execute0_lowered;
	[smem:$0x3FD2] =	sst s25  }
0xa6: {  	s4 =	sshll.u32 s26, $0x1;
	_ =	strace $0x8000004C;
	[dreg:$0x1] =	wrdreg $0xFFFFFFFF  }
0xa7: {  	s28 =	simm.s32 $_size_execute0_lowered;
	s2 =	sadd.s32 s2, s4;
	[dreg:$0x0] =	wrdreg $0x0  }
0xa8: {  	s4 =	sshll.u32 s28, $0x1;
	[dreg:$0x2] =	wrdreg s2  }
0xa9: {  	[dreg:$0x3] =	wrdreg s4  }
0xaa: {  	[dreg:$0x4] =	wrdreg $0xC0  }
0xab: {  	_ =	task [dreg:s6], $0x5FFFF  }
0xac: {  	[dreg:$0x1] =	wrdreg $0xFFFFFFFF  }
0xad: {  	[dreg:$0x0] =	wrdreg $0x60  }
0xae: {  	[dreg:$0x2] =	wrdreg s24  }
0xaf: {  	[dreg:$0x3] =	wrdreg $0x0  }
0xb0: {  	[dreg:$0x4] =	wrdreg $0x9  }
0xb1: {  	_ =	task.clear_ibuf [dreg:s6], $0x5FFFF;
	_ =	strace $0x9000004C  }
0xb2: {  	s29 =	simm.s32 $0x9;
	_ =	strace $0x8000004E  }
0xb3: {  	_ =	swait.ge [sflag:s29], $0x1  }
0xb4: {  	[sflag:s29] =	ssyncadd.s32 $0xFFFFFFFF  }
0xb5: {  	_ =	strace $0x9000004E  }
0xb6: {  	_ =	sfence  }
0xb7: {  	s30 =	sld [smem:$0x0];
	_ =	sdelay $0x2  }
0xb8: {  	s31 =	sshll.u32 s1, $0xD;
	s1 =	sshrl.u32 s1, $0x2  }
0xb9: {  	s3 =	sand.u32 $0x4000, s31;
	s1 =	sadd.s32 s1, s30  }
0xba: {  	s0 =	sor.u32 s3, s0;
	s1 =	sshll.u32 s1, $0x11  }
0xbb: {  	s0 =	sor.u32 s1, s0  }
0xbc: {  	s0 =	sadd.s32 $0x8F2B, s0  }
0xbd: {  	[sflag:s0] =	ssyncadd.remote.s32 $0x1  }
0xbe: {  	_ =	sfence.sel $0xFFFF  }
0xbf: {  	[dreg:$0x0] =	wrdreg $0xFFFFFFFF;
	(pc) =	sbr.abs _section_cstart, $3  }
0xc0: {  	[dreg:$0x1] =	wrdreg $0xFFFFFFFF  }
0xc1: {  	_ =	task.clear_ibuf [dreg:s6], $0x2FFFF;
	_ =	strace $0x9FFFFFFF  }
0xc2: {  	(tm) =	ssettm $0x7FFFFFFF  }
0xc3: {  	_ =	shalt  }
tec
execute0_lowered:
.L_overlay_start_1:
0x0: {  	(tag) =	ssettag $0x1  }
0x1: {  	s0 =	rddreg [dreg:$0x0]  }
0x2: {  	s1 =	rddreg [dreg:$0x1]  }
0x3: {  	s2 =	simm.s32 $0x0;
	s5 =	srdreg.scid;
	s20 =	stileid.u32  }
0x4: {  	s29 =	simm.s32 $0x4;
	s30 =	simm.s32 $0x1C000;
	s31 =	simm.s32 $0x1C100  }
0x5: {  	[smem:$0x7FF] =	sst s2;
	s4 =	sadd.s32 $0x130400, s0;
	s7 =	smul.u32 $0x280, s20  }
0x6: {  	s3 =	sadd.s32 $0x29C00, s0;
	s6 =	sadd.s32 $0x33C00, s0;
	s12 =	smul.u32 $0x50000, s20  }
0x7: {  	s5 =	sand.u32 $0x1, s5;
	s8 =	sadd.s32 $0x1FC00, s0;
	s14 =	smul.u32 $0xA0, s20  }
0x8: {  	s10 =	sshll.u32 s20, $0x1;
	s11 =	sadd.s32 $0x15C00, s0;
	s9 =	smul.u32 $0x5000, s5  }
0x9: {  	s10 =	sor.u32 s5, s10;
	s23 =	ssub.s32 $0x2, s5;
	s5 =	smul.u32 $0x50, s5  }
0xa: {  	_ =	strace $0x8000004D;
	s10 =	smul.u32 $0x500, s10;
	s13 =	sshrl.u32 s23, $0x1  }
0xb: {  	s7 =	sadd.s32 s7, s9;
	s9 =	ssub.s32 s23, s13;
	s5 =	sadd.s32 s5, s14  }
0xc: {  	s23 =	sshrl.u32 s12, $0x2;
	s7 =	sshll.u32 s7, $0x4;
	s15 =	sadd.s32 s3, s10  }
0xd: {  	s24 =	sor.u32 $0x10, s10;
	s25 =	sadd.s32 s8, s10;
	[dreg:$0x3] =	wrdreg s15  }
0xe: {  	s17 =	sadd.s32 s6, s10;
	s10 =	sadd.s32 s11, s10;
	[dreg:$0x4] =	wrdreg s25  }
0xf: {  	s5 =	sshll.u32 s5, $0x4;
	s26 =	sadd.s32 s3, s24;
	[dreg:$0x7] =	wrdreg s17  }
0x10: {  	s16 =	sadd.s32 s8, s24;
	[dreg:$0x8] =	wrdreg s10;
	s18 =	sadd.s32 s6, s24  }
0x11: {  	s19 =	sadd.s32 s11, s24;
	s10 =	sadd.s32 s5, s3;
	[dreg:$0x5] =	wrdreg s26  }
0x12: {  	s21 =	sadd.s32 s5, s6;
	s17 =	sadd.s32 $0x157600, s0;
	[dreg:$0x6] =	wrdreg s16  }
0x13: {  	s22 =	sadd.s32 s7, s0;
	s24 =	sshll.u32 s20, $0x6;
	[dreg:$0x9] =	wrdreg s18  }
0x14: {  	s7 =	simm.s32 $0x14000;
	[dreg:$0xa] =	wrdreg s19;
	s16 =	sor.u32 $0x20, s5  }
0x15: {  	s19 =	sadd.s32 s5, s8;
	s5 =	sadd.s32 s5, s11;
	s18 =	sadd.s32 $0x3DC00, s0  }
0x16: {  	s0 =	sadd.s32 s23, s1;
	s20 =	sor.u32 $0x1C04, s24;
	s25 =	sadd.s32 $0x17E800, s22  }
0x17: {  	s26 =	sadd.s32 $0x1A6800, s22;
	s23 =	smax.u32 s9, $0x1;
	s24 =	sadd.s32 $0x30, s10  }
0x18: {  	s9 =	simm.s32 $0x18000;
	s10 =	simm.s32 $0x1;
	[dreg:$0xb] =	wrdreg s0  }
0x19: {  	s13 =	sadd.s32 s16, s3;
	s14 =	sadd.s32 s16, s8;
	[dreg:$0xc] =	wrdreg s25  }
0x1a: {  	s15 =	sadd.s32 s16, s6;
	s16 =	sadd.s32 s16, s11;
	[dreg:$0xd] =	wrdreg s26  }
0x1b: {  	s25 =	sadd.s32 $0x30, s19;
	s26 =	sadd.s32 $0x30, s21;
	s28 =	sadd.s32 $0x30, s5  }
0x1c: {  	s0 =	simm.s32 $0x1C080;
	s3 =	simm.s32 $0x1C180;
	s5 =	simm.s32 $0x2  }
0x1d: {  	s6 =	simm.s32 $0x80;
	s8 =	simm.s32 $0x3;
	s11 =	simm.s32 $0x0  }
.LBB2_1:
0x1e: {  	s12 =	rddreg [dreg:$0xb]  }
0x1f: {  	s12 =	sshrl.u32 s12, $0x3  }
0x20: {  	[spmem:s12], [sflag:s20] =	dma.local [hbm:s18], $0x2800  }
0x21: {  	_ =	swait.ge [sflag:s29], $0x2800  }
0x22: {  	[sflag:s29] =	ssyncset.done $0x0  }
0x23: {  	[sflag:s29] =	ssyncadd.s32 $0xFFFFD800  }
0x24: {  	[bflag:$0x0] =	sbarrier.arrive $0xFFFF  }
0x25: {  	s19 =	rddreg [dreg:$0x3]  }
0x26: {  	[tilespmem:s30], [sflag:$0x2] =	stream.linear.gather [hbm4b:s19+s2], $0x80, $0x38;
	[tilespmem:$0x1C200] =	vst v63  }
0x27: {  	s21 =	rddreg [dreg:$0x4]  }
0x28: {  	[tilespmem:s31], [sflag:$0x2] =	stream.linear.gather [hbm4b:s21+s2], $0x80, $0x38;
	[tilespmem:$0x1C200] =	vst v63  }
0x29: {  	s22 =	rddreg [dreg:$0x5]  }
0x2a: {  	[tilespmem:s0], [sflag:$0x3] =	stream.linear.gather [hbm4b:s22+s2], $0x80, $0x38;
	[tilespmem:$0x1C200] =	vst v63  }
0x2b: {  	s21 =	rddreg [dreg:$0x6]  }
0x2c: {  	[tilespmem:s3], [sflag:$0x3] =	stream.linear.gather [hbm4b:s21+s2], $0x80, $0x38;
	[tilespmem:$0x1C200] =	vst v63  }
0x2d: {  	_ =	swait.ge [sflag:s5], $0x80  }
0x2e: {  	[sflag:s5] =	ssyncset.done $0x0  }
0x2f: {  	[sflag:s5] =	ssyncadd.s32 $0xFFFFFF80  }
0x30: {  	_ =	swait.ge [sflag:s5], $0x80  }
0x31: {  	[sflag:s5] =	ssyncset.done $0x0  }
0x32: {  	[sflag:s5] =	ssyncadd.s32 $0xFFFFFF80  }
0x33: {  	[tilespmem:s7], [sflag:$0x1] =	stream.indirect.gather [hbm4b:s4+s6], $0x80, s30, s6, $0xb8;
	[tilespmem:$0x1C200] =	vst v63  }
0x34: {  	_ =	swait.ge [sflag:s8], $0x80  }
0x35: {  	[sflag:s8] =	ssyncset.done $0x0  }
0x36: {  	[sflag:s8] =	ssyncadd.s32 $0xFFFFFF80  }
0x37: {  	_ =	swait.ge [sflag:s8], $0x80  }
0x38: {  	[sflag:s8] =	ssyncset.done $0x0  }
0x39: {  	[sflag:s8] =	ssyncadd.s32 $0xFFFFFF80  }
0x3a: {  	[tilespmem:s9], [sflag:$0x1] =	stream.indirect.gather [hbm4b:s4+s6], $0x80, s0, s6, $0xb8;
	[tilespmem:$0x1C200] =	vst v63  }
0x3b: {  	_ =	swait.ge [sflag:s10], $0x4000  }
0x3c: {  	[sflag:s10] =	ssyncset.done $0x0  }
0x3d: {  	[sflag:s10] =	ssyncadd.s32 $0xFFFFC000  }
0x3e: {  	[spmem:s1] =	stream.indirect.scatter.add.f32 [tilespmem:s7], [sflag:$0x4], $0x80, s31, s6, $0xb8;
	[tilespmem:$0x1C200] =	vst v63  }
0x3f: {  	_ =	swait.ge [sflag:s29], $0x4000  }
0x40: {  	[sflag:s29] =	ssyncset.done $0x0  }
0x41: {  	s22 =	sadd.s32 $0x0, s13;
	[sflag:s29] =	ssyncadd.s32 $0xFFFFC000  }
0x42: {  	[tilespmem:s30], [sflag:$0x2] =	stream.linear.gather [hbm4b:s22+s2], $0x80, $0x38;
	[tilespmem:$0x1C200] =	vst v63  }
0x43: {  	s21 =	sadd.s32 $0x0, s14  }
0x44: {  	[tilespmem:s31], [sflag:$0x2] =	stream.linear.gather [hbm4b:s21+s2], $0x80, $0x38;
	[tilespmem:$0x1C200] =	vst v63  }
0x45: {  	_ =	swait.ge [sflag:s5], $0x80  }
0x46: {  	[sflag:s5] =	ssyncset.done $0x0  }
0x47: {  	[sflag:s5] =	ssyncadd.s32 $0xFFFFFF80  }
0x48: {  	_ =	swait.ge [sflag:s5], $0x80  }
0x49: {  	[sflag:s5] =	ssyncset.done $0x0  }
0x4a: {  	[sflag:s5] =	ssyncadd.s32 $0xFFFFFF80  }
0x4b: {  	[tilespmem:s7], [sflag:$0x1] =	stream.indirect.gather [hbm4b:s4+s6], $0x80, s30, s6, $0xb8;
	[tilespmem:$0x1C200] =	vst v63  }
0x4c: {  	_ =	swait.ge [sflag:s10], $0x4000  }
0x4d: {  	[sflag:s10] =	ssyncset.done $0x0  }
0x4e: {  	[sflag:s10] =	ssyncadd.s32 $0xFFFFC000  }
0x4f: {  	[spmem:s1] =	stream.indirect.scatter.add.f32 [tilespmem:s9], [sflag:$0x4], $0x80, s3, s6, $0xb8;
	[tilespmem:$0x1C200] =	vst v63  }
0x50: {  	_ =	swait.ge [sflag:s29], $0x4000  }
0x51: {  	s19 =	simm.s32 $0x20;
	[sflag:s29] =	ssyncset.done $0x0  }
0x52: {  	s22 =	sadd.s32 $0x0, s24;
	s21 =	sadd.s32 $0x0, s25;
	[sflag:s29] =	ssyncadd.s32 $0xFFFFC000  }
0x53: {  	[tilespmem:s0], [sflag:$0x3] =	stream.linear.gather [hbm4b:s22+s2], $0x80, $0x38;
	[tilespmem:$0x1C200] =	vst v63  }
.LBB2_2:
0x54: {  	[tilespmem:s3], [sflag:$0x3] =	stream.linear.gather [hbm4b:s21+s2], $0x80, $0x38;
	[tilespmem:$0x1C200] =	vst v63  }
0x55: {  	s21 =	smov.u32 s19  }
0x56: {  	p0 =	sne.s32 s19, $0x4C0;
	s19 =	sadd.s32 $0x20, s19;
	_ =	swait.ge [sflag:s8], $0x80  }
0x57: {  	[sflag:s8] =	ssyncset.done $0x0  }
0x58: {  	[sflag:s8] =	ssyncadd.s32 $0xFFFFFF80  }
0x59: {  	_ =	swait.ge [sflag:s8], $0x80  }
0x5a: {  	[sflag:s8] =	ssyncset.done $0x0  }
0x5b: {  	[sflag:s8] =	ssyncadd.s32 $0xFFFFFF80  }
0x5c: {  	[tilespmem:s9], [sflag:$0x1] =	stream.indirect.gather [hbm4b:s4+s6], $0x80, s0, s6, $0xb8;
	[tilespmem:$0x1C200] =	vst v63  }
0x5d: {  	_ =	swait.ge [sflag:s10], $0x4000  }
0x5e: {  	[sflag:s10] =	ssyncset.done $0x0  }
0x5f: {  	[sflag:s10] =	ssyncadd.s32 $0xFFFFC000  }
0x60: {  	[spmem:s1] =	stream.indirect.scatter.add.f32 [tilespmem:s7], [sflag:$0x4], $0x80, s31, s6, $0xb8;
	[tilespmem:$0x1C200] =	vst v63  }
0x61: {  	_ =	swait.ge [sflag:s29], $0x4000  }
0x62: {  	[sflag:s29] =	ssyncset.done $0x0  }
0x63: {  	s22 =	sadd.s32 s21, s13;
	[sflag:s29] =	ssyncadd.s32 $0xFFFFC000  }
0x64: {  	[tilespmem:s30], [sflag:$0x2] =	stream.linear.gather [hbm4b:s22+s2], $0x80, $0x38;
	[tilespmem:$0x1C200] =	vst v63  }
0x65: {  	s22 =	sadd.s32 s21, s14  }
0x66: {  	[tilespmem:s31], [sflag:$0x2] =	stream.linear.gather [hbm4b:s22+s2], $0x80, $0x38;
	[tilespmem:$0x1C200] =	vst v63  }
0x67: {  	_ =	swait.ge [sflag:s5], $0x80  }
0x68: {  	[sflag:s5] =	ssyncset.done $0x0  }
0x69: {  	[sflag:s5] =	ssyncadd.s32 $0xFFFFFF80  }
0x6a: {  	_ =	swait.ge [sflag:s5], $0x80  }
0x6b: {  	[sflag:s5] =	ssyncset.done $0x0  }
0x6c: {  	[sflag:s5] =	ssyncadd.s32 $0xFFFFFF80  }
0x6d: {  	[tilespmem:s7], [sflag:$0x1] =	stream.indirect.gather [hbm4b:s4+s6], $0x80, s30, s6, $0xb8;
	[tilespmem:$0x1C200] =	vst v63  }
0x6e: {  	_ =	swait.ge [sflag:s10], $0x4000  }
0x6f: {  	[sflag:s10] =	ssyncset.done $0x0  }
0x70: {  	[sflag:s10] =	ssyncadd.s32 $0xFFFFC000  }
0x71: {  	[spmem:s1] =	stream.indirect.scatter.add.f32 [tilespmem:s9], [sflag:$0x4], $0x80, s3, s6, $0xb8;
	[tilespmem:$0x1C200] =	vst v63  }
.Ltmp0:
0x72: {  	_ =	swait.ge [sflag:s29], $0x4000;
	(pc) =	sbr.rel @p0 .LBB2_2-.Ltmp0, $4  }
0x73: {  	[sflag:s29] =	ssyncset.done $0x0  }
0x74: {  	s22 =	sadd.s32 s21, s24;
	[sflag:s29] =	ssyncadd.s32 $0xFFFFC000  }
0x75: {  	[tilespmem:s0], [sflag:$0x3] =	stream.linear.gather [hbm4b:s22+s2], $0x80, $0x38;
	[tilespmem:$0x1C200] =	vst v63  }
0x76: {  	s21 =	sadd.s32 s21, s25  }
0x77: {  	[tilespmem:s3], [sflag:$0x3] =	stream.linear.gather [hbm4b:s21+s2], $0x80, $0x38;
	[tilespmem:$0x1C200] =	vst v63  }
0x78: {  	_ =	swait.ge [sflag:s8], $0x80  }
0x79: {  	[sflag:s8] =	ssyncset.done $0x0  }
0x7a: {  	[sflag:s8] =	ssyncadd.s32 $0xFFFFFF80  }
0x7b: {  	_ =	swait.ge [sflag:s8], $0x80  }
0x7c: {  	[sflag:s8] =	ssyncset.done $0x0  }
0x7d: {  	[sflag:s8] =	ssyncadd.s32 $0xFFFFFF80  }
0x7e: {  	[tilespmem:s9], [sflag:$0x1] =	stream.indirect.gather [hbm4b:s4+s6], $0x80, s0, s6, $0xb8;
	[tilespmem:$0x1C200] =	vst v63  }
0x7f: {  	_ =	swait.ge [sflag:s10], $0x4000  }
0x80: {  	[sflag:s10] =	ssyncset.done $0x0  }
0x81: {  	[sflag:s10] =	ssyncadd.s32 $0xFFFFC000  }
0x82: {  	[spmem:s1] =	stream.indirect.scatter.add.f32 [tilespmem:s7], [sflag:$0x4], $0x80, s31, s6, $0xb8;
	[tilespmem:$0x1C200] =	vst v63  }
0x83: {  	_ =	swait.ge [sflag:s29], $0x4000  }
0x84: {  	[sflag:s29] =	ssyncset.done $0x0  }
0x85: {  	[sflag:s29] =	ssyncadd.s32 $0xFFFFC000  }
0x86: {  	_ =	swait.ge [sflag:s10], $0x4000  }
0x87: {  	[sflag:s10] =	ssyncset.done $0x0  }
0x88: {  	[sflag:s10] =	ssyncadd.s32 $0xFFFFC000  }
0x89: {  	[spmem:s1] =	stream.indirect.scatter.add.f32 [tilespmem:s9], [sflag:$0x4], $0x80, s3, s6, $0xb8;
	[tilespmem:$0x1C200] =	vst v63  }
0x8a: {  	_ =	swait.ge [sflag:s29], $0x4000  }
0x8b: {  	[sflag:s29] =	ssyncset.done $0x0  }
0x8c: {  	[sflag:s29] =	ssyncadd.s32 $0xFFFFC000  }
0x8d: {  	[bflag:$0x0] =	sbarrier.arrive $0xFFFF  }
0x8e: {  	s19 =	rddreg [dreg:$0xc]  }
0x8f: {  	[hbm:s19], [sflag:s20] =	dma.local [spmem:s12], $0x2800  }
0x90: {  	_ =	swait.ge [sflag:s29], $0x2800  }
0x91: {  	[sflag:s29] =	ssyncset.done $0x0  }
0x92: {  	[sflag:s29] =	ssyncadd.s32 $0xFFFFD800  }
0x93: {  	[bflag:$0x0] =	sbarrier.arrive $0xFFFF  }
0x94: {  	[spmem:s12], [sflag:s20] =	dma.local [hbm:s18], $0x2800  }
0x95: {  	_ =	swait.ge [sflag:s29], $0x2800  }
0x96: {  	[sflag:s29] =	ssyncset.done $0x0  }
0x97: {  	[sflag:s29] =	ssyncadd.s32 $0xFFFFD800  }
0x98: {  	[bflag:$0x0] =	sbarrier.arrive $0xFFFF  }
0x99: {  	s19 =	simm.s32 $0x0;
	s22 =	rddreg [dreg:$0x7]  }
0x9a: {  	[tilespmem:s30], [sflag:$0x2] =	stream.linear.gather [hbm4b:s22+s19], $0x80, $0x38;
	[tilespmem:$0x1C200] =	vst v63  }
0x9b: {  	s22 =	rddreg [dreg:$0x8]  }
0x9c: {  	[tilespmem:s31], [sflag:$0x2] =	stream.linear.gather [hbm4b:s22+s19], $0x80, $0x38;
	[tilespmem:$0x1C200] =	vst v63  }
0x9d: {  	s22 =	rddreg [dreg:$0x9]  }
0x9e: {  	[tilespmem:s0], [sflag:$0x3] =	stream.linear.gather [hbm4b:s22+s19], $0x80, $0x38;
	[tilespmem:$0x1C200] =	vst v63  }
0x9f: {  	s22 =	rddreg [dreg:$0xa]  }
0xa0: {  	[tilespmem:s3], [sflag:$0x3] =	stream.linear.gather [hbm4b:s22+s19], $0x80, $0x38;
	[tilespmem:$0x1C200] =	vst v63  }
0xa1: {  	_ =	swait.ge [sflag:s5], $0x80  }
0xa2: {  	[sflag:s5] =	ssyncset.done $0x0  }
0xa3: {  	[sflag:s5] =	ssyncadd.s32 $0xFFFFFF80  }
0xa4: {  	_ =	swait.ge [sflag:s5], $0x80  }
0xa5: {  	[sflag:s5] =	ssyncset.done $0x0  }
0xa6: {  	[sflag:s5] =	ssyncadd.s32 $0xFFFFFF80  }
0xa7: {  	[tilespmem:s7], [sflag:$0x1] =	stream.indirect.gather [hbm4b:s17+s6], $0x80, s30, s6, $0xb8;
	[tilespmem:$0x1C200] =	vst v63  }
0xa8: {  	_ =	swait.ge [sflag:s8], $0x80  }
0xa9: {  	[sflag:s8] =	ssyncset.done $0x0  }
0xaa: {  	[sflag:s8] =	ssyncadd.s32 $0xFFFFFF80  }
0xab: {  	_ =	swait.ge [sflag:s8], $0x80  }
0xac: {  	[sflag:s8] =	ssyncset.done $0x0  }
0xad: {  	[sflag:s8] =	ssyncadd.s32 $0xFFFFFF80  }
0xae: {  	[tilespmem:s9], [sflag:$0x1] =	stream.indirect.gather [hbm4b:s17+s6], $0x80, s0, s6, $0xb8;
	[tilespmem:$0x1C200] =	vst v63  }
0xaf: {  	_ =	swait.ge [sflag:s10], $0x4000  }
0xb0: {  	[sflag:s10] =	ssyncset.done $0x0  }
0xb1: {  	[sflag:s10] =	ssyncadd.s32 $0xFFFFC000  }
0xb2: {  	[spmem:s1] =	stream.indirect.scatter.add.f32 [tilespmem:s7], [sflag:$0x4], $0x80, s31, s6, $0xb8;
	[tilespmem:$0x1C200] =	vst v63  }
0xb3: {  	_ =	swait.ge [sflag:s29], $0x4000  }
0xb4: {  	[sflag:s29] =	ssyncset.done $0x0  }
0xb5: {  	s22 =	sadd.s32 $0x0, s15;
	[sflag:s29] =	ssyncadd.s32 $0xFFFFC000  }
0xb6: {  	[tilespmem:s30], [sflag:$0x2] =	stream.linear.gather [hbm4b:s22+s2], $0x80, $0x38;
	[tilespmem:$0x1C200] =	vst v63  }
0xb7: {  	s21 =	sadd.s32 $0x0, s16  }
0xb8: {  	[tilespmem:s31], [sflag:$0x2] =	stream.linear.gather [hbm4b:s21+s2], $0x80, $0x38;
	[tilespmem:$0x1C200] =	vst v63  }
0xb9: {  	_ =	swait.ge [sflag:s5], $0x80  }
0xba: {  	[sflag:s5] =	ssyncset.done $0x0  }
0xbb: {  	[sflag:s5] =	ssyncadd.s32 $0xFFFFFF80  }
0xbc: {  	_ =	swait.ge [sflag:s5], $0x80  }
0xbd: {  	[sflag:s5] =	ssyncset.done $0x0  }
0xbe: {  	[sflag:s5] =	ssyncadd.s32 $0xFFFFFF80  }
0xbf: {  	[tilespmem:s7], [sflag:$0x1] =	stream.indirect.gather [hbm4b:s17+s6], $0x80, s30, s6, $0xb8;
	[tilespmem:$0x1C200] =	vst v63  }
0xc0: {  	_ =	swait.ge [sflag:s10], $0x4000  }
0xc1: {  	[sflag:s10] =	ssyncset.done $0x0  }
0xc2: {  	[sflag:s10] =	ssyncadd.s32 $0xFFFFC000  }
0xc3: {  	[spmem:s1] =	stream.indirect.scatter.add.f32 [tilespmem:s9], [sflag:$0x4], $0x80, s3, s6, $0xb8;
	[tilespmem:$0x1C200] =	vst v63  }
0xc4: {  	_ =	swait.ge [sflag:s29], $0x4000  }
0xc5: {  	s19 =	simm.s32 $0x20;
	[sflag:s29] =	ssyncset.done $0x0  }
0xc6: {  	s22 =	sadd.s32 $0x0, s26;
	s21 =	sadd.s32 $0x0, s28;
	[sflag:s29] =	ssyncadd.s32 $0xFFFFC000  }
0xc7: {  	[tilespmem:s0], [sflag:$0x3] =	stream.linear.gather [hbm4b:s22+s2], $0x80, $0x38;
	[tilespmem:$0x1C200] =	vst v63  }
.LBB2_4:
0xc8: {  	[tilespmem:s3], [sflag:$0x3] =	stream.linear.gather [hbm4b:s21+s2], $0x80, $0x38;
	[tilespmem:$0x1C200] =	vst v63  }
0xc9: {  	s21 =	smov.u32 s19  }
0xca: {  	p0 =	sne.s32 s19, $0x4C0;
	s19 =	sadd.s32 $0x20, s19;
	_ =	swait.ge [sflag:s8], $0x80  }
0xcb: {  	[sflag:s8] =	ssyncset.done $0x0  }
0xcc: {  	[sflag:s8] =	ssyncadd.s32 $0xFFFFFF80  }
0xcd: {  	_ =	swait.ge [sflag:s8], $0x80  }
0xce: {  	[sflag:s8] =	ssyncset.done $0x0  }
0xcf: {  	[sflag:s8] =	ssyncadd.s32 $0xFFFFFF80  }
0xd0: {  	[tilespmem:s9], [sflag:$0x1] =	stream.indirect.gather [hbm4b:s17+s6], $0x80, s0, s6, $0xb8;
	[tilespmem:$0x1C200] =	vst v63  }
0xd1: {  	_ =	swait.ge [sflag:s10], $0x4000  }
0xd2: {  	[sflag:s10] =	ssyncset.done $0x0  }
0xd3: {  	[sflag:s10] =	ssyncadd.s32 $0xFFFFC000  }
0xd4: {  	[spmem:s1] =	stream.indirect.scatter.add.f32 [tilespmem:s7], [sflag:$0x4], $0x80, s31, s6, $0xb8;
	[tilespmem:$0x1C200] =	vst v63  }
0xd5: {  	_ =	swait.ge [sflag:s29], $0x4000  }
0xd6: {  	[sflag:s29] =	ssyncset.done $0x0  }
0xd7: {  	s22 =	sadd.s32 s21, s15;
	[sflag:s29] =	ssyncadd.s32 $0xFFFFC000  }
0xd8: {  	[tilespmem:s30], [sflag:$0x2] =	stream.linear.gather [hbm4b:s22+s2], $0x80, $0x38;
	[tilespmem:$0x1C200] =	vst v63  }
0xd9: {  	s22 =	sadd.s32 s21, s16  }
0xda: {  	[tilespmem:s31], [sflag:$0x2] =	stream.linear.gather [hbm4b:s22+s2], $0x80, $0x38;
	[tilespmem:$0x1C200] =	vst v63  }
0xdb: {  	_ =	swait.ge [sflag:s5], $0x80  }
0xdc: {  	[sflag:s5] =	ssyncset.done $0x0  }
0xdd: {  	[sflag:s5] =	ssyncadd.s32 $0xFFFFFF80  }
0xde: {  	_ =	swait.ge [sflag:s5], $0x80  }
0xdf: {  	[sflag:s5] =	ssyncset.done $0x0  }
0xe0: {  	[sflag:s5] =	ssyncadd.s32 $0xFFFFFF80  }
0xe1: {  	[tilespmem:s7], [sflag:$0x1] =	stream.indirect.gather [hbm4b:s17+s6], $0x80, s30, s6, $0xb8;
	[tilespmem:$0x1C200] =	vst v63  }
0xe2: {  	_ =	swait.ge [sflag:s10], $0x4000  }
0xe3: {  	[sflag:s10] =	ssyncset.done $0x0  }
0xe4: {  	[sflag:s10] =	ssyncadd.s32 $0xFFFFC000  }
0xe5: {  	[spmem:s1] =	stream.indirect.scatter.add.f32 [tilespmem:s9], [sflag:$0x4], $0x80, s3, s6, $0xb8;
	[tilespmem:$0x1C200] =	vst v63  }
.Ltmp1:
0xe6: {  	_ =	swait.ge [sflag:s29], $0x4000;
	(pc) =	sbr.rel @p0 .LBB2_4-.Ltmp1, $4  }
0xe7: {  	[sflag:s29] =	ssyncset.done $0x0  }
0xe8: {  	s22 =	sadd.s32 s21, s26;
	[sflag:s29] =	ssyncadd.s32 $0xFFFFC000  }
0xe9: {  	[tilespmem:s0], [sflag:$0x3] =	stream.linear.gather [hbm4b:s22+s2], $0x80, $0x38;
	[tilespmem:$0x1C200] =	vst v63  }
0xea: {  	s21 =	sadd.s32 s21, s28  }
0xeb: {  	[tilespmem:s3], [sflag:$0x3] =	stream.linear.gather [hbm4b:s21+s2], $0x80, $0x38;
	[tilespmem:$0x1C200] =	vst v63  }
0xec: {  	_ =	swait.ge [sflag:s8], $0x80  }
0xed: {  	[sflag:s8] =	ssyncset.done $0x0  }
0xee: {  	[sflag:s8] =	ssyncadd.s32 $0xFFFFFF80  }
0xef: {  	_ =	swait.ge [sflag:s8], $0x80  }
0xf0: {  	[sflag:s8] =	ssyncset.done $0x0  }
0xf1: {  	[sflag:s8] =	ssyncadd.s32 $0xFFFFFF80  }
0xf2: {  	[tilespmem:s9], [sflag:$0x1] =	stream.indirect.gather [hbm4b:s17+s6], $0x80, s0, s6, $0xb8;
	[tilespmem:$0x1C200] =	vst v63  }
0xf3: {  	_ =	swait.ge [sflag:s10], $0x4000  }
0xf4: {  	[sflag:s10] =	ssyncset.done $0x0  }
0xf5: {  	[sflag:s10] =	ssyncadd.s32 $0xFFFFC000  }
0xf6: {  	[spmem:s1] =	stream.indirect.scatter.add.f32 [tilespmem:s7], [sflag:$0x4], $0x80, s31, s6, $0xb8;
	[tilespmem:$0x1C200] =	vst v63  }
0xf7: {  	_ =	swait.ge [sflag:s29], $0x4000  }
0xf8: {  	[sflag:s29] =	ssyncset.done $0x0  }
0xf9: {  	[sflag:s29] =	ssyncadd.s32 $0xFFFFC000  }
0xfa: {  	_ =	swait.ge [sflag:s10], $0x4000  }
0xfb: {  	[sflag:s10] =	ssyncset.done $0x0  }
0xfc: {  	[sflag:s10] =	ssyncadd.s32 $0xFFFFC000  }
0xfd: {  	[spmem:s1] =	stream.indirect.scatter.add.f32 [tilespmem:s9], [sflag:$0x4], $0x80, s3, s6, $0xb8;
	[tilespmem:$0x1C200] =	vst v63  }
0xfe: {  	_ =	swait.ge [sflag:s29], $0x4000  }
0xff: {  	[sflag:s29] =	ssyncset.done $0x0  }
0x100: {  	s11 =	sadd.s32 $0x1, s11;
	[sflag:s29] =	ssyncadd.s32 $0xFFFFC000  }
0x101: {  	p0 =	sne.s32 s11, s23;
	[bflag:$0x0] =	sbarrier.arrive $0xFFFF  }
.Ltmp2:
0x102: {  	s19 =	rddreg [dreg:$0xd];
	(pc) =	sbr.rel @p0 .LBB2_1-.Ltmp2, $4  }
0x103: {  	[hbm:s19], [sflag:s20] =	dma.local [spmem:s12], $0x2800  }
0x104: {  	_ =	swait.ge [sflag:s29], $0x2800  }
0x105: {  	[sflag:s29] =	ssyncset.done $0x0  }
0x106: {  	[sflag:s29] =	ssyncadd.s32 $0xFFFFD800  }
0x107: {  	_ =	sfence.sel $0x180000  }
0x108: {  	[bflag:$0x0] =	sbarrier.arrive $0xFFFF  }
0x109: {  	_ =	strace $0x9000004D  }
0x10a: {  	s0 =	stileid.u32;
	[bflag:$0x2] =	sbarrier.arrive $0xFFFF  }
0x10b: {  	p0 =	sne.s32 s0, $0x0;
	s0 =	rddreg [dreg:$0x2]  }
0x10c: {  	s0 =	sadd.s32 @!p0 $0x100000, s0  }
0x10d: {  	[sflag:s0] =	ssyncadd.tile.s32 @!p0 $0x1;
	_ =	shalt  }
.Lfunc_end2:
_tile_overlayer_lowered:
.L_overlay_start_2:
0x10e: {  	(tag) =	ssettag $0x2  }
0x10f: {  	s0 =	rddreg [dreg:$0x0];
	s2 =	stileid.u32  }
0x110: {  	s1 =	rddreg [dreg:$0x1];
	p0 =	sne.s32 s2, $0x0  }
0x111: {  	s3 =	rddreg [dreg:$0x2];
	[bflag:$0x3] =	sbarrier.arrive $0xFFFF;
	s2 =	simm.s32 @!p0 $0x1C04  }
0x112: {  	[timem:s3], [sflag:s2] =	dma.local @!p0 [hbm:s0], s1  }
0x113: {  	s0 =	simm.s32 @!p0 $0x4  }
0x114: {  	_ =	swait.ge @!p0 [sflag:s0], s1  }
0x115: {  	s1 =	ssub.s32 @!p0 $0x0, s1;
	[sflag:s0] =	ssyncset.done @!p0 $0x0  }
0x116: {  	[sflag:s0] =	ssyncadd.s32 @!p0 s1  }
0x117: {  	[bflag:$0x3] =	sbarrier.arrive $0xFFFF  }
0x118: {  	_ =	shalt  }

// kernel: kernel.8.cloned.1.call-start
scs
__scs_entry_jumppad:
0x0: {  	(pc) =	sbr.rel $0x88, $3  }
0x1: {  	(tag) =	ssettag $0x0;
	lr =	simm.s32 $0x1  }
0x2: {  	[smem:$0x3F93] =	sst lr;
	_ =	strace $0xD0000000  }
0x3: {  	_ = 	snop  }
0x4: {  	_ = 	snop  }
0x5: {  	_ = 	snop  }
0x6: {  	_ = 	snop  }
0x7: {  	_ = 	snop  }
__scs_overlays_trampoline_lowered:
0x8: {  	[smem:$0x3FA2] =	sst s0  }
0x9: {  	[smem:$0x3FA3] =	sst s1  }
0xa: {  	[smem:$0x3FA4] =	sst s2  }
0xb: {  	[smem:$0x3FA5] =	sst s3  }
0xc: {  	[smem:$0x3FA6] =	sst s4  }
0xd: {  	[smem:$0x3FA7] =	sst s5  }
0xe: {  	[smem:$0x3FA8] =	sst s6  }
0xf: {  	[smem:$0x3FA9] =	sst s7  }
0x10: {  	[smem:$0x3FAA] =	sst s8  }
0x11: {  	[smem:$0x3FAB] =	sst s9;
	s0 =	simm.s32 @!p0 $0x0  }
0x12: {  	s1 =	sld [smem:$0x3F91];
	s0 =	simm.s32 @p0 $0x1  }
0x13: {  	[smem:$0x3FAC] =	sst s0;
	s0 =	simm.s32 @!p1 $0x0  }
0x14: {  	s2 =	sld [smem:$0x3F90];
	s0 =	simm.s32 @p1 $0x1  }
0x15: {  	[smem:$0x3FAD] =	sst s0;
	s0 =	simm.s32 @!p2 $0x0  }
0x16: {  	s3 =	sld [smem:$0x3FDB];
	s0 =	simm.s32 @p2 $0x1  }
0x17: {  	s4 =	simm.s32 $0x1BF5;
	[smem:$0x3FAF] =	sst s0  }
0x18: {  	s0 =	sld [smem:$0x3F92];
	_ =	swait.ge [sflag:s4], $0x0  }
0x19: {  	s7 =	sld [smem:$0x3F93]  }
0x1a: {  	s8 =	sadd.s32 $0xFFFFE003, lr  }
0x1b: {  	s9 =	sadd.s32 $0xFFFFFEF7, lr;
	s5 =	simm.s32 $0xFFFFFFFF;
	p2 =	slt.u32 s8, $0xFFFFF086  }
0x1c: {  	p1 =	slt.u32 s9, $0xF7A;
	s5 =	simm.s32 @!p2 $0x0  }
0x1d: {  	s5 =	simm.s32 @p1 $0x1;
	p0 =	seq.s32 s7, s2  }
0x1e: {  	s7 =	smul.u32 @!p0 $0xF7A, s2;
	p2 =	seq.s32 @!p0 s5, $0x0  }
0x1f: {  	s9 =	smul.u32 $0xF7A, s1;
	s8 =	simm.s32 @!p0 $0x1BF5;
	p2 =	por !p2, p0  }
0x20: {  	[sflag:s8] =	ssyncset.s32 @!p0 $0xFFFFF086;
	s6 =	sadd.s32 @!p0 s3, s7;
	s7 =	simm.s32 @!p0 $0x108  }
0x21: {  	s3 =	sadd.s32 s3, s9;
	s6 =	sadd.s32 @!p0 $0x88, s6;
	s7 =	simm.s32 @p2 $0x1082  }
0x22: {  	[simem:s7], [sflag:s8] =	dma.local @!p0 [hbm:s6], $0xF7A  }
0x23: {  	s9 =	sor.u32 $0xD0000000, s2;
	s6 =	simm.s32 $0x108;
	_ =	swait.ge @!p0 [sflag:s8], $0x0  }
0x24: {  	s3 =	sadd.s32 $0x88, s3;
	s6 =	simm.s32 @!p1 $0x1082;
	[sflag:s4] =	ssyncset.s32 $0xFFFFF086  }
0x25: {  	[simem:s6], [sflag:s4] =	dma.local [hbm:s3], $0xF7A  }
0x26: {  	[smem:$0x3F93] =	sst s1;
	(tag) =	ssettag s2;
	_ =	strace s9  }
0x27: {  	s1 =	sld [smem:$0x3FA3]  }
0x28: {  	s2 =	sld [smem:$0x3FA4]  }
0x29: {  	s4 =	sld [smem:$0x3FA6]  }
0x2a: {  	p0 =	seq.s32 s5, $0x0;
	s5 =	sld [smem:$0x3FA7]  }
0x2b: {  	s6 =	sld [smem:$0x3FA8]  }
0x2c: {  	s7 =	sld [smem:$0x3FA9]  }
0x2d: {  	s3 =	simm.s32 $0x108;
	s8 =	sld [smem:$0x3FAA]  }
0x2e: {  	s3 =	simm.s32 @!p0 $0x1082;
	s9 =	sld [smem:$0x3FAB]  }
0x2f: {  	lr =	sadd.s32 s0, s3;
	s0 =	sld [smem:$0x3FA2]  }
0x30: {  	s3 =	sld [smem:$0x3FA5]  }
0x31: {  	[smem:$0x3FAE] =	sst s10  }
0x32: {  	s10 =	sld [smem:$0x3FAC];
	_ =	sdelay $0x3  }
0x33: {  	p0 =	seq.s32 s10, $0x1;
	s10 =	sld [smem:$0x3FAE];
	_ =	sdelay $0x3  }
0x34: {  	[smem:$0x3FAE] =	sst s10  }
0x35: {  	s10 =	sld [smem:$0x3FAD];
	_ =	sdelay $0x3  }
0x36: {  	p1 =	seq.s32 s10, $0x1;
	s10 =	sld [smem:$0x3FAE];
	_ =	sdelay $0x3  }
0x37: {  	[smem:$0x3FAE] =	sst s10  }
0x38: {  	s10 =	sld [smem:$0x3FAF]  }
0x39: {  	_ = 	snop;
	(pc) =	sbr.ind lr, $3  }
0x3a: {  	_ = 	snop  }
0x3b: {  	_ = 	snop  }
0x3c: {  	p2 =	seq.s32 s10, $0x1;
	s10 =	sld [smem:$0x3FAE]  }
0x3d: {  	_ =	shalt  }
0x3e: {  	_ =	shalt  }
0x3f: {  	_ =	shalt  }
0x40: {  	_ =	shalt  }
0x41: {  	_ =	shalt  }
0x42: {  	_ =	shalt  }
0x43: {  	_ =	shalt  }
0x44: {  	_ =	shalt  }
0x45: {  	_ =	shalt  }
0x46: {  	_ =	shalt  }
0x47: {  	_ =	shalt  }
0x48: {  	_ =	shalt  }
0x49: {  	_ =	shalt  }
0x4a: {  	_ =	shalt  }
0x4b: {  	_ =	shalt  }
0x4c: {  	_ =	shalt  }
0x4d: {  	_ =	shalt  }
0x4e: {  	_ =	shalt  }
0x4f: {  	_ =	shalt  }
0x50: {  	_ =	shalt  }
0x51: {  	_ =	shalt  }
0x52: {  	_ =	shalt  }
0x53: {  	_ =	shalt  }
0x54: {  	_ =	shalt  }
0x55: {  	_ =	shalt  }
0x56: {  	_ =	shalt  }
0x57: {  	_ =	shalt  }
0x58: {  	_ =	shalt  }
0x59: {  	_ =	shalt  }
0x5a: {  	_ =	shalt  }
0x5b: {  	_ =	shalt  }
0x5c: {  	_ =	shalt  }
0x5d: {  	_ =	shalt  }
0x5e: {  	_ =	shalt  }
0x5f: {  	_ =	shalt  }
0x60: {  	_ =	shalt  }
0x61: {  	_ =	shalt  }
0x62: {  	_ =	shalt  }
0x63: {  	_ =	shalt  }
0x64: {  	_ =	shalt  }
0x65: {  	_ =	shalt  }
0x66: {  	_ =	shalt  }
0x67: {  	_ =	shalt  }
0x68: {  	_ =	shalt  }
0x69: {  	_ =	shalt  }
0x6a: {  	_ =	shalt  }
0x6b: {  	_ =	shalt  }
0x6c: {  	_ =	shalt  }
0x6d: {  	_ =	shalt  }
0x6e: {  	_ =	shalt  }
0x6f: {  	_ =	shalt  }
0x70: {  	_ =	shalt  }
0x71: {  	_ =	shalt  }
0x72: {  	_ =	shalt  }
0x73: {  	_ =	shalt  }
0x74: {  	_ =	shalt  }
0x75: {  	_ =	shalt  }
0x76: {  	_ =	shalt  }
0x77: {  	_ =	shalt  }
0x78: {  	_ =	shalt  }
0x79: {  	_ =	shalt  }
0x7a: {  	_ =	shalt  }
0x7b: {  	_ =	shalt  }
0x7c: {  	_ =	shalt  }
0x7d: {  	_ =	shalt  }
0x7e: {  	_ =	shalt  }
0x7f: {  	_ =	shalt  }
0x80: {  	_ =	shalt  }
0x81: {  	_ =	shalt  }
0x82: {  	_ =	shalt  }
0x83: {  	_ =	shalt  }
0x84: {  	_ =	shalt  }
0x85: {  	_ =	shalt  }
0x86: {  	_ =	shalt  }
0x87: {  	_ =	shalt  }
.Lfunc_end0:
.L_simem_size_0:
called_computation_lowered:
.L_overlay_start_0:
0x88: {  	s2 =	sld [smem:$0x3FD9]  }
0x89: {  	s3 =	sld [smem:$0x3FFE];
	_ =	sdelay $0x1  }
0x8a: {  	s1 =	srdreg.scid  }
0x8b: {  	s0 =	sand.u32 $0x1, s1  }
0x8c: {  	s17 =	sshll.u32 s0, $0xA;
	s2 =	sadd.s32 s3, s2  }
0x8d: {  	s2 =	sadd.s32 s2, s17  }
0x8e: {  	[smem:$0x3FBA] =	sst s2  }
0x8f: {  	_ = 	snop  }
0x90: {  	s2 =	sld [smem:$0x3FD0];
	(tm) =	ssettm $0x1  }
0x91: {  	s18 =	sld [smem:$0x3FFB];
	_ =	sdelay $0x3  }
0x92: {  	_ =	strace s18  }
0x93: {  	s3 =	sld [smem:$0x3FFC];
	_ =	sdelay $0x3  }
0x94: {  	_ =	strace s3  }
0x95: {  	s3 =	sld [smem:$0x3FFD];
	_ =	sdelay $0x3  }
0x96: {  	_ =	strace s3  }
0x97: {  	_ =	strace $0x8FFFFFFF  }
0x98: {  	s19 =	sld [smem:$0x3FDB];
	_ =	sdelay $0x1  }
0x99: {  	s4 =	simm.s32 $_scs_section_size  }
0x9a: {  	s5 =	simm.s32 $_size__tile_overlayer_lowered;
	s6 =	simm.s32 $_tile_overlayer_lowered  }
0x9b: {  	s22 =	simm.s32 $0x1BFF;
	s21 =	sshll.u32 s6, $0x1;
	s3 =	sadd.s32 s4, s19  }
0x9c: {  	s7 =	simm.s32 $0x0;
	s20 =	sshll.u32 s5, $0x1;
	s5 =	sadd.s32 s21, s3  }
0x9d: {  	[timem:s7], [sflag:s22] =	dma.local [hbm:s5], s20  }
0x9e: {  	_ =	swait.ge [sflag:s22], s20  }
0x9f: {  	s4 =	ssub.s32 $0x0, s20;
	[sflag:s22] =	ssyncset.done $0x0  }
0xa0: {  	[sflag:s22] =	ssyncadd.s32 s4;
	_ =	sdelay $0x1  }
0xa1: {  	s23 =	simm.s32 $0x1B8B  }
0xa2: {  	_ =	swait.ge [sflag:s23], $0x1  }
0xa3: {  	[sflag:s23] =	ssyncset.done $0x0  }
0xa4: {  	s25 =	simm.s32 $0x1B8E;
	s24 =	sld [smem:$0x3FFE];
	[sflag:s23] =	ssyncadd.s32 $0xFFFFFFFF  }
0xa5: {  	s26 =	simm.s32 $execute0_lowered;
	[smem:$0x3FD2] =	sst s25  }
0xa6: {  	s5 =	sshll.u32 s26, $0x1;
	_ =	strace $0x80000046;
	[dreg:$0x1] =	wrdreg $0xFFFFFFFF  }
0xa7: {  	s28 =	simm.s32 $_size_execute0_lowered;
	s3 =	sadd.s32 s3, s5;
	[dreg:$0x0] =	wrdreg $0x0  }
0xa8: {  	s5 =	sshll.u32 s28, $0x1;
	[dreg:$0x2] =	wrdreg s3  }
0xa9: {  	[dreg:$0x3] =	wrdreg s5  }
0xaa: {  	[dreg:$0x4] =	wrdreg $0xC0  }
0xab: {  	_ =	task [dreg:s7], $0x5FFFF  }
0xac: {  	[dreg:$0x1] =	wrdreg $0xFFFFFFFF  }
0xad: {  	[dreg:$0x0] =	wrdreg $0x60  }
0xae: {  	[dreg:$0x2] =	wrdreg s24  }
0xaf: {  	[dreg:$0x3] =	wrdreg s2  }
0xb0: {  	[dreg:$0x4] =	wrdreg $0x0  }
0xb1: {  	[dreg:$0x5] =	wrdreg $0x9  }
0xb2: {  	_ =	task.clear_ibuf [dreg:s7], $0x6FFFF;
	_ =	strace $0x90000046  }
0xb3: {  	s29 =	simm.s32 $0x9;
	_ =	strace $0x80000048  }
0xb4: {  	_ =	swait.ge [sflag:s29], $0x1  }
0xb5: {  	[sflag:s29] =	ssyncadd.s32 $0xFFFFFFFF  }
0xb6: {  	_ =	strace $0x90000048  }
0xb7: {  	_ =	sfence  }
0xb8: {  	s30 =	sld [smem:$0x0];
	_ =	sdelay $0x2  }
0xb9: {  	s31 =	sshll.u32 s1, $0xD;
	s1 =	sshrl.u32 s1, $0x2  }
0xba: {  	s3 =	sand.u32 $0x4000, s31;
	s1 =	sadd.s32 s1, s30  }
0xbb: {  	s0 =	sor.u32 s3, s0;
	s1 =	sshll.u32 s1, $0x11  }
0xbc: {  	s0 =	sor.u32 s1, s0  }
0xbd: {  	s0 =	sadd.s32 $0x8F2B, s0  }
0xbe: {  	[sflag:s0] =	ssyncadd.remote.s32 $0x1  }
0xbf: {  	_ =	sfence.sel $0xFFFF  }
0xc0: {  	[dreg:$0x0] =	wrdreg $0xFFFFFFFF;
	(pc) =	sbr.abs _section_cstart, $3  }
0xc1: {  	[dreg:$0x1] =	wrdreg $0xFFFFFFFF  }
0xc2: {  	_ =	task.clear_ibuf [dreg:s7], $0x2FFFF;
	_ =	strace $0x9FFFFFFF  }
0xc3: {  	(tm) =	ssettm $0x7FFFFFFF  }
tec
execute0_lowered:
.L_overlay_start_1:
0x0: {  	(tag) =	ssettag $0x1  }
0x1: {  	s6 =	rddreg [dreg:$0x0]  }
0x2: {  	s1 =	rddreg [dreg:$0x1];
	s0 =	stileid.u32  }
0x3: {  	s2 =	srdreg.scid;
	s3 =	rddreg [dreg:$0x2];
	s4 =	simm.s32 $0x0  }
0x4: {  	s13 =	simm.s32 $0x14000;
	s14 =	simm.s32 $0x1;
	s17 =	simm.s32 $0x18000  }
0x5: {  	s18 =	simm.s32 $0x18080;
	s19 =	simm.s32 $0x80;
	s5 =	smul.u32 $0xA00, s0  }
0x6: {  	s7 =	sand.u32 $0x1, s2;
	s8 =	smul.u32 $0x280, s0;
	s2 =	rddreg [dreg:$0x3]  }
0x7: {  	s20 =	simm.s32 $0x0;
	[smem:$0x7FF] =	sst s4;
	s11 =	smul.u32 $0x50000, s0  }
0x8: {  	s15 =	sshll.u32 s0, $0x6;
	s9 =	smul.u32 $0x7800, s7;
	_ =	strace $0x80000047  }
0x9: {  	s28 =	ssub.s32 $0x2, s7;
	s31 =	smul.u32 $0x500, s7;
	s15 =	sor.u32 $0x1C01, s15  }
0xa: {  	s10 =	sadd.s32 s5, s6;
	s5 =	sadd.s32 $0x3DC00, s6;
	s29 =	sshrl.u32 s28, $0x1  }
0xb: {  	s30 =	sshrl.u32 s11, $0x2;
	s26 =	sadd.s32 s8, s9;
	s9 =	ssub.s32 s28, s29  }
0xc: {  	s16 =	sadd.s32 s30, s3;
	s12 =	sadd.s32 s31, s10;
	s8 =	sshll.u32 s26, $0x4  }
0xd: {  	s9 =	smax.u32 s9, $0x1;
	s10 =	sadd.s32 $0x1FC00, s12;
	s11 =	sadd.s32 $0x15C00, s12  }
0xe: {  	s12 =	sadd.s32 $0x1C00, s12;
	s16 =	sshrl.u32 s16, $0x3;
	s8 =	sadd.s32 s8, s6  }
0xf: {  	s6 =	sadd.s32 $0x40400, s8;
	s7 =	sadd.s32 $0x68400, s8;
	s8 =	sadd.s32 $0x90400, s8  }
.LBB2_1:
0x10: {  	[tilespmem:s13], [sflag:$0x1] =	stream.linear.gather [hbm4b:s1+s4], $0x4000, $0x38;
	[tilespmem:$0x18100] =	vst v63  }
0x11: {  	_ =	swait.ge [sflag:s14], $0x4000  }
0x12: {  	[sflag:s14] =	ssyncset.done $0x0  }
0x13: {  	[sflag:s14] =	ssyncadd.s32 $0xFFFFC000  }
0x14: {  	[spmem:s16], [sflag:s15] =	dma.local [hbm:s5], $0x2800  }
0x15: {  	_ =	swait.ge [sflag:s14], $0x2800  }
0x16: {  	[sflag:s14] =	ssyncset.done $0x0  }
0x17: {  	[sflag:s14] =	ssyncadd.s32 $0xFFFFD800  }
0x18: {  	s21 =	sadd.s32 $0x0, s10;
	[bflag:$0x0] =	sbarrier.arrive $0xFFFF  }
0x19: {  	[tilespmem:s17], [sflag:$0x1] =	stream.linear.gather [hbm4b:s21+s4], $0x80, $0x38;
	[tilespmem:$0x18100] =	vst v63  }
0x1a: {  	_ =	swait.ge [sflag:s14], $0x80  }
0x1b: {  	[sflag:s14] =	ssyncset.done $0x0  }
0x1c: {  	s21 =	sadd.s32 $0x10, s21;
	[sflag:s14] =	ssyncadd.s32 $0xFFFFFF80  }
0x1d: {  	[tilespmem:s18], [sflag:$0x1] =	stream.linear.gather [hbm4b:s21+s4], $0x80, $0x38;
	[tilespmem:$0x18100] =	vst v63  }
0x1e: {  	_ =	swait.ge [sflag:s14], $0x80  }
0x1f: {  	[sflag:s14] =	ssyncset.done $0x0  }
0x20: {  	[sflag:s14] =	ssyncadd.s32 $0xFFFFFF80  }
0x21: {  	[spmem:s3] =	stream.indirect.scatter.add.f32 [tilespmem:s13], [sflag:$0x1], $0x80, s17, s19, $0xb8;
	[tilespmem:$0x18100] =	vst v63  }
0x22: {  	_ =	swait.ge [sflag:s14], $0x4000  }
0x23: {  	[sflag:s14] =	ssyncset.done $0x0  }
0x24: {  	[sflag:s14] =	ssyncadd.s32 $0xFFFFC000  }
0x25: {  	[spmem:s3] =	stream.indirect.scatter.add.f32 [tilespmem:s13], [sflag:$0x1], $0x80, s18, s19, $0xb8;
	[tilespmem:$0x18100] =	vst v63  }
0x26: {  	_ =	swait.ge [sflag:s14], $0x4000  }
0x27: {  	s22 =	simm.s32 $0x40;
	s21 =	simm.s32 $0x20;
	[sflag:s14] =	ssyncset.done $0x0  }
.LBB2_2:
0x28: {  	s23 =	sadd.s32 s21, s10  }
0x29: {  	[sflag:s14] =	ssyncadd.s32 $0xFFFFC000;
	s21 =	smov.u32 s22;
	s24 =	sadd.s32 $0x20, s22  }
0x2a: {  	[tilespmem:s17], [sflag:$0x1] =	stream.linear.gather [hbm4b:s23+s4], $0x80, $0x38;
	[tilespmem:$0x18100] =	vst v63  }
0x2b: {  	p0 =	sne.s32 s22, $0x4E0;
	_ =	swait.ge [sflag:s14], $0x80  }
0x2c: {  	[sflag:s14] =	ssyncset.done $0x0  }
0x2d: {  	s22 =	sadd.s32 $0x10, s23;
	[sflag:s14] =	ssyncadd.s32 $0xFFFFFF80  }
0x2e: {  	[tilespmem:s18], [sflag:$0x1] =	stream.linear.gather [hbm4b:s22+s4], $0x80, $0x38;
	[tilespmem:$0x18100] =	vst v63  }
0x2f: {  	_ =	swait.ge [sflag:s14], $0x80  }
0x30: {  	[sflag:s14] =	ssyncset.done $0x0  }
0x31: {  	[sflag:s14] =	ssyncadd.s32 $0xFFFFFF80  }
0x32: {  	[spmem:s3] =	stream.indirect.scatter.add.f32 [tilespmem:s13], [sflag:$0x1], $0x80, s17, s19, $0xb8;
	[tilespmem:$0x18100] =	vst v63  }
0x33: {  	_ =	swait.ge [sflag:s14], $0x4000  }
.Ltmp0:
0x34: {  	[sflag:s14] =	ssyncset.done $0x0;
	(pc) =	sbr.rel @p0 .LBB2_2-.Ltmp0, $4  }
0x35: {  	[sflag:s14] =	ssyncadd.s32 $0xFFFFC000  }
0x36: {  	[spmem:s3] =	stream.indirect.scatter.add.f32 [tilespmem:s13], [sflag:$0x1], $0x80, s18, s19, $0xb8;
	[tilespmem:$0x18100] =	vst v63  }
0x37: {  	_ =	swait.ge [sflag:s14], $0x4000  }
0x38: {  	s22 =	smov.u32 s24;
	[sflag:s14] =	ssyncset.done $0x0  }
0x39: {  	s21 =	sadd.s32 s21, s10;
	[sflag:s14] =	ssyncadd.s32 $0xFFFFC000  }
0x3a: {  	[tilespmem:s17], [sflag:$0x1] =	stream.linear.gather [hbm4b:s21+s4], $0x80, $0x38;
	[tilespmem:$0x18100] =	vst v63  }
0x3b: {  	_ =	swait.ge [sflag:s14], $0x80  }
0x3c: {  	[sflag:s14] =	ssyncset.done $0x0  }
0x3d: {  	s21 =	sadd.s32 $0x10, s21;
	[sflag:s14] =	ssyncadd.s32 $0xFFFFFF80  }
0x3e: {  	[tilespmem:s18], [sflag:$0x1] =	stream.linear.gather [hbm4b:s21+s4], $0x80, $0x38;
	[tilespmem:$0x18100] =	vst v63  }
0x3f: {  	_ =	swait.ge [sflag:s14], $0x80  }
0x40: {  	[sflag:s14] =	ssyncset.done $0x0  }
0x41: {  	[sflag:s14] =	ssyncadd.s32 $0xFFFFFF80  }
0x42: {  	[spmem:s3] =	stream.indirect.scatter.add.f32 [tilespmem:s13], [sflag:$0x1], $0x80, s17, s19, $0xb8;
	[tilespmem:$0x18100] =	vst v63  }
0x43: {  	_ =	swait.ge [sflag:s14], $0x4000  }
0x44: {  	[sflag:s14] =	ssyncset.done $0x0  }
0x45: {  	[sflag:s14] =	ssyncadd.s32 $0xFFFFC000  }
0x46: {  	[spmem:s3] =	stream.indirect.scatter.add.f32 [tilespmem:s13], [sflag:$0x1], $0x80, s18, s19, $0xb8;
	[tilespmem:$0x18100] =	vst v63  }
0x47: {  	_ =	swait.ge [sflag:s14], $0x4000  }
0x48: {  	[sflag:s14] =	ssyncset.done $0x0  }
0x49: {  	[sflag:s14] =	ssyncadd.s32 $0xFFFFC000  }
0x4a: {  	[bflag:$0x0] =	sbarrier.arrive $0xFFFF  }
0x4b: {  	[hbm:s6], [sflag:s15] =	dma.local [spmem:s16], $0x2800  }
0x4c: {  	_ =	swait.ge [sflag:s14], $0x2800  }
0x4d: {  	[sflag:s14] =	ssyncset.done $0x0  }
0x4e: {  	[sflag:s14] =	ssyncadd.s32 $0xFFFFD800  }
0x4f: {  	[bflag:$0x0] =	sbarrier.arrive $0xFFFF  }
0x50: {  	[spmem:s16], [sflag:s15] =	dma.local [hbm:s5], $0x2800  }
0x51: {  	_ =	swait.ge [sflag:s14], $0x2800  }
0x52: {  	[sflag:s14] =	ssyncset.done $0x0  }
0x53: {  	[sflag:s14] =	ssyncadd.s32 $0xFFFFD800  }
0x54: {  	s31 =	sadd.s32 $0x0, s11;
	[bflag:$0x0] =	sbarrier.arrive $0xFFFF  }
0x55: {  	[tilespmem:s17], [sflag:$0x1] =	stream.linear.gather [hbm4b:s31+s4], $0x80, $0x38;
	[tilespmem:$0x18100] =	vst v63  }
0x56: {  	_ =	swait.ge [sflag:s14], $0x80  }
0x57: {  	[sflag:s14] =	ssyncset.done $0x0  }
0x58: {  	s21 =	sadd.s32 $0x10, s31;
	[sflag:s14] =	ssyncadd.s32 $0xFFFFFF80  }
0x59: {  	[tilespmem:s18], [sflag:$0x1] =	stream.linear.gather [hbm4b:s21+s4], $0x80, $0x38;
	[tilespmem:$0x18100] =	vst v63  }
0x5a: {  	_ =	swait.ge [sflag:s14], $0x80  }
0x5b: {  	[sflag:s14] =	ssyncset.done $0x0  }
0x5c: {  	[sflag:s14] =	ssyncadd.s32 $0xFFFFFF80  }
0x5d: {  	[spmem:s3] =	stream.indirect.scatter.add.f32 [tilespmem:s13], [sflag:$0x1], $0x80, s17, s19, $0xb8;
	[tilespmem:$0x18100] =	vst v63  }
0x5e: {  	_ =	swait.ge [sflag:s14], $0x4000  }
0x5f: {  	[sflag:s14] =	ssyncset.done $0x0  }
0x60: {  	[sflag:s14] =	ssyncadd.s32 $0xFFFFC000  }
0x61: {  	[spmem:s3] =	stream.indirect.scatter.add.f32 [tilespmem:s13], [sflag:$0x1], $0x80, s18, s19, $0xb8;
	[tilespmem:$0x18100] =	vst v63  }
0x62: {  	_ =	swait.ge [sflag:s14], $0x4000  }
0x63: {  	s22 =	simm.s32 $0x40;
	s21 =	simm.s32 $0x20;
	[sflag:s14] =	ssyncset.done $0x0  }
.LBB2_4:
0x64: {  	s23 =	sadd.s32 s21, s11  }
0x65: {  	[sflag:s14] =	ssyncadd.s32 $0xFFFFC000;
	s21 =	smov.u32 s22;
	s24 =	sadd.s32 $0x20, s22  }
0x66: {  	[tilespmem:s17], [sflag:$0x1] =	stream.linear.gather [hbm4b:s23+s4], $0x80, $0x38;
	[tilespmem:$0x18100] =	vst v63  }
0x67: {  	p0 =	sne.s32 s22, $0x4E0;
	_ =	swait.ge [sflag:s14], $0x80  }
0x68: {  	[sflag:s14] =	ssyncset.done $0x0  }
0x69: {  	s22 =	sadd.s32 $0x10, s23;
	[sflag:s14] =	ssyncadd.s32 $0xFFFFFF80  }
0x6a: {  	[tilespmem:s18], [sflag:$0x1] =	stream.linear.gather [hbm4b:s22+s4], $0x80, $0x38;
	[tilespmem:$0x18100] =	vst v63  }
0x6b: {  	_ =	swait.ge [sflag:s14], $0x80  }
0x6c: {  	[sflag:s14] =	ssyncset.done $0x0  }
0x6d: {  	[sflag:s14] =	ssyncadd.s32 $0xFFFFFF80  }
0x6e: {  	[spmem:s3] =	stream.indirect.scatter.add.f32 [tilespmem:s13], [sflag:$0x1], $0x80, s17, s19, $0xb8;
	[tilespmem:$0x18100] =	vst v63  }
0x6f: {  	_ =	swait.ge [sflag:s14], $0x4000  }
.Ltmp1:
0x70: {  	[sflag:s14] =	ssyncset.done $0x0;
	(pc) =	sbr.rel @p0 .LBB2_4-.Ltmp1, $4  }
0x71: {  	[sflag:s14] =	ssyncadd.s32 $0xFFFFC000  }
0x72: {  	[spmem:s3] =	stream.indirect.scatter.add.f32 [tilespmem:s13], [sflag:$0x1], $0x80, s18, s19, $0xb8;
	[tilespmem:$0x18100] =	vst v63  }
0x73: {  	_ =	swait.ge [sflag:s14], $0x4000  }
0x74: {  	s22 =	smov.u32 s24;
	[sflag:s14] =	ssyncset.done $0x0  }
0x75: {  	s21 =	sadd.s32 s21, s11;
	[sflag:s14] =	ssyncadd.s32 $0xFFFFC000  }
0x76: {  	[tilespmem:s17], [sflag:$0x1] =	stream.linear.gather [hbm4b:s21+s4], $0x80, $0x38;
	[tilespmem:$0x18100] =	vst v63  }
0x77: {  	_ =	swait.ge [sflag:s14], $0x80  }
0x78: {  	[sflag:s14] =	ssyncset.done $0x0  }
0x79: {  	s21 =	sadd.s32 $0x10, s21;
	[sflag:s14] =	ssyncadd.s32 $0xFFFFFF80  }
0x7a: {  	[tilespmem:s18], [sflag:$0x1] =	stream.linear.gather [hbm4b:s21+s4], $0x80, $0x38;
	[tilespmem:$0x18100] =	vst v63  }
0x7b: {  	_ =	swait.ge [sflag:s14], $0x80  }
0x7c: {  	[sflag:s14] =	ssyncset.done $0x0  }
0x7d: {  	[sflag:s14] =	ssyncadd.s32 $0xFFFFFF80  }
0x7e: {  	[spmem:s3] =	stream.indirect.scatter.add.f32 [tilespmem:s13], [sflag:$0x1], $0x80, s17, s19, $0xb8;
	[tilespmem:$0x18100] =	vst v63  }
0x7f: {  	_ =	swait.ge [sflag:s14], $0x4000  }
0x80: {  	[sflag:s14] =	ssyncset.done $0x0  }
0x81: {  	[sflag:s14] =	ssyncadd.s32 $0xFFFFC000  }
0x82: {  	[spmem:s3] =	stream.indirect.scatter.add.f32 [tilespmem:s13], [sflag:$0x1], $0x80, s18, s19, $0xb8;
	[tilespmem:$0x18100] =	vst v63  }
0x83: {  	_ =	swait.ge [sflag:s14], $0x4000  }
0x84: {  	[sflag:s14] =	ssyncset.done $0x0  }
0x85: {  	[sflag:s14] =	ssyncadd.s32 $0xFFFFC000  }
0x86: {  	[bflag:$0x0] =	sbarrier.arrive $0xFFFF  }
0x87: {  	[hbm:s7], [sflag:s15] =	dma.local [spmem:s16], $0x2800  }
0x88: {  	_ =	swait.ge [sflag:s14], $0x2800  }
0x89: {  	[sflag:s14] =	ssyncset.done $0x0  }
0x8a: {  	[sflag:s14] =	ssyncadd.s32 $0xFFFFD800  }
0x8b: {  	[bflag:$0x0] =	sbarrier.arrive $0xFFFF  }
0x8c: {  	[spmem:s16], [sflag:s15] =	dma.local [hbm:s5], $0x2800  }
0x8d: {  	_ =	swait.ge [sflag:s14], $0x2800  }
0x8e: {  	[sflag:s14] =	ssyncset.done $0x0  }
0x8f: {  	[sflag:s14] =	ssyncadd.s32 $0xFFFFD800  }
0x90: {  	s31 =	sadd.s32 $0x0, s12;
	[bflag:$0x0] =	sbarrier.arrive $0xFFFF  }
0x91: {  	[tilespmem:s17], [sflag:$0x1] =	stream.linear.gather [hbm4b:s31+s4], $0x80, $0x38;
	[tilespmem:$0x18100] =	vst v63  }
0x92: {  	_ =	swait.ge [sflag:s14], $0x80  }
0x93: {  	[sflag:s14] =	ssyncset.done $0x0  }
0x94: {  	s21 =	sadd.s32 $0x10, s31;
	[sflag:s14] =	ssyncadd.s32 $0xFFFFFF80  }
0x95: {  	[tilespmem:s18], [sflag:$0x1] =	stream.linear.gather [hbm4b:s21+s4], $0x80, $0x38;
	[tilespmem:$0x18100] =	vst v63  }
0x96: {  	_ =	swait.ge [sflag:s14], $0x80  }
0x97: {  	[sflag:s14] =	ssyncset.done $0x0  }
0x98: {  	[sflag:s14] =	ssyncadd.s32 $0xFFFFFF80  }
0x99: {  	[spmem:s3] =	stream.indirect.scatter.add.f32 [tilespmem:s13], [sflag:$0x1], $0x80, s17, s19, $0xb8;
	[tilespmem:$0x18100] =	vst v63  }
0x9a: {  	_ =	swait.ge [sflag:s14], $0x4000  }
0x9b: {  	[sflag:s14] =	ssyncset.done $0x0  }
0x9c: {  	[sflag:s14] =	ssyncadd.s32 $0xFFFFC000  }
0x9d: {  	[spmem:s3] =	stream.indirect.scatter.add.f32 [tilespmem:s13], [sflag:$0x1], $0x80, s18, s19, $0xb8;
	[tilespmem:$0x18100] =	vst v63  }
0x9e: {  	_ =	swait.ge [sflag:s14], $0x4000  }
0x9f: {  	s22 =	simm.s32 $0x40;
	s21 =	simm.s32 $0x20;
	[sflag:s14] =	ssyncset.done $0x0  }
.LBB2_6:
0xa0: {  	s23 =	sadd.s32 s21, s12  }
0xa1: {  	[sflag:s14] =	ssyncadd.s32 $0xFFFFC000;
	s21 =	smov.u32 s22;
	s24 =	sadd.s32 $0x20, s22  }
0xa2: {  	[tilespmem:s17], [sflag:$0x1] =	stream.linear.gather [hbm4b:s23+s4], $0x80, $0x38;
	[tilespmem:$0x18100] =	vst v63  }
0xa3: {  	p0 =	sne.s32 s22, $0x4E0;
	_ =	swait.ge [sflag:s14], $0x80  }
0xa4: {  	[sflag:s14] =	ssyncset.done $0x0  }
0xa5: {  	s22 =	sadd.s32 $0x10, s23;
	[sflag:s14] =	ssyncadd.s32 $0xFFFFFF80  }
0xa6: {  	[tilespmem:s18], [sflag:$0x1] =	stream.linear.gather [hbm4b:s22+s4], $0x80, $0x38;
	[tilespmem:$0x18100] =	vst v63  }
0xa7: {  	_ =	swait.ge [sflag:s14], $0x80  }
0xa8: {  	[sflag:s14] =	ssyncset.done $0x0  }
0xa9: {  	[sflag:s14] =	ssyncadd.s32 $0xFFFFFF80  }
0xaa: {  	[spmem:s3] =	stream.indirect.scatter.add.f32 [tilespmem:s13], [sflag:$0x1], $0x80, s17, s19, $0xb8;
	[tilespmem:$0x18100] =	vst v63  }
0xab: {  	_ =	swait.ge [sflag:s14], $0x4000  }
.Ltmp2:
0xac: {  	[sflag:s14] =	ssyncset.done $0x0;
	(pc) =	sbr.rel @p0 .LBB2_6-.Ltmp2, $4  }
0xad: {  	[sflag:s14] =	ssyncadd.s32 $0xFFFFC000  }
0xae: {  	[spmem:s3] =	stream.indirect.scatter.add.f32 [tilespmem:s13], [sflag:$0x1], $0x80, s18, s19, $0xb8;
	[tilespmem:$0x18100] =	vst v63  }
0xaf: {  	_ =	swait.ge [sflag:s14], $0x4000  }
0xb0: {  	s22 =	smov.u32 s24;
	[sflag:s14] =	ssyncset.done $0x0  }
0xb1: {  	s21 =	sadd.s32 s21, s12;
	[sflag:s14] =	ssyncadd.s32 $0xFFFFC000  }
0xb2: {  	[tilespmem:s17], [sflag:$0x1] =	stream.linear.gather [hbm4b:s21+s4], $0x80, $0x38;
	[tilespmem:$0x18100] =	vst v63  }
0xb3: {  	_ =	swait.ge [sflag:s14], $0x80  }
0xb4: {  	[sflag:s14] =	ssyncset.done $0x0  }
0xb5: {  	s21 =	sadd.s32 $0x10, s21;
	[sflag:s14] =	ssyncadd.s32 $0xFFFFFF80  }
0xb6: {  	[tilespmem:s18], [sflag:$0x1] =	stream.linear.gather [hbm4b:s21+s4], $0x80, $0x38;
	[tilespmem:$0x18100] =	vst v63  }
0xb7: {  	_ =	swait.ge [sflag:s14], $0x80  }
0xb8: {  	[sflag:s14] =	ssyncset.done $0x0  }
0xb9: {  	[sflag:s14] =	ssyncadd.s32 $0xFFFFFF80  }
0xba: {  	[spmem:s3] =	stream.indirect.scatter.add.f32 [tilespmem:s13], [sflag:$0x1], $0x80, s17, s19, $0xb8;
	[tilespmem:$0x18100] =	vst v63  }
0xbb: {  	_ =	swait.ge [sflag:s14], $0x4000  }
0xbc: {  	[sflag:s14] =	ssyncset.done $0x0  }
0xbd: {  	[sflag:s14] =	ssyncadd.s32 $0xFFFFC000  }
0xbe: {  	[spmem:s3] =	stream.indirect.scatter.add.f32 [tilespmem:s13], [sflag:$0x1], $0x80, s18, s19, $0xb8;
	[tilespmem:$0x18100] =	vst v63  }
0xbf: {  	_ =	swait.ge [sflag:s14], $0x4000  }
0xc0: {  	s20 =	sadd.s32 $0x1, s20;
	[sflag:s14] =	ssyncset.done $0x0  }
0xc1: {  	p0 =	sne.s32 s20, s9;
	[sflag:s14] =	ssyncadd.s32 $0xFFFFC000  }
.Ltmp3:
0xc2: {  	[bflag:$0x0] =	sbarrier.arrive $0xFFFF;
	(pc) =	sbr.rel @p0 .LBB2_1-.Ltmp3, $4  }
0xc3: {  	[hbm:s8], [sflag:s15] =	dma.local [spmem:s16], $0x2800  }
0xc4: {  	_ =	swait.ge [sflag:s14], $0x2800  }
0xc5: {  	[sflag:s14] =	ssyncset.done $0x0  }
0xc6: {  	[sflag:s14] =	ssyncadd.s32 $0xFFFFD800  }
0xc7: {  	_ =	sfence.sel $0x180000  }
0xc8: {  	[bflag:$0x0] =	sbarrier.arrive $0xFFFF  }
0xc9: {  	p0 =	sne.s32 s0, $0x0;
	_ =	strace $0x90000047  }
0xca: {  	s0 =	sadd.s32 @!p0 $0x100000, s2;
	[bflag:$0x2] =	sbarrier.arrive $0xFFFF  }
0xcb: {  	[sflag:s0] =	ssyncadd.tile.s32 @!p0 $0x1;
	_ =	shalt  }
.Lfunc_end2:
_tile_overlayer_lowered:
.L_overlay_start_2:
0xcc: {  	(tag) =	ssettag $0x2  }
0xcd: {  	s0 =	rddreg [dreg:$0x0];
	s2 =	stileid.u32  }
0xce: {  	s1 =	rddreg [dreg:$0x1];
	p0 =	sne.s32 s2, $0x0  }
0xcf: {  	s3 =	rddreg [dreg:$0x2];
	[bflag:$0x3] =	sbarrier.arrive $0xFFFF;
	s2 =	simm.s32 @!p0 $0x1C01  }
0xd0: {  	[timem:s3], [sflag:s2] =	dma.local @!p0 [hbm:s0], s1  }
0xd1: {  	s0 =	simm.s32 @!p0 $0x1  }
0xd2: {  	_ =	swait.ge @!p0 [sflag:s0], s1  }
0xd3: {  	s1 =	ssub.s32 @!p0 $0x0, s1;
	[sflag:s0] =	ssyncset.done @!p0 $0x0  }
0xd4: {  	[sflag:s0] =	ssyncadd.s32 @!p0 s1  }
0xd5: {  	[bflag:$0x3] =	sbarrier.arrive $0xFFFF  }
0xd6: {  	_ =	shalt  }

</sc_bundles>
